<compile_context>
chip_gen: v7x
topology: tpu7x:2x2x1
jax: 0.10.2.dev20260603
libtpu: 0.0.44.dev20260713+nightly
codegen_flags: <defaults>
</compile_context>

<pallas_src>
import jax
import jax.numpy as jnp
from jax import lax
from jax.experimental import pallas as pl
from jax.experimental.pallas import tpu as pltpu
from jax.experimental.pallas import tpu_sc as plsc

N = 10000
E = 320000
D_IN = 128
D_HID = 128
D_OUT = 64

_NC = 2
_NS = 16
_EPT = E // _NS
_CHUNK = 100
_NCHUNK = _EPT // _CHUNK
_NBUF = 4
_DH = D_HID // _NC
_RPT = 624
_TAIL = N - _NS * _RPT
_ZROWS = 104
_DEGW = 16

_mesh = plsc.VectorSubcoreMesh(core_axis_name="c", subcore_axis_name="s")


def _build_sc_agg(with_deg):
    out_type = [jax.ShapeDtypeStruct((_NC, N, _DH), jnp.float32)]
    scratch = [
        pltpu.VMEM((_NCHUNK, _CHUNK), jnp.int32),
        pltpu.VMEM((_NCHUNK, _CHUNK), jnp.int32),
        pltpu.VMEM((_ZROWS, _DH), jnp.float32),
        pltpu.VMEM_SHARED((N, _DH), jnp.float32),
    ] + [pltpu.VMEM((_CHUNK, _DH), jnp.float32) for _ in range(_NBUF)] + [
        pltpu.SemaphoreType.DMA for _ in range(_NBUF)]
    if with_deg:
        out_type.append(jax.ShapeDtypeStruct((_NC, N, _DEGW), jnp.float32))
        scratch += [
            pltpu.VMEM((_CHUNK, _DEGW), jnp.float32),
            pltpu.VMEM((_ZROWS, _DEGW), jnp.float32),
            pltpu.VMEM_SHARED((N, _DEGW), jnp.float32),
        ]

    def body(m_lo, m_hi, src_hbm, dst_hbm, *refs):
        if with_deg:
            (agg_hbm, deg_hbm, src_v, dst_v, zbuf, acc_sh,
             *ring, ones_v, zdeg, deg_sh) = refs
        else:
            (agg_hbm, src_v, dst_v, zbuf, acc_sh, *ring) = refs
        slots = tuple(zip(ring[:_NBUF], ring[_NBUF:2 * _NBUF]))

        cid = lax.axis_index("c")
        sid = lax.axis_index("s")

        pltpu.sync_copy(src_hbm.at[sid], src_v)
        pltpu.sync_copy(dst_hbm.at[sid], dst_v)

        zv = jnp.zeros((16,), jnp.float32)

        @pl.loop(0, _ZROWS)
        def _zfill(i):
            for c in range(_DH // 16):
                zbuf[i, pl.ds(c * 16, 16)] = zv

        base = sid * _RPT
        for t in range(_RPT // _ZROWS):
            pltpu.sync_copy(
                zbuf, acc_sh.at[pl.ds(base + t * _ZROWS, _ZROWS)])

        @pl.when(sid == 0)
        def _ztail():
            pltpu.sync_copy(zbuf.at[pl.ds(0, _TAIL)],
                            acc_sh.at[pl.ds(_NS * _RPT, _TAIL)])

        if with_deg:
            @pl.loop(0, _ZROWS)
            def _zdfill(i):
                zdeg[i, :] = zv

            for t in range(_RPT // _ZROWS):
                pltpu.sync_copy(
                    zdeg, deg_sh.at[pl.ds(base + t * _ZROWS, _ZROWS)])

            @pl.when(sid == 0)
            def _zdtail():
                pltpu.sync_copy(zdeg.at[pl.ds(0, _TAIL)],
                                deg_sh.at[pl.ds(_NS * _RPT, _TAIL)])

            ov = jnp.full((16,), 1.0, jnp.float32)

            @pl.loop(0, _CHUNK)
            def _ofill(i):
                ones_v[i, :] = ov

        plsc.subcore_barrier()

        for m_ref, mine in ((m_lo, 0), (m_hi, 1)):
            cnt_lo = 0 if mine == 0 else _NCHUNK // 2
            cnt_hi = _NCHUNK // 2 if mine == 0 else _NCHUNK

            @pl.when(cid == mine)
            def _run():
                for k, (rows, gsem) in enumerate(slots):
                    pltpu.async_copy(m_ref.at[src_v.at[k]], rows, gsem)

                @pl.loop(0, _NCHUNK, step=_NBUF)
                def _chunks(g):
                    for b, (rows, gsem) in enumerate(slots):
                        j = g + b
                        pltpu.make_async_copy(
                            m_ref.at[src_v.at[j]], rows, gsem).wait()
                        pltpu.sync_copy(rows, acc_sh.at[dst_v.at[j]],
                                        add=True)
                        if with_deg:
                            @pl.when((j >= cnt_lo) & (j < cnt_hi))
                            def _count():
                                pltpu.sync_copy(
                                    ones_v, deg_sh.at[dst_v.at[j]],
                                    add=True)

                        @pl.when(j + _NBUF < _NCHUNK)
                        def _():
                            pltpu.async_copy(m_ref.at[src_v.at[j + _NBUF]],
                                             rows, gsem)

        plsc.subcore_barrier()

        pltpu.sync_copy(acc_sh.at[pl.ds(base, _RPT)],
                        agg_hbm.at[cid, pl.ds(base, _RPT)])

        @pl.when(sid == 0)
        def _wtail():
            pltpu.sync_copy(acc_sh.at[pl.ds(_NS * _RPT, _TAIL)],
                            agg_hbm.at[cid, pl.ds(_NS * _RPT, _TAIL)])

        if with_deg:
            pltpu.sync_copy(deg_sh.at[pl.ds(base, _RPT)],
                            deg_hbm.at[cid, pl.ds(base, _RPT)])

            @pl.when(sid == 0)
            def _wdtail():
                pltpu.sync_copy(deg_sh.at[pl.ds(_NS * _RPT, _TAIL)],
                                deg_hbm.at[cid, pl.ds(_NS * _RPT, _TAIL)])

    return pl.kernel(
        body, out_type=out_type, mesh=_mesh, scratch_types=scratch,
        compiler_params=pltpu.CompilerParams(use_tc_tiling_on_sc=False))


_sc_agg_deg = _build_sc_agg(with_deg=True)
_sc_agg = _build_sc_agg(with_deg=False)


def _mm_body(x_ref, w_ref, lo_ref, hi_ref):
    m = jnp.dot(x_ref[...], w_ref[...], preferred_element_type=jnp.float32)
    lo_ref[...] = m[:, :_DH]
    hi_ref[...] = m[:, _DH:]


_mm = pl.pallas_call(
    _mm_body,
    out_shape=(
        jax.ShapeDtypeStruct((N, _DH), jnp.float32),
        jax.ShapeDtypeStruct((N, _DH), jnp.float32),
    ),
)


def _inv_deg(degp_ref):
    deg = degp_ref[0, :, 0:1] + degp_ref[1, :, 0:1]
    return 1.0 / jnp.maximum(deg, 1.0)


def _layer_body(x_ref, agg_ref, degp_ref, ws_ref, b_ref, wn2_ref,
                h_ref, mlo_ref, mhi_ref):
    neigh = jnp.concatenate([agg_ref[0], agg_ref[1]], axis=1)
    neigh = neigh * _inv_deg(degp_ref)
    h = jnp.dot(x_ref[...], ws_ref[...], preferred_element_type=jnp.float32)
    h = jnp.maximum(h + neigh + b_ref[...][None, :], 0.0)
    h_ref[...] = h
    m = jnp.dot(h, wn2_ref[...], preferred_element_type=jnp.float32)
    mlo_ref[...] = m[:, :_DH]
    mhi_ref[...] = m[:, _DH:]


_layer = pl.pallas_call(
    _layer_body,
    out_shape=(
        jax.ShapeDtypeStruct((N, D_HID), jnp.float32),
        jax.ShapeDtypeStruct((N, _DH), jnp.float32),
        jax.ShapeDtypeStruct((N, _DH), jnp.float32),
    ),
)


def _out_body(h_ref, agg_ref, degp_ref, ws_ref, b_ref, wo_ref, bo_ref,
              o_ref):
    neigh = jnp.concatenate([agg_ref[0], agg_ref[1]], axis=1)
    neigh = neigh * _inv_deg(degp_ref)
    h = jnp.dot(h_ref[...], ws_ref[...], preferred_element_type=jnp.float32)
    h = jnp.maximum(h + neigh + b_ref[...][None, :], 0.0)
    o_ref[...] = (jnp.dot(h, wo_ref[...], preferred_element_type=jnp.float32)
                  + bo_ref[...][None, :])


_out = pl.pallas_call(
    _out_body,
    out_shape=jax.ShapeDtypeStruct((N, D_OUT), jnp.float32),
)


def kernel(x, W_self1, W_neigh1, b1, W_self2, W_neigh2, b2, W_out, b_out,
           edge_index):
    ei = edge_index.astype(jnp.int32)
    src = ei[0].reshape(_NS, _NCHUNK, _CHUNK)
    dst = ei[1].reshape(_NS, _NCHUNK, _CHUNK)

    m1_lo, m1_hi = _mm(x, W_neigh1)
    agg1, degp = _sc_agg_deg(m1_lo, m1_hi, src, dst)
    h1, m2_lo, m2_hi = _layer(x, agg1, degp, W_self1, b1, W_neigh2)
    (agg2,) = _sc_agg(m2_lo, m2_hi, src, dst)
    return _out(h1, agg2, degp, W_self2, b2, W_out, b_out)

# --- scband reference (transcript-rebuilt; emitter-appended) ---
"""Pipeline reference for scband-graph-sage-90658169683982 (READ-ONLY COPY).

The authoritative reference and input builder live on the scoring server;
editing this copy changes nothing except your own understanding.
"""

import jax, jax.numpy as jnp
import numpy as np

N = 10000
E = 320000
D_IN = 128
D_HID = 128
D_OUT = 64


def setup_inputs(seed: int = 0) -> dict:
    key = jax.random.key(seed)
    ks = jax.random.split(key, 12)
    x = jax.random.normal(ks[0], (N, D_IN), dtype=jnp.float32)
    edge_index = jax.random.randint(ks[1], (2, E), 0, N, dtype=jnp.int64)
    # DGL SAGEConv('mean') params: fc_self, fc_neigh (shared bias)
    s1 = 1.0 / np.sqrt(D_IN)
    W_self1 = jax.random.uniform(ks[2], (D_IN, D_HID), jnp.float32, -s1, s1)
    W_neigh1 = jax.random.uniform(ks[3], (D_IN, D_HID), jnp.float32, -s1, s1)
    b1 = jnp.zeros((D_HID,), jnp.float32)
    s2 = 1.0 / np.sqrt(D_HID)
    W_self2 = jax.random.uniform(ks[4], (D_HID, D_HID), jnp.float32, -s2, s2)
    W_neigh2 = jax.random.uniform(ks[5], (D_HID, D_HID), jnp.float32, -s2, s2)
    b2 = jnp.zeros((D_HID,), jnp.float32)
    W_out = jax.random.uniform(ks[6], (D_HID, D_OUT), jnp.float32, -s2, s2)
    b_out = jax.random.uniform(ks[7], (D_OUT,), jnp.float32, -s2, s2)
    return {
        "x": x,
        "W_self1": W_self1, "W_neigh1": W_neigh1, "b1": b1,
        "W_self2": W_self2, "W_neigh2": W_neigh2, "b2": b2,
        "W_out": W_out, "b_out": b_out,
        "edge_index": edge_index,
    }


def _sage_conv_mean(h, edge_index, W_self, W_neigh, b):
    src = edge_index[0]
    dst = edge_index[1]
    msg = jnp.take(h, src, axis=0)                    # gather src features
    agg = jax.ops.segment_sum(msg, dst, num_segments=N)
    deg = jax.ops.segment_sum(jnp.ones((E,), jnp.float32), dst, num_segments=N)
    deg = jnp.maximum(deg, 1.0)
    h_neigh = agg / deg[:, None]
    return h @ W_self + h_neigh @ W_neigh + b


def reference(x, W_self1, W_neigh1, b1, W_self2, W_neigh2, b2, W_out, b_out, edge_index):
    h = _sage_conv_mean(x, edge_index, W_self1, W_neigh1, b1)
    h = jax.nn.relu(h)
    h = _sage_conv_mean(h, edge_index, W_self2, W_neigh2, b2)
    h = jax.nn.relu(h)
    h = h @ W_out + b_out
    return h

if __name__ == "__main__":
    import jax
    _d = setup_inputs()
    print(jax.jit(kernel)(*tuple(_d.values())))

</pallas_src>

<mosaic_0001>
#map = affine_map<(d0, d1) -> (0, 0)>
#map1 = affine_map<(d0, d1) -> (0, 0, 0)>
module attributes {stable_mosaic.version = 14 : i64} {
  func.func @body(%arg0: i32, %arg1: i32, %arg2: memref<10000x64xf32, #tpu.memory_space<hbm>>, %arg3: memref<10000x64xf32, #tpu.memory_space<hbm>>, %arg4: memref<16x200x100xi32, #tpu.memory_space<hbm>>, %arg5: memref<16x200x100xi32, #tpu.memory_space<hbm>>, %arg6: memref<2x10000x64xf32, #tpu.memory_space<hbm>>, %arg7: memref<200x100xi32, #tpu.memory_space<vmem>>, %arg8: memref<200x100xi32, #tpu.memory_space<vmem>>, %arg9: memref<104x64xf32, #tpu.memory_space<vmem>>, %arg10: memref<10000x64xf32, #tpu.memory_space<vmem_shared>>, %arg11: memref<100x64xf32, #tpu.memory_space<vmem>>, %arg12: memref<100x64xf32, #tpu.memory_space<vmem>>, %arg13: memref<100x64xf32, #tpu.memory_space<vmem>>, %arg14: memref<100x64xf32, #tpu.memory_space<vmem>>, %arg15: memref<!tpu.dma_semaphore, #tpu.memory_space<semaphore_mem>>, %arg16: memref<!tpu.dma_semaphore, #tpu.memory_space<semaphore_mem>>, %arg17: memref<!tpu.dma_semaphore, #tpu.memory_space<semaphore_mem>>, %arg18: memref<!tpu.dma_semaphore, #tpu.memory_space<semaphore_mem>>) attributes {dimension_semantics = [#tpu.dimension_semantics<core_parallel>, #tpu.dimension_semantics<subcore_parallel>], iteration_bounds = array<i64: 2, 16>, scalar_prefetch = 0 : i64, scratch_operands = 12 : i64, tpu.core_type = #tpu.core_type<sc_vector_subcore>, window_params = [{transform_indices = #map}, {transform_indices = #map}, {transform_indices = #map1}, {transform_indices = #map1}, {transform_indices = #map1}]} {
    "tpu.region"() ({
      %run_scoped3A = tpu.sem_alloc : memref<!tpu.dma_semaphore, #tpu.memory_space<semaphore_mem>>
      %dma_start3A = arith.constant 0 : i32
      %dma_start3A_35 = arith.constant 0 : i32
      %dma_start3A_36 = tpu.memref_slice %arg4[%arg1, %dma_start3A, %dma_start3A_35] : memref<16x200x100xi32, #tpu.memory_space<hbm>> -> memref<1x200x100xi32, #tpu.memory_space<hbm>>
      %dma_start3A_37 = tpu.memref_squeeze %dma_start3A_36 : memref<1x200x100xi32, #tpu.memory_space<hbm>> -> memref<200x100xi32, #tpu.memory_space<hbm>>
      %dma_start3A_38 = arith.constant 0 : i32
      %dma_start3A_39 = arith.constant 0 : i32
      %dma_start3A_40 = tpu.memref_slice %arg4[%arg1, %dma_start3A_38, %dma_start3A_39] : memref<16x200x100xi32, #tpu.memory_space<hbm>> -> memref<1x200x100xi32, #tpu.memory_space<hbm>>
      %dma_start3A_41 = tpu.memref_squeeze %dma_start3A_40 : memref<1x200x100xi32, #tpu.memory_space<hbm>> -> memref<200x100xi32, #tpu.memory_space<hbm>>
      tpu.enqueue_dma source(%dma_start3A_41 : memref<200x100xi32, #tpu.memory_space<hbm>>) target(%arg7 : memref<200x100xi32, #tpu.memory_space<vmem>>) target_semaphore(%run_scoped3A : memref<!tpu.dma_semaphore, #tpu.memory_space<semaphore_mem>>)
      %dma_wait3A = arith.constant 0 : i32
      %dma_wait3A_42 = arith.constant 0 : i32
      %dma_wait3A_43 = tpu.memref_slice %arg4[%arg1, %dma_wait3A, %dma_wait3A_42] : memref<16x200x100xi32, #tpu.memory_space<hbm>> -> memref<1x200x100xi32, #tpu.memory_space<hbm>>
      %dma_wait3A_44 = tpu.memref_squeeze %dma_wait3A_43 : memref<1x200x100xi32, #tpu.memory_space<hbm>> -> memref<200x100xi32, #tpu.memory_space<hbm>>
      %dma_wait3A_45 = arith.constant 0 : i32
      %dma_wait3A_46 = arith.constant 0 : i32
      %dma_wait3A_47 = tpu.memref_slice %arg4[%arg1, %dma_wait3A_45, %dma_wait3A_46] : memref<16x200x100xi32, #tpu.memory_space<hbm>> -> memref<1x200x100xi32, #tpu.memory_space<hbm>>
      %dma_wait3A_48 = tpu.memref_squeeze %dma_wait3A_47 : memref<1x200x100xi32, #tpu.memory_space<hbm>> -> memref<200x100xi32, #tpu.memory_space<hbm>>
      tpu.wait_dma2 semaphore(%run_scoped3A : memref<!tpu.dma_semaphore, #tpu.memory_space<semaphore_mem>>) src(%dma_wait3A_48 : memref<200x100xi32, #tpu.memory_space<hbm>>) dst(%arg7 : memref<200x100xi32, #tpu.memory_space<vmem>>)
      tpu.yield
    }) : () -> ()
    "tpu.region"() ({
      %run_scoped3A = tpu.sem_alloc : memref<!tpu.dma_semaphore, #tpu.memory_space<semaphore_mem>>
      %dma_start3A = arith.constant 0 : i32
      %dma_start3A_35 = arith.constant 0 : i32
      %dma_start3A_36 = tpu.memref_slice %arg5[%arg1, %dma_start3A, %dma_start3A_35] : memref<16x200x100xi32, #tpu.memory_space<hbm>> -> memref<1x200x100xi32, #tpu.memory_space<hbm>>
      %dma_start3A_37 = tpu.memref_squeeze %dma_start3A_36 : memref<1x200x100xi32, #tpu.memory_space<hbm>> -> memref<200x100xi32, #tpu.memory_space<hbm>>
      %dma_start3A_38 = arith.constant 0 : i32
      %dma_start3A_39 = arith.constant 0 : i32
      %dma_start3A_40 = tpu.memref_slice %arg5[%arg1, %dma_start3A_38, %dma_start3A_39] : memref<16x200x100xi32, #tpu.memory_space<hbm>> -> memref<1x200x100xi32, #tpu.memory_space<hbm>>
      %dma_start3A_41 = tpu.memref_squeeze %dma_start3A_40 : memref<1x200x100xi32, #tpu.memory_space<hbm>> -> memref<200x100xi32, #tpu.memory_space<hbm>>
      tpu.enqueue_dma source(%dma_start3A_41 : memref<200x100xi32, #tpu.memory_space<hbm>>) target(%arg8 : memref<200x100xi32, #tpu.memory_space<vmem>>) target_semaphore(%run_scoped3A : memref<!tpu.dma_semaphore, #tpu.memory_space<semaphore_mem>>)
      %dma_wait3A = arith.constant 0 : i32
      %dma_wait3A_42 = arith.constant 0 : i32
      %dma_wait3A_43 = tpu.memref_slice %arg5[%arg1, %dma_wait3A, %dma_wait3A_42] : memref<16x200x100xi32, #tpu.memory_space<hbm>> -> memref<1x200x100xi32, #tpu.memory_space<hbm>>
      %dma_wait3A_44 = tpu.memref_squeeze %dma_wait3A_43 : memref<1x200x100xi32, #tpu.memory_space<hbm>> -> memref<200x100xi32, #tpu.memory_space<hbm>>
      %dma_wait3A_45 = arith.constant 0 : i32
      %dma_wait3A_46 = arith.constant 0 : i32
      %dma_wait3A_47 = tpu.memref_slice %arg5[%arg1, %dma_wait3A_45, %dma_wait3A_46] : memref<16x200x100xi32, #tpu.memory_space<hbm>> -> memref<1x200x100xi32, #tpu.memory_space<hbm>>
      %dma_wait3A_48 = tpu.memref_squeeze %dma_wait3A_47 : memref<1x200x100xi32, #tpu.memory_space<hbm>> -> memref<200x100xi32, #tpu.memory_space<hbm>>
      tpu.wait_dma2 semaphore(%run_scoped3A : memref<!tpu.dma_semaphore, #tpu.memory_space<semaphore_mem>>) src(%dma_wait3A_48 : memref<200x100xi32, #tpu.memory_space<hbm>>) dst(%arg8 : memref<200x100xi32, #tpu.memory_space<vmem>>)
      tpu.yield
    }) : () -> ()
    %broadcast_in_dim3A = arith.constant 0.000000e+00 : f32
    %broadcast_in_dim3A_0 = vector.broadcast %broadcast_in_dim3A : f32 to vector<16xf32>
    %scan3A = arith.constant 0 : i32
    %scan3A_1 = arith.constant 104 : i32
    %scan3A_2 = arith.addi %scan3A, %scan3A_1 : i32
    %scan3A_3 = arith.constant 1 : i32
    scf.for %scan3A_35 = %scan3A to %scan3A_2 step %scan3A_3  : i32 {
      %mul3A_36 = arith.constant 1 : i32
      %mul3A_37 = arith.muli %scan3A_35, %mul3A_36 : i32
      %add3A_38 = arith.constant 0 : i32
      %add3A_39 = arith.addi %add3A_38, %mul3A_37 : i32
      %swap3A = arith.index_cast %add3A_39 : i32 to index
      %swap3A_40 = arith.constant 0 : index
      %swap3A_41 = tpu.vector_load %arg9[%swap3A, %swap3A_40] {strides = array<i32>} : memref<104x64xf32, #tpu.memory_space<vmem>>, vector<1x16xf32>,
      %swap3A_42 = vector.shape_cast %swap3A_41 : vector<1x16xf32> to vector<16xf32>
      %swap3A_43 = vector.shape_cast %broadcast_in_dim3A_0 : vector<16xf32> to vector<1x16xf32>
      tpu.vector_store %arg9[%swap3A, %swap3A_40], %swap3A_43 {strides = array<i32>} : memref<104x64xf32, #tpu.memory_space<vmem>>, vector<1x16xf32>,
      %swap3A_44 = arith.index_cast %add3A_39 : i32 to index
      %swap3A_45 = arith.constant 16 : index
      %swap3A_46 = tpu.vector_load %arg9[%swap3A_44, %swap3A_45] {strides = array<i32>} : memref<104x64xf32, #tpu.memory_space<vmem>>, vector<1x16xf32>,
      %swap3A_47 = vector.shape_cast %swap3A_46 : vector<1x16xf32> to vector<16xf32>
      %swap3A_48 = vector.shape_cast %broadcast_in_dim3A_0 : vector<16xf32> to vector<1x16xf32>
      tpu.vector_store %arg9[%swap3A_44, %swap3A_45], %swap3A_48 {strides = array<i32>} : memref<104x64xf32, #tpu.memory_space<vmem>>, vector<1x16xf32>,
      %swap3A_49 = arith.index_cast %add3A_39 : i32 to index
      %swap3A_50 = arith.constant 32 : index
      %swap3A_51 = tpu.vector_load %arg9[%swap3A_49, %swap3A_50] {strides = array<i32>} : memref<104x64xf32, #tpu.memory_space<vmem>>, vector<1x16xf32>,
      %swap3A_52 = vector.shape_cast %swap3A_51 : vector<1x16xf32> to vector<16xf32>
      %swap3A_53 = vector.shape_cast %broadcast_in_dim3A_0 : vector<16xf32> to vector<1x16xf32>
      tpu.vector_store %arg9[%swap3A_49, %swap3A_50], %swap3A_53 {strides = array<i32>} : memref<104x64xf32, #tpu.memory_space<vmem>>, vector<1x16xf32>,
      %swap3A_54 = arith.index_cast %add3A_39 : i32 to index
      %swap3A_55 = arith.constant 48 : index
      %swap3A_56 = tpu.vector_load %arg9[%swap3A_54, %swap3A_55] {strides = array<i32>} : memref<104x64xf32, #tpu.memory_space<vmem>>, vector<1x16xf32>,
      %swap3A_57 = vector.shape_cast %swap3A_56 : vector<1x16xf32> to vector<16xf32>
      %swap3A_58 = vector.shape_cast %broadcast_in_dim3A_0 : vector<16xf32> to vector<1x16xf32>
      tpu.vector_store %arg9[%swap3A_54, %swap3A_55], %swap3A_58 {strides = array<i32>} : memref<104x64xf32, #tpu.memory_space<vmem>>, vector<1x16xf32>,
    }
    %scan3A_4 = arith.constant 104 : i32
    %mul3A = arith.constant 624 : i32
    %mul3A_5 = arith.muli %arg1, %mul3A : i32
    %add3A = arith.constant 0 : i32
    %add3A_6 = arith.addi %mul3A_5, %add3A : i32
    "tpu.region"() ({
      %run_scoped3A = tpu.sem_alloc : memref<!tpu.dma_semaphore, #tpu.memory_space<semaphore_mem>>
      %dma_start3A = arith.constant 0 : i32
      %dma_start3A_35 = tpu.memref_slice %arg10[%add3A_6, %dma_start3A] : memref<10000x64xf32, #tpu.memory_space<vmem_shared>> -> memref<104x64xf32, #tpu.memory_space<vmem_shared>>
      %dma_start3A_36 = arith.constant 0 : i32
      %dma_start3A_37 = tpu.memref_slice %arg10[%add3A_6, %dma_start3A_36] : memref<10000x64xf32, #tpu.memory_space<vmem_shared>> -> memref<104x64xf32, #tpu.memory_space<vmem_shared>>
      tpu.enqueue_dma source(%arg9 : memref<104x64xf32, #tpu.memory_space<vmem>>) target(%dma_start3A_37 : memref<104x64xf32, #tpu.memory_space<vmem_shared>>) target_semaphore(%run_scoped3A : memref<!tpu.dma_semaphore, #tpu.memory_space<semaphore_mem>>)
      %dma_wait3A = arith.constant 0 : i32
      %dma_wait3A_38 = tpu.memref_slice %arg10[%add3A_6, %dma_wait3A] : memref<10000x64xf32, #tpu.memory_space<vmem_shared>> -> memref<104x64xf32, #tpu.memory_space<vmem_shared>>
      %dma_wait3A_39 = arith.constant 0 : i32
      %dma_wait3A_40 = tpu.memref_slice %arg10[%add3A_6, %dma_wait3A_39] : memref<10000x64xf32, #tpu.memory_space<vmem_shared>> -> memref<104x64xf32, #tpu.memory_space<vmem_shared>>
      tpu.wait_dma2 semaphore(%run_scoped3A : memref<!tpu.dma_semaphore, #tpu.memory_space<semaphore_mem>>) src(%arg9 : memref<104x64xf32, #tpu.memory_space<vmem>>) dst(%dma_wait3A_40 : memref<104x64xf32, #tpu.memory_space<vmem_shared>>)
      tpu.yield
    }) : () -> ()
    %add3A_7 = arith.constant 104 : i32
    %add3A_8 = arith.addi %mul3A_5, %add3A_7 : i32
    "tpu.region"() ({
      %run_scoped3A = tpu.sem_alloc : memref<!tpu.dma_semaphore, #tpu.memory_space<semaphore_mem>>
      %dma_start3A = arith.constant 0 : i32
      %dma_start3A_35 = tpu.memref_slice %arg10[%add3A_8, %dma_start3A] : memref<10000x64xf32, #tpu.memory_space<vmem_shared>> -> memref<104x64xf32, #tpu.memory_space<vmem_shared>>
      %dma_start3A_36 = arith.constant 0 : i32
      %dma_start3A_37 = tpu.memref_slice %arg10[%add3A_8, %dma_start3A_36] : memref<10000x64xf32, #tpu.memory_space<vmem_shared>> -> memref<104x64xf32, #tpu.memory_space<vmem_shared>>
      tpu.enqueue_dma source(%arg9 : memref<104x64xf32, #tpu.memory_space<vmem>>) target(%dma_start3A_37 : memref<104x64xf32, #tpu.memory_space<vmem_shared>>) target_semaphore(%run_scoped3A : memref<!tpu.dma_semaphore, #tpu.memory_space<semaphore_mem>>)
      %dma_wait3A = arith.constant 0 : i32
      %dma_wait3A_38 = tpu.memref_slice %arg10[%add3A_8, %dma_wait3A] : memref<10000x64xf32, #tpu.memory_space<vmem_shared>> -> memref<104x64xf32, #tpu.memory_space<vmem_shared>>
      %dma_wait3A_39 = arith.constant 0 : i32
      %dma_wait3A_40 = tpu.memref_slice %arg10[%add3A_8, %dma_wait3A_39] : memref<10000x64xf32, #tpu.memory_space<vmem_shared>> -> memref<104x64xf32, #tpu.memory_space<vmem_shared>>
      tpu.wait_dma2 semaphore(%run_scoped3A : memref<!tpu.dma_semaphore, #tpu.memory_space<semaphore_mem>>) src(%arg9 : memref<104x64xf32, #tpu.memory_space<vmem>>) dst(%dma_wait3A_40 : memref<104x64xf32, #tpu.memory_space<vmem_shared>>)
      tpu.yield
    }) : () -> ()
    %add3A_9 = arith.constant 208 : i32
    %add3A_10 = arith.addi %mul3A_5, %add3A_9 : i32
    "tpu.region"() ({
      %run_scoped3A = tpu.sem_alloc : memref<!tpu.dma_semaphore, #tpu.memory_space<semaphore_mem>>
      %dma_start3A = arith.constant 0 : i32
      %dma_start3A_35 = tpu.memref_slice %arg10[%add3A_10, %dma_start3A] : memref<10000x64xf32, #tpu.memory_space<vmem_shared>> -> memref<104x64xf32, #tpu.memory_space<vmem_shared>>
      %dma_start3A_36 = arith.constant 0 : i32
      %dma_start3A_37 = tpu.memref_slice %arg10[%add3A_10, %dma_start3A_36] : memref<10000x64xf32, #tpu.memory_space<vmem_shared>> -> memref<104x64xf32, #tpu.memory_space<vmem_shared>>
      tpu.enqueue_dma source(%arg9 : memref<104x64xf32, #tpu.memory_space<vmem>>) target(%dma_start3A_37 : memref<104x64xf32, #tpu.memory_space<vmem_shared>>) target_semaphore(%run_scoped3A : memref<!tpu.dma_semaphore, #tpu.memory_space<semaphore_mem>>)
      %dma_wait3A = arith.constant 0 : i32
      %dma_wait3A_38 = tpu.memref_slice %arg10[%add3A_10, %dma_wait3A] : memref<10000x64xf32, #tpu.memory_space<vmem_shared>> -> memref<104x64xf32, #tpu.memory_space<vmem_shared>>
      %dma_wait3A_39 = arith.constant 0 : i32
      %dma_wait3A_40 = tpu.memref_slice %arg10[%add3A_10, %dma_wait3A_39] : memref<10000x64xf32, #tpu.memory_space<vmem_shared>> -> memref<104x64xf32, #tpu.memory_space<vmem_shared>>
      tpu.wait_dma2 semaphore(%run_scoped3A : memref<!tpu.dma_semaphore, #tpu.memory_space<semaphore_mem>>) src(%arg9 : memref<104x64xf32, #tpu.memory_space<vmem>>) dst(%dma_wait3A_40 : memref<104x64xf32, #tpu.memory_space<vmem_shared>>)
      tpu.yield
    }) : () -> ()
    %add3A_11 = arith.constant 312 : i32
    %add3A_12 = arith.addi %mul3A_5, %add3A_11 : i32
    "tpu.region"() ({
      %run_scoped3A = tpu.sem_alloc : memref<!tpu.dma_semaphore, #tpu.memory_space<semaphore_mem>>
      %dma_start3A = arith.constant 0 : i32
      %dma_start3A_35 = tpu.memref_slice %arg10[%add3A_12, %dma_start3A] : memref<10000x64xf32, #tpu.memory_space<vmem_shared>> -> memref<104x64xf32, #tpu.memory_space<vmem_shared>>
      %dma_start3A_36 = arith.constant 0 : i32
      %dma_start3A_37 = tpu.memref_slice %arg10[%add3A_12, %dma_start3A_36] : memref<10000x64xf32, #tpu.memory_space<vmem_shared>> -> memref<104x64xf32, #tpu.memory_space<vmem_shared>>
      tpu.enqueue_dma source(%arg9 : memref<104x64xf32, #tpu.memory_space<vmem>>) target(%dma_start3A_37 : memref<104x64xf32, #tpu.memory_space<vmem_shared>>) target_semaphore(%run_scoped3A : memref<!tpu.dma_semaphore, #tpu.memory_space<semaphore_mem>>)
      %dma_wait3A = arith.constant 0 : i32
      %dma_wait3A_38 = tpu.memref_slice %arg10[%add3A_12, %dma_wait3A] : memref<10000x64xf32, #tpu.memory_space<vmem_shared>> -> memref<104x64xf32, #tpu.memory_space<vmem_shared>>
      %dma_wait3A_39 = arith.constant 0 : i32
      %dma_wait3A_40 = tpu.memref_slice %arg10[%add3A_12, %dma_wait3A_39] : memref<10000x64xf32, #tpu.memory_space<vmem_shared>> -> memref<104x64xf32, #tpu.memory_space<vmem_shared>>
      tpu.wait_dma2 semaphore(%run_scoped3A : memref<!tpu.dma_semaphore, #tpu.memory_space<semaphore_mem>>) src(%arg9 : memref<104x64xf32, #tpu.memory_space<vmem>>) dst(%dma_wait3A_40 : memref<104x64xf32, #tpu.memory_space<vmem_shared>>)
      tpu.yield
    }) : () -> ()
    %add3A_13 = arith.constant 416 : i32
    %add3A_14 = arith.addi %mul3A_5, %add3A_13 : i32
    "tpu.region"() ({
      %run_scoped3A = tpu.sem_alloc : memref<!tpu.dma_semaphore, #tpu.memory_space<semaphore_mem>>
      %dma_start3A = arith.constant 0 : i32
      %dma_start3A_35 = tpu.memref_slice %arg10[%add3A_14, %dma_start3A] : memref<10000x64xf32, #tpu.memory_space<vmem_shared>> -> memref<104x64xf32, #tpu.memory_space<vmem_shared>>
      %dma_start3A_36 = arith.constant 0 : i32
      %dma_start3A_37 = tpu.memref_slice %arg10[%add3A_14, %dma_start3A_36] : memref<10000x64xf32, #tpu.memory_space<vmem_shared>> -> memref<104x64xf32, #tpu.memory_space<vmem_shared>>
      tpu.enqueue_dma source(%arg9 : memref<104x64xf32, #tpu.memory_space<vmem>>) target(%dma_start3A_37 : memref<104x64xf32, #tpu.memory_space<vmem_shared>>) target_semaphore(%run_scoped3A : memref<!tpu.dma_semaphore, #tpu.memory_space<semaphore_mem>>)
      %dma_wait3A = arith.constant 0 : i32
      %dma_wait3A_38 = tpu.memref_slice %arg10[%add3A_14, %dma_wait3A] : memref<10000x64xf32, #tpu.memory_space<vmem_shared>> -> memref<104x64xf32, #tpu.memory_space<vmem_shared>>
      %dma_wait3A_39 = arith.constant 0 : i32
      %dma_wait3A_40 = tpu.memref_slice %arg10[%add3A_14, %dma_wait3A_39] : memref<10000x64xf32, #tpu.memory_space<vmem_shared>> -> memref<104x64xf32, #tpu.memory_space<vmem_shared>>
      tpu.wait_dma2 semaphore(%run_scoped3A : memref<!tpu.dma_semaphore, #tpu.memory_space<semaphore_mem>>) src(%arg9 : memref<104x64xf32, #tpu.memory_space<vmem>>) dst(%dma_wait3A_40 : memref<104x64xf32, #tpu.memory_space<vmem_shared>>)
      tpu.yield
    }) : () -> ()
    %add3A_15 = arith.constant 520 : i32
    %add3A_16 = arith.addi %mul3A_5, %add3A_15 : i32
    "tpu.region"() ({
      %run_scoped3A = tpu.sem_alloc : memref<!tpu.dma_semaphore, #tpu.memory_space<semaphore_mem>>
      %dma_start3A = arith.constant 0 : i32
      %dma_start3A_35 = tpu.memref_slice %arg10[%add3A_16, %dma_start3A] : memref<10000x64xf32, #tpu.memory_space<vmem_shared>> -> memref<104x64xf32, #tpu.memory_space<vmem_shared>>
      %dma_start3A_36 = arith.constant 0 : i32
      %dma_start3A_37 = tpu.memref_slice %arg10[%add3A_16, %dma_start3A_36] : memref<10000x64xf32, #tpu.memory_space<vmem_shared>> -> memref<104x64xf32, #tpu.memory_space<vmem_shared>>
      tpu.enqueue_dma source(%arg9 : memref<104x64xf32, #tpu.memory_space<vmem>>) target(%dma_start3A_37 : memref<104x64xf32, #tpu.memory_space<vmem_shared>>) target_semaphore(%run_scoped3A : memref<!tpu.dma_semaphore, #tpu.memory_space<semaphore_mem>>)
      %dma_wait3A = arith.constant 0 : i32
      %dma_wait3A_38 = tpu.memref_slice %arg10[%add3A_16, %dma_wait3A] : memref<10000x64xf32, #tpu.memory_space<vmem_shared>> -> memref<104x64xf32, #tpu.memory_space<vmem_shared>>
      %dma_wait3A_39 = arith.constant 0 : i32
      %dma_wait3A_40 = tpu.memref_slice %arg10[%add3A_16, %dma_wait3A_39] : memref<10000x64xf32, #tpu.memory_space<vmem_shared>> -> memref<104x64xf32, #tpu.memory_space<vmem_shared>>
      tpu.wait_dma2 semaphore(%run_scoped3A : memref<!tpu.dma_semaphore, #tpu.memory_space<semaphore_mem>>) src(%arg9 : memref<104x64xf32, #tpu.memory_space<vmem>>) dst(%dma_wait3A_40 : memref<104x64xf32, #tpu.memory_space<vmem_shared>>)
      tpu.yield
    }) : () -> ()
    %eq3A = arith.constant 0 : i32
    %eq3A_17 = arith.cmpi eq, %arg1, %eq3A : i32
    %convert_element_type3A = arith.extui %eq3A_17 : i1 to i32
    %cond3A = arith.constant 0 : i32
    %cond3A_18 = arith.cmpi ne, %convert_element_type3A, %cond3A : i32
    scf.if %cond3A_18 {
      "tpu.region"() ({
        %run_scoped3A = tpu.sem_alloc : memref<!tpu.dma_semaphore, #tpu.memory_space<semaphore_mem>>
        %dma_start3A = arith.constant 0 : i32
        %dma_start3A_35 = arith.constant 0 : i32
        %dma_start3A_36 = tpu.memref_slice %arg9[%dma_start3A, %dma_start3A_35] : memref<104x64xf32, #tpu.memory_space<vmem>> -> memref<16x64xf32, #tpu.memory_space<vmem>>
        %dma_start3A_37 = arith.constant 9984 : i32
        %dma_start3A_38 = arith.constant 0 : i32
        %dma_start3A_39 = tpu.memref_slice %arg10[%dma_start3A_37, %dma_start3A_38] : memref<10000x64xf32, #tpu.memory_space<vmem_shared>> -> memref<16x64xf32, #tpu.memory_space<vmem_shared>>
        %dma_start3A_40 = arith.constant 9984 : i32
        %dma_start3A_41 = arith.constant 0 : i32
        %dma_start3A_42 = tpu.memref_slice %arg10[%dma_start3A_40, %dma_start3A_41] : memref<10000x64xf32, #tpu.memory_space<vmem_shared>> -> memref<16x64xf32, #tpu.memory_space<vmem_shared>>
        %dma_start3A_43 = arith.constant 0 : i32
        %dma_start3A_44 = arith.constant 0 : i32
        %dma_start3A_45 = tpu.memref_slice %arg9[%dma_start3A_43, %dma_start3A_44] : memref<104x64xf32, #tpu.memory_space<vmem>> -> memref<16x64xf32, #tpu.memory_space<vmem>>
        tpu.enqueue_dma source(%dma_start3A_45 : memref<16x64xf32, #tpu.memory_space<vmem>>) target(%dma_start3A_42 : memref<16x64xf32, #tpu.memory_space<vmem_shared>>) target_semaphore(%run_scoped3A : memref<!tpu.dma_semaphore, #tpu.memory_space<semaphore_mem>>)
        %dma_wait3A = arith.constant 0 : i32
        %dma_wait3A_46 = arith.constant 0 : i32
        %dma_wait3A_47 = tpu.memref_slice %arg9[%dma_wait3A, %dma_wait3A_46] : memref<104x64xf32, #tpu.memory_space<vmem>> -> memref<16x64xf32, #tpu.memory_space<vmem>>
        %dma_wait3A_48 = arith.constant 9984 : i32
        %dma_wait3A_49 = arith.constant 0 : i32
        %dma_wait3A_50 = tpu.memref_slice %arg10[%dma_wait3A_48, %dma_wait3A_49] : memref<10000x64xf32, #tpu.memory_space<vmem_shared>> -> memref<16x64xf32, #tpu.memory_space<vmem_shared>>
        %dma_wait3A_51 = arith.constant 9984 : i32
        %dma_wait3A_52 = arith.constant 0 : i32
        %dma_wait3A_53 = tpu.memref_slice %arg10[%dma_wait3A_51, %dma_wait3A_52] : memref<10000x64xf32, #tpu.memory_space<vmem_shared>> -> memref<16x64xf32, #tpu.memory_space<vmem_shared>>
        %dma_wait3A_54 = arith.constant 0 : i32
        %dma_wait3A_55 = arith.constant 0 : i32
        %dma_wait3A_56 = tpu.memref_slice %arg9[%dma_wait3A_54, %dma_wait3A_55] : memref<104x64xf32, #tpu.memory_space<vmem>> -> memref<16x64xf32, #tpu.memory_space<vmem>>
        tpu.wait_dma2 semaphore(%run_scoped3A : memref<!tpu.dma_semaphore, #tpu.memory_space<semaphore_mem>>) src(%dma_wait3A_56 : memref<16x64xf32, #tpu.memory_space<vmem>>) dst(%dma_wait3A_53 : memref<16x64xf32, #tpu.memory_space<vmem_shared>>)
        tpu.yield
      }) : () -> ()
    } else {
    }
    %barrier3A = arith.constant 0 : index
    tpu.barrier barrier_id(%barrier3A)
    %eq3A_19 = arith.constant 0 : i32
    %eq3A_20 = arith.cmpi eq, %arg0, %eq3A_19 : i32
    %convert_element_type3A_21 = arith.extui %eq3A_20 : i1 to i32
    %cond3A_22 = arith.constant 0 : i32
    %cond3A_23 = arith.cmpi ne, %convert_element_type3A_21, %cond3A_22 : i32
    scf.if %cond3A_23 {
      %dma_start3A = arith.constant 0 : i32
      %dma_start3A_35 = arith.constant 0 : i32
      %dma_start3A_36 = tpu.memref_slice %arg7[%dma_start3A, %dma_start3A_35] : memref<200x100xi32, #tpu.memory_space<vmem>> -> memref<1x100xi32, #tpu.memory_space<vmem>>
      %dma_start3A_37 = tpu.memref_squeeze %dma_start3A_36 : memref<1x100xi32, #tpu.memory_space<vmem>> -> memref<100xi32, #tpu.memory_space<vmem>>
      %dma_start3A_38 = arith.constant 0 : i32
      %dma_start3A_39 = arith.constant 0 : i32
      %dma_start3A_40 = tpu.memref_slice %arg2[%dma_start3A_38, %dma_start3A_39] : memref<10000x64xf32, #tpu.memory_space<hbm>> -> memref<10000x64xf32, #tpu.memory_space<hbm>>
      tpu.enqueue_indirect_dma source(%dma_start3A_40 : memref<10000x64xf32, #tpu.memory_space<hbm>>) target(%arg11 : memref<100x64xf32, #tpu.memory_space<vmem>>) offsets(%dma_start3A_37 : memref<100xi32, #tpu.memory_space<vmem>>) semaphore(%arg15 : memref<!tpu.dma_semaphore, #tpu.memory_space<semaphore_mem>>)
      %dma_start3A_41 = arith.constant 1 : i32
      %dma_start3A_42 = arith.constant 0 : i32
      %dma_start3A_43 = tpu.memref_slice %arg7[%dma_start3A_41, %dma_start3A_42] : memref<200x100xi32, #tpu.memory_space<vmem>> -> memref<1x100xi32, #tpu.memory_space<vmem>>
      %dma_start3A_44 = tpu.memref_squeeze %dma_start3A_43 : memref<1x100xi32, #tpu.memory_space<vmem>> -> memref<100xi32, #tpu.memory_space<vmem>>
      %dma_start3A_45 = arith.constant 0 : i32
      %dma_start3A_46 = arith.constant 0 : i32
      %dma_start3A_47 = tpu.memref_slice %arg2[%dma_start3A_45, %dma_start3A_46] : memref<10000x64xf32, #tpu.memory_space<hbm>> -> memref<10000x64xf32, #tpu.memory_space<hbm>>
      tpu.enqueue_indirect_dma source(%dma_start3A_47 : memref<10000x64xf32, #tpu.memory_space<hbm>>) target(%arg12 : memref<100x64xf32, #tpu.memory_space<vmem>>) offsets(%dma_start3A_44 : memref<100xi32, #tpu.memory_space<vmem>>) semaphore(%arg16 : memref<!tpu.dma_semaphore, #tpu.memory_space<semaphore_mem>>)
      %dma_start3A_48 = arith.constant 2 : i32
      %dma_start3A_49 = arith.constant 0 : i32
      %dma_start3A_50 = tpu.memref_slice %arg7[%dma_start3A_48, %dma_start3A_49] : memref<200x100xi32, #tpu.memory_space<vmem>> -> memref<1x100xi32, #tpu.memory_space<vmem>>
      %dma_start3A_51 = tpu.memref_squeeze %dma_start3A_50 : memref<1x100xi32, #tpu.memory_space<vmem>> -> memref<100xi32, #tpu.memory_space<vmem>>
      %dma_start3A_52 = arith.constant 0 : i32
      %dma_start3A_53 = arith.constant 0 : i32
      %dma_start3A_54 = tpu.memref_slice %arg2[%dma_start3A_52, %dma_start3A_53] : memref<10000x64xf32, #tpu.memory_space<hbm>> -> memref<10000x64xf32, #tpu.memory_space<hbm>>
      tpu.enqueue_indirect_dma source(%dma_start3A_54 : memref<10000x64xf32, #tpu.memory_space<hbm>>) target(%arg13 : memref<100x64xf32, #tpu.memory_space<vmem>>) offsets(%dma_start3A_51 : memref<100xi32, #tpu.memory_space<vmem>>) semaphore(%arg17 : memref<!tpu.dma_semaphore, #tpu.memory_space<semaphore_mem>>)
      %dma_start3A_55 = arith.constant 3 : i32
      %dma_start3A_56 = arith.constant 0 : i32
      %dma_start3A_57 = tpu.memref_slice %arg7[%dma_start3A_55, %dma_start3A_56] : memref<200x100xi32, #tpu.memory_space<vmem>> -> memref<1x100xi32, #tpu.memory_space<vmem>>
      %dma_start3A_58 = tpu.memref_squeeze %dma_start3A_57 : memref<1x100xi32, #tpu.memory_space<vmem>> -> memref<100xi32, #tpu.memory_space<vmem>>
      %dma_start3A_59 = arith.constant 0 : i32
      %dma_start3A_60 = arith.constant 0 : i32
      %dma_start3A_61 = tpu.memref_slice %arg2[%dma_start3A_59, %dma_start3A_60] : memref<10000x64xf32, #tpu.memory_space<hbm>> -> memref<10000x64xf32, #tpu.memory_space<hbm>>
      tpu.enqueue_indirect_dma source(%dma_start3A_61 : memref<10000x64xf32, #tpu.memory_space<hbm>>) target(%arg14 : memref<100x64xf32, #tpu.memory_space<vmem>>) offsets(%dma_start3A_58 : memref<100xi32, #tpu.memory_space<vmem>>) semaphore(%arg18 : memref<!tpu.dma_semaphore, #tpu.memory_space<semaphore_mem>>)
      %scan3A_62 = arith.constant 0 : i32
      %scan3A_63 = arith.constant 50 : i32
      %scan3A_64 = arith.addi %scan3A_62, %scan3A_63 : i32
      %scan3A_65 = arith.constant 1 : i32
      scf.for %scan3A_67 = %scan3A_62 to %scan3A_64 step %scan3A_65  : i32 {
        %mul3A_68 = arith.constant 4 : i32
        %mul3A_69 = arith.muli %scan3A_67, %mul3A_68 : i32
        %add3A_70 = arith.constant 0 : i32
        %add3A_71 = arith.addi %add3A_70, %mul3A_69 : i32
        %add3A_72 = arith.constant 0 : i32
        %add3A_73 = arith.addi %add3A_71, %add3A_72 : i32
        %dma_wait3A = arith.constant 0 : i32
        %dma_wait3A_74 = tpu.memref_slice %arg7[%add3A_73, %dma_wait3A] : memref<200x100xi32, #tpu.memory_space<vmem>> -> memref<1x100xi32, #tpu.memory_space<vmem>>
        %dma_wait3A_75 = tpu.memref_squeeze %dma_wait3A_74 : memref<1x100xi32, #tpu.memory_space<vmem>> -> memref<100xi32, #tpu.memory_space<vmem>>
        %dma_wait3A_76 = arith.constant 0 : i32
        %dma_wait3A_77 = arith.constant 0 : i32
        %dma_wait3A_78 = tpu.memref_slice %arg2[%dma_wait3A_76, %dma_wait3A_77] : memref<10000x64xf32, #tpu.memory_space<hbm>> -> memref<10000x64xf32, #tpu.memory_space<hbm>>
        tpu.wait_indirect_dma semaphore(%arg15 : memref<!tpu.dma_semaphore, #tpu.memory_space<semaphore_mem>>) src(%dma_wait3A_78 : memref<10000x64xf32, #tpu.memory_space<hbm>>) dst(%arg11 : memref<100x64xf32, #tpu.memory_space<vmem>>)
        "tpu.region"() ({
          %run_scoped3A = tpu.sem_alloc : memref<!tpu.dma_semaphore, #tpu.memory_space<semaphore_mem>>
          %dma_start3A_130 = arith.constant 0 : i32
          %dma_start3A_131 = tpu.memref_slice %arg8[%add3A_73, %dma_start3A_130] : memref<200x100xi32, #tpu.memory_space<vmem>> -> memref<1x100xi32, #tpu.memory_space<vmem>>
          %dma_start3A_132 = tpu.memref_squeeze %dma_start3A_131 : memref<1x100xi32, #tpu.memory_space<vmem>> -> memref<100xi32, #tpu.memory_space<vmem>>
          %dma_start3A_133 = arith.constant 0 : i32
          %dma_start3A_134 = arith.constant 0 : i32
          %dma_start3A_135 = tpu.memref_slice %arg10[%dma_start3A_133, %dma_start3A_134] : memref<10000x64xf32, #tpu.memory_space<vmem_shared>> -> memref<10000x64xf32, #tpu.memory_space<vmem_shared>>
          tpu.enqueue_indirect_dma source(%arg11 : memref<100x64xf32, #tpu.memory_space<vmem>>) target(%dma_start3A_135 : memref<10000x64xf32, #tpu.memory_space<vmem_shared>>) offsets(%dma_start3A_132 : memref<100xi32, #tpu.memory_space<vmem>>) semaphore(%run_scoped3A : memref<!tpu.dma_semaphore, #tpu.memory_space<semaphore_mem>>) {add = true}
          %dma_wait3A_136 = arith.constant 0 : i32
          %dma_wait3A_137 = tpu.memref_slice %arg8[%add3A_73, %dma_wait3A_136] : memref<200x100xi32, #tpu.memory_space<vmem>> -> memref<1x100xi32, #tpu.memory_space<vmem>>
          %dma_wait3A_138 = tpu.memref_squeeze %dma_wait3A_137 : memref<1x100xi32, #tpu.memory_space<vmem>> -> memref<100xi32, #tpu.memory_space<vmem>>
          %dma_wait3A_139 = arith.constant 0 : i32
          %dma_wait3A_140 = arith.constant 0 : i32
          %dma_wait3A_141 = tpu.memref_slice %arg10[%dma_wait3A_139, %dma_wait3A_140] : memref<10000x64xf32, #tpu.memory_space<vmem_shared>> -> memref<10000x64xf32, #tpu.memory_space<vmem_shared>>
          tpu.wait_indirect_dma semaphore(%run_scoped3A : memref<!tpu.dma_semaphore, #tpu.memory_space<semaphore_mem>>) src(%arg11 : memref<100x64xf32, #tpu.memory_space<vmem>>) dst(%dma_wait3A_141 : memref<10000x64xf32, #tpu.memory_space<vmem_shared>>)
          tpu.yield
        }) : () -> ()
        %add3A_79 = arith.constant 4 : i32
        %add3A_80 = arith.addi %add3A_73, %add3A_79 : i32
        %lt3A = arith.constant 200 : i32
        %lt3A_81 = arith.cmpi slt, %add3A_80, %lt3A : i32
        %convert_element_type3A_82 = arith.extui %lt3A_81 : i1 to i32
        %cond3A_83 = arith.constant 0 : i32
        %cond3A_84 = arith.cmpi ne, %convert_element_type3A_82, %cond3A_83 : i32
        scf.if %cond3A_84 {
          %add3A_130 = arith.constant 4 : i32
          %add3A_131 = arith.addi %add3A_73, %add3A_130 : i32
          %dma_start3A_132 = arith.constant 0 : i32
          %dma_start3A_133 = tpu.memref_slice %arg7[%add3A_131, %dma_start3A_132] : memref<200x100xi32, #tpu.memory_space<vmem>> -> memref<1x100xi32, #tpu.memory_space<vmem>>
          %dma_start3A_134 = tpu.memref_squeeze %dma_start3A_133 : memref<1x100xi32, #tpu.memory_space<vmem>> -> memref<100xi32, #tpu.memory_space<vmem>>
          %dma_start3A_135 = arith.constant 0 : i32
          %dma_start3A_136 = arith.constant 0 : i32
          %dma_start3A_137 = tpu.memref_slice %arg2[%dma_start3A_135, %dma_start3A_136] : memref<10000x64xf32, #tpu.memory_space<hbm>> -> memref<10000x64xf32, #tpu.memory_space<hbm>>
          tpu.enqueue_indirect_dma source(%dma_start3A_137 : memref<10000x64xf32, #tpu.memory_space<hbm>>) target(%arg11 : memref<100x64xf32, #tpu.memory_space<vmem>>) offsets(%dma_start3A_134 : memref<100xi32, #tpu.memory_space<vmem>>) semaphore(%arg15 : memref<!tpu.dma_semaphore, #tpu.memory_space<semaphore_mem>>)
        } else {
        }
        %add3A_85 = arith.constant 1 : i32
        %add3A_86 = arith.addi %add3A_71, %add3A_85 : i32
        %dma_wait3A_87 = arith.constant 0 : i32
        %dma_wait3A_88 = tpu.memref_slice %arg7[%add3A_86, %dma_wait3A_87] : memref<200x100xi32, #tpu.memory_space<vmem>> -> memref<1x100xi32, #tpu.memory_space<vmem>>
        %dma_wait3A_89 = tpu.memref_squeeze %dma_wait3A_88 : memref<1x100xi32, #tpu.memory_space<vmem>> -> memref<100xi32, #tpu.memory_space<vmem>>
        %dma_wait3A_90 = arith.constant 0 : i32
        %dma_wait3A_91 = arith.constant 0 : i32
        %dma_wait3A_92 = tpu.memref_slice %arg2[%dma_wait3A_90, %dma_wait3A_91] : memref<10000x64xf32, #tpu.memory_space<hbm>> -> memref<10000x64xf32, #tpu.memory_space<hbm>>
        tpu.wait_indirect_dma semaphore(%arg16 : memref<!tpu.dma_semaphore, #tpu.memory_space<semaphore_mem>>) src(%dma_wait3A_92 : memref<10000x64xf32, #tpu.memory_space<hbm>>) dst(%arg12 : memref<100x64xf32, #tpu.memory_space<vmem>>)
        "tpu.region"() ({
          %run_scoped3A = tpu.sem_alloc : memref<!tpu.dma_semaphore, #tpu.memory_space<semaphore_mem>>
          %dma_start3A_130 = arith.constant 0 : i32
          %dma_start3A_131 = tpu.memref_slice %arg8[%add3A_86, %dma_start3A_130] : memref<200x100xi32, #tpu.memory_space<vmem>> -> memref<1x100xi32, #tpu.memory_space<vmem>>
          %dma_start3A_132 = tpu.memref_squeeze %dma_start3A_131 : memref<1x100xi32, #tpu.memory_space<vmem>> -> memref<100xi32, #tpu.memory_space<vmem>>
          %dma_start3A_133 = arith.constant 0 : i32
          %dma_start3A_134 = arith.constant 0 : i32
          %dma_start3A_135 = tpu.memref_slice %arg10[%dma_start3A_133, %dma_start3A_134] : memref<10000x64xf32, #tpu.memory_space<vmem_shared>> -> memref<10000x64xf32, #tpu.memory_space<vmem_shared>>
          tpu.enqueue_indirect_dma source(%arg12 : memref<100x64xf32, #tpu.memory_space<vmem>>) target(%dma_start3A_135 : memref<10000x64xf32, #tpu.memory_space<vmem_shared>>) offsets(%dma_start3A_132 : memref<100xi32, #tpu.memory_space<vmem>>) semaphore(%run_scoped3A : memref<!tpu.dma_semaphore, #tpu.memory_space<semaphore_mem>>) {add = true}
          %dma_wait3A_136 = arith.constant 0 : i32
          %dma_wait3A_137 = tpu.memref_slice %arg8[%add3A_86, %dma_wait3A_136] : memref<200x100xi32, #tpu.memory_space<vmem>> -> memref<1x100xi32, #tpu.memory_space<vmem>>
          %dma_wait3A_138 = tpu.memref_squeeze %dma_wait3A_137 : memref<1x100xi32, #tpu.memory_space<vmem>> -> memref<100xi32, #tpu.memory_space<vmem>>
          %dma_wait3A_139 = arith.constant 0 : i32
          %dma_wait3A_140 = arith.constant 0 : i32
          %dma_wait3A_141 = tpu.memref_slice %arg10[%dma_wait3A_139, %dma_wait3A_140] : memref<10000x64xf32, #tpu.memory_space<vmem_shared>> -> memref<10000x64xf32, #tpu.memory_space<vmem_shared>>
          tpu.wait_indirect_dma semaphore(%run_scoped3A : memref<!tpu.dma_semaphore, #tpu.memory_space<semaphore_mem>>) src(%arg12 : memref<100x64xf32, #tpu.memory_space<vmem>>) dst(%dma_wait3A_141 : memref<10000x64xf32, #tpu.memory_space<vmem_shared>>)
          tpu.yield
        }) : () -> ()
        %add3A_93 = arith.constant 4 : i32
        %add3A_94 = arith.addi %add3A_86, %add3A_93 : i32
        %lt3A_95 = arith.constant 200 : i32
        %lt3A_96 = arith.cmpi slt, %add3A_94, %lt3A_95 : i32
        %convert_element_type3A_97 = arith.extui %lt3A_96 : i1 to i32
        %cond3A_98 = arith.constant 0 : i32
        %cond3A_99 = arith.cmpi ne, %convert_element_type3A_97, %cond3A_98 : i32
        scf.if %cond3A_99 {
          %add3A_130 = arith.constant 4 : i32
          %add3A_131 = arith.addi %add3A_86, %add3A_130 : i32
          %dma_start3A_132 = arith.constant 0 : i32
          %dma_start3A_133 = tpu.memref_slice %arg7[%add3A_131, %dma_start3A_132] : memref<200x100xi32, #tpu.memory_space<vmem>> -> memref<1x100xi32, #tpu.memory_space<vmem>>
          %dma_start3A_134 = tpu.memref_squeeze %dma_start3A_133 : memref<1x100xi32, #tpu.memory_space<vmem>> -> memref<100xi32, #tpu.memory_space<vmem>>
          %dma_start3A_135 = arith.constant 0 : i32
          %dma_start3A_136 = arith.constant 0 : i32
          %dma_start3A_137 = tpu.memref_slice %arg2[%dma_start3A_135, %dma_start3A_136] : memref<10000x64xf32, #tpu.memory_space<hbm>> -> memref<10000x64xf32, #tpu.memory_space<hbm>>
          tpu.enqueue_indirect_dma source(%dma_start3A_137 : memref<10000x64xf32, #tpu.memory_space<hbm>>) target(%arg12 : memref<100x64xf32, #tpu.memory_space<vmem>>) offsets(%dma_start3A_134 : memref<100xi32, #tpu.memory_space<vmem>>) semaphore(%arg16 : memref<!tpu.dma_semaphore, #tpu.memory_space<semaphore_mem>>)
        } else {
        }
        %add3A_100 = arith.constant 2 : i32
        %add3A_101 = arith.addi %add3A_71, %add3A_100 : i32
        %dma_wait3A_102 = arith.constant 0 : i32
        %dma_wait3A_103 = tpu.memref_slice %arg7[%add3A_101, %dma_wait3A_102] : memref<200x100xi32, #tpu.memory_space<vmem>> -> memref<1x100xi32, #tpu.memory_space<vmem>>
        %dma_wait3A_104 = tpu.memref_squeeze %dma_wait3A_103 : memref<1x100xi32, #tpu.memory_space<vmem>> -> memref<100xi32, #tpu.memory_space<vmem>>
        %dma_wait3A_105 = arith.constant 0 : i32
        %dma_wait3A_106 = arith.constant 0 : i32
        %dma_wait3A_107 = tpu.memref_slice %arg2[%dma_wait3A_105, %dma_wait3A_106] : memref<10000x64xf32, #tpu.memory_space<hbm>> -> memref<10000x64xf32, #tpu.memory_space<hbm>>
        tpu.wait_indirect_dma semaphore(%arg17 : memref<!tpu.dma_semaphore, #tpu.memory_space<semaphore_mem>>) src(%dma_wait3A_107 : memref<10000x64xf32, #tpu.memory_space<hbm>>) dst(%arg13 : memref<100x64xf32, #tpu.memory_space<vmem>>)
        "tpu.region"() ({
          %run_scoped3A = tpu.sem_alloc : memref<!tpu.dma_semaphore, #tpu.memory_space<semaphore_mem>>
          %dma_start3A_130 = arith.constant 0 : i32
          %dma_start3A_131 = tpu.memref_slice %arg8[%add3A_101, %dma_start3A_130] : memref<200x100xi32, #tpu.memory_space<vmem>> -> memref<1x100xi32, #tpu.memory_space<vmem>>
          %dma_start3A_132 = tpu.memref_squeeze %dma_start3A_131 : memref<1x100xi32, #tpu.memory_space<vmem>> -> memref<100xi32, #tpu.memory_space<vmem>>
          %dma_start3A_133 = arith.constant 0 : i32
          %dma_start3A_134 = arith.constant 0 : i32
          %dma_start3A_135 = tpu.memref_slice %arg10[%dma_start3A_133, %dma_start3A_134] : memref<10000x64xf32, #tpu.memory_space<vmem_shared>> -> memref<10000x64xf32, #tpu.memory_space<vmem_shared>>
          tpu.enqueue_indirect_dma source(%arg13 : memref<100x64xf32, #tpu.memory_space<vmem>>) target(%dma_start3A_135 : memref<10000x64xf32, #tpu.memory_space<vmem_shared>>) offsets(%dma_start3A_132 : memref<100xi32, #tpu.memory_space<vmem>>) semaphore(%run_scoped3A : memref<!tpu.dma_semaphore, #tpu.memory_space<semaphore_mem>>) {add = true}
          %dma_wait3A_136 = arith.constant 0 : i32
          %dma_wait3A_137 = tpu.memref_slice %arg8[%add3A_101, %dma_wait3A_136] : memref<200x100xi32, #tpu.memory_space<vmem>> -> memref<1x100xi32, #tpu.memory_space<vmem>>
          %dma_wait3A_138 = tpu.memref_squeeze %dma_wait3A_137 : memref<1x100xi32, #tpu.memory_space<vmem>> -> memref<100xi32, #tpu.memory_space<vmem>>
          %dma_wait3A_139 = arith.constant 0 : i32
          %dma_wait3A_140 = arith.constant 0 : i32
          %dma_wait3A_141 = tpu.memref_slice %arg10[%dma_wait3A_139, %dma_wait3A_140] : memref<10000x64xf32, #tpu.memory_space<vmem_shared>> -> memref<10000x64xf32, #tpu.memory_space<vmem_shared>>
          tpu.wait_indirect_dma semaphore(%run_scoped3A : memref<!tpu.dma_semaphore, #tpu.memory_space<semaphore_mem>>) src(%arg13 : memref<100x64xf32, #tpu.memory_space<vmem>>) dst(%dma_wait3A_141 : memref<10000x64xf32, #tpu.memory_space<vmem_shared>>)
          tpu.yield
        }) : () -> ()
        %add3A_108 = arith.constant 4 : i32
        %add3A_109 = arith.addi %add3A_101, %add3A_108 : i32
        %lt3A_110 = arith.constant 200 : i32
        %lt3A_111 = arith.cmpi slt, %add3A_109, %lt3A_110 : i32
        %convert_element_type3A_112 = arith.extui %lt3A_111 : i1 to i32
        %cond3A_113 = arith.constant 0 : i32
        %cond3A_114 = arith.cmpi ne, %convert_element_type3A_112, %cond3A_113 : i32
        scf.if %cond3A_114 {
          %add3A_130 = arith.constant 4 : i32
          %add3A_131 = arith.addi %add3A_101, %add3A_130 : i32
          %dma_start3A_132 = arith.constant 0 : i32
          %dma_start3A_133 = tpu.memref_slice %arg7[%add3A_131, %dma_start3A_132] : memref<200x100xi32, #tpu.memory_space<vmem>> -> memref<1x100xi32, #tpu.memory_space<vmem>>
          %dma_start3A_134 = tpu.memref_squeeze %dma_start3A_133 : memref<1x100xi32, #tpu.memory_space<vmem>> -> memref<100xi32, #tpu.memory_space<vmem>>
          %dma_start3A_135 = arith.constant 0 : i32
          %dma_start3A_136 = arith.constant 0 : i32
          %dma_start3A_137 = tpu.memref_slice %arg2[%dma_start3A_135, %dma_start3A_136] : memref<10000x64xf32, #tpu.memory_space<hbm>> -> memref<10000x64xf32, #tpu.memory_space<hbm>>
          tpu.enqueue_indirect_dma source(%dma_start3A_137 : memref<10000x64xf32, #tpu.memory_space<hbm>>) target(%arg13 : memref<100x64xf32, #tpu.memory_space<vmem>>) offsets(%dma_start3A_134 : memref<100xi32, #tpu.memory_space<vmem>>) semaphore(%arg17 : memref<!tpu.dma_semaphore, #tpu.memory_space<semaphore_mem>>)
        } else {
        }
        %add3A_115 = arith.constant 3 : i32
        %add3A_116 = arith.addi %add3A_71, %add3A_115 : i32
        %dma_wait3A_117 = arith.constant 0 : i32
        %dma_wait3A_118 = tpu.memref_slice %arg7[%add3A_116, %dma_wait3A_117] : memref<200x100xi32, #tpu.memory_space<vmem>> -> memref<1x100xi32, #tpu.memory_space<vmem>>
        %dma_wait3A_119 = tpu.memref_squeeze %dma_wait3A_118 : memref<1x100xi32, #tpu.memory_space<vmem>> -> memref<100xi32, #tpu.memory_space<vmem>>
        %dma_wait3A_120 = arith.constant 0 : i32
        %dma_wait3A_121 = arith.constant 0 : i32
        %dma_wait3A_122 = tpu.memref_slice %arg2[%dma_wait3A_120, %dma_wait3A_121] : memref<10000x64xf32, #tpu.memory_space<hbm>> -> memref<10000x64xf32, #tpu.memory_space<hbm>>
        tpu.wait_indirect_dma semaphore(%arg18 : memref<!tpu.dma_semaphore, #tpu.memory_space<semaphore_mem>>) src(%dma_wait3A_122 : memref<10000x64xf32, #tpu.memory_space<hbm>>) dst(%arg14 : memref<100x64xf32, #tpu.memory_space<vmem>>)
        "tpu.region"() ({
          %run_scoped3A = tpu.sem_alloc : memref<!tpu.dma_semaphore, #tpu.memory_space<semaphore_mem>>
          %dma_start3A_130 = arith.constant 0 : i32
          %dma_start3A_131 = tpu.memref_slice %arg8[%add3A_116, %dma_start3A_130] : memref<200x100xi32, #tpu.memory_space<vmem>> -> memref<1x100xi32, #tpu.memory_space<vmem>>
          %dma_start3A_132 = tpu.memref_squeeze %dma_start3A_131 : memref<1x100xi32, #tpu.memory_space<vmem>> -> memref<100xi32, #tpu.memory_space<vmem>>
          %dma_start3A_133 = arith.constant 0 : i32
          %dma_start3A_134 = arith.constant 0 : i32
          %dma_start3A_135 = tpu.memref_slice %arg10[%dma_start3A_133, %dma_start3A_134] : memref<10000x64xf32, #tpu.memory_space<vmem_shared>> -> memref<10000x64xf32, #tpu.memory_space<vmem_shared>>
          tpu.enqueue_indirect_dma source(%arg14 : memref<100x64xf32, #tpu.memory_space<vmem>>) target(%dma_start3A_135 : memref<10000x64xf32, #tpu.memory_space<vmem_shared>>) offsets(%dma_start3A_132 : memref<100xi32, #tpu.memory_space<vmem>>) semaphore(%run_scoped3A : memref<!tpu.dma_semaphore, #tpu.memory_space<semaphore_mem>>) {add = true}
          %dma_wait3A_136 = arith.constant 0 : i32
          %dma_wait3A_137 = tpu.memref_slice %arg8[%add3A_116, %dma_wait3A_136] : memref<200x100xi32, #tpu.memory_space<vmem>> -> memref<1x100xi32, #tpu.memory_space<vmem>>
          %dma_wait3A_138 = tpu.memref_squeeze %dma_wait3A_137 : memref<1x100xi32, #tpu.memory_space<vmem>> -> memref<100xi32, #tpu.memory_space<vmem>>
          %dma_wait3A_139 = arith.constant 0 : i32
          %dma_wait3A_140 = arith.constant 0 : i32
          %dma_wait3A_141 = tpu.memref_slice %arg10[%dma_wait3A_139, %dma_wait3A_140] : memref<10000x64xf32, #tpu.memory_space<vmem_shared>> -> memref<10000x64xf32, #tpu.memory_space<vmem_shared>>
          tpu.wait_indirect_dma semaphore(%run_scoped3A : memref<!tpu.dma_semaphore, #tpu.memory_space<semaphore_mem>>) src(%arg14 : memref<100x64xf32, #tpu.memory_space<vmem>>) dst(%dma_wait3A_141 : memref<10000x64xf32, #tpu.memory_space<vmem_shared>>)
          tpu.yield
        }) : () -> ()
        %add3A_123 = arith.constant 4 : i32
        %add3A_124 = arith.addi %add3A_116, %add3A_123 : i32
        %lt3A_125 = arith.constant 200 : i32
        %lt3A_126 = arith.cmpi slt, %add3A_124, %lt3A_125 : i32
        %convert_element_type3A_127 = arith.extui %lt3A_126 : i1 to i32
        %cond3A_128 = arith.constant 0 : i32
        %cond3A_129 = arith.cmpi ne, %convert_element_type3A_127, %cond3A_128 : i32
        scf.if %cond3A_129 {
          %add3A_130 = arith.constant 4 : i32
          %add3A_131 = arith.addi %add3A_116, %add3A_130 : i32
          %dma_start3A_132 = arith.constant 0 : i32
          %dma_start3A_133 = tpu.memref_slice %arg7[%add3A_131, %dma_start3A_132] : memref<200x100xi32, #tpu.memory_space<vmem>> -> memref<1x100xi32, #tpu.memory_space<vmem>>
          %dma_start3A_134 = tpu.memref_squeeze %dma_start3A_133 : memref<1x100xi32, #tpu.memory_space<vmem>> -> memref<100xi32, #tpu.memory_space<vmem>>
          %dma_start3A_135 = arith.constant 0 : i32
          %dma_start3A_136 = arith.constant 0 : i32
          %dma_start3A_137 = tpu.memref_slice %arg2[%dma_start3A_135, %dma_start3A_136] : memref<10000x64xf32, #tpu.memory_space<hbm>> -> memref<10000x64xf32, #tpu.memory_space<hbm>>
          tpu.enqueue_indirect_dma source(%dma_start3A_137 : memref<10000x64xf32, #tpu.memory_space<hbm>>) target(%arg14 : memref<100x64xf32, #tpu.memory_space<vmem>>) offsets(%dma_start3A_134 : memref<100xi32, #tpu.memory_space<vmem>>) semaphore(%arg18 : memref<!tpu.dma_semaphore, #tpu.memory_space<semaphore_mem>>)
        } else {
        }
      }
      %scan3A_66 = arith.constant 50 : i32
    } else {
    }
    %eq3A_24 = arith.constant 1 : i32
    %eq3A_25 = arith.cmpi eq, %arg0, %eq3A_24 : i32
    %convert_element_type3A_26 = arith.extui %eq3A_25 : i1 to i32
    %cond3A_27 = arith.constant 0 : i32
    %cond3A_28 = arith.cmpi ne, %convert_element_type3A_26, %cond3A_27 : i32
    scf.if %cond3A_28 {
      %dma_start3A = arith.constant 0 : i32
      %dma_start3A_35 = arith.constant 0 : i32
      %dma_start3A_36 = tpu.memref_slice %arg7[%dma_start3A, %dma_start3A_35] : memref<200x100xi32, #tpu.memory_space<vmem>> -> memref<1x100xi32, #tpu.memory_space<vmem>>
      %dma_start3A_37 = tpu.memref_squeeze %dma_start3A_36 : memref<1x100xi32, #tpu.memory_space<vmem>> -> memref<100xi32, #tpu.memory_space<vmem>>
      %dma_start3A_38 = arith.constant 0 : i32
      %dma_start3A_39 = arith.constant 0 : i32
      %dma_start3A_40 = tpu.memref_slice %arg3[%dma_start3A_38, %dma_start3A_39] : memref<10000x64xf32, #tpu.memory_space<hbm>> -> memref<10000x64xf32, #tpu.memory_space<hbm>>
      tpu.enqueue_indirect_dma source(%dma_start3A_40 : memref<10000x64xf32, #tpu.memory_space<hbm>>) target(%arg11 : memref<100x64xf32, #tpu.memory_space<vmem>>) offsets(%dma_start3A_37 : memref<100xi32, #tpu.memory_space<vmem>>) semaphore(%arg15 : memref<!tpu.dma_semaphore, #tpu.memory_space<semaphore_mem>>)
      %dma_start3A_41 = arith.constant 1 : i32
      %dma_start3A_42 = arith.constant 0 : i32
      %dma_start3A_43 = tpu.memref_slice %arg7[%dma_start3A_41, %dma_start3A_42] : memref<200x100xi32, #tpu.memory_space<vmem>> -> memref<1x100xi32, #tpu.memory_space<vmem>>
      %dma_start3A_44 = tpu.memref_squeeze %dma_start3A_43 : memref<1x100xi32, #tpu.memory_space<vmem>> -> memref<100xi32, #tpu.memory_space<vmem>>
      %dma_start3A_45 = arith.constant 0 : i32
      %dma_start3A_46 = arith.constant 0 : i32
      %dma_start3A_47 = tpu.memref_slice %arg3[%dma_start3A_45, %dma_start3A_46] : memref<10000x64xf32, #tpu.memory_space<hbm>> -> memref<10000x64xf32, #tpu.memory_space<hbm>>
      tpu.enqueue_indirect_dma source(%dma_start3A_47 : memref<10000x64xf32, #tpu.memory_space<hbm>>) target(%arg12 : memref<100x64xf32, #tpu.memory_space<vmem>>) offsets(%dma_start3A_44 : memref<100xi32, #tpu.memory_space<vmem>>) semaphore(%arg16 : memref<!tpu.dma_semaphore, #tpu.memory_space<semaphore_mem>>)
      %dma_start3A_48 = arith.constant 2 : i32
      %dma_start3A_49 = arith.constant 0 : i32
      %dma_start3A_50 = tpu.memref_slice %arg7[%dma_start3A_48, %dma_start3A_49] : memref<200x100xi32, #tpu.memory_space<vmem>> -> memref<1x100xi32, #tpu.memory_space<vmem>>
      %dma_start3A_51 = tpu.memref_squeeze %dma_start3A_50 : memref<1x100xi32, #tpu.memory_space<vmem>> -> memref<100xi32, #tpu.memory_space<vmem>>
      %dma_start3A_52 = arith.constant 0 : i32
      %dma_start3A_53 = arith.constant 0 : i32
      %dma_start3A_54 = tpu.memref_slice %arg3[%dma_start3A_52, %dma_start3A_53] : memref<10000x64xf32, #tpu.memory_space<hbm>> -> memref<10000x64xf32, #tpu.memory_space<hbm>>
      tpu.enqueue_indirect_dma source(%dma_start3A_54 : memref<10000x64xf32, #tpu.memory_space<hbm>>) target(%arg13 : memref<100x64xf32, #tpu.memory_space<vmem>>) offsets(%dma_start3A_51 : memref<100xi32, #tpu.memory_space<vmem>>) semaphore(%arg17 : memref<!tpu.dma_semaphore, #tpu.memory_space<semaphore_mem>>)
      %dma_start3A_55 = arith.constant 3 : i32
      %dma_start3A_56 = arith.constant 0 : i32
      %dma_start3A_57 = tpu.memref_slice %arg7[%dma_start3A_55, %dma_start3A_56] : memref<200x100xi32, #tpu.memory_space<vmem>> -> memref<1x100xi32, #tpu.memory_space<vmem>>
      %dma_start3A_58 = tpu.memref_squeeze %dma_start3A_57 : memref<1x100xi32, #tpu.memory_space<vmem>> -> memref<100xi32, #tpu.memory_space<vmem>>
      %dma_start3A_59 = arith.constant 0 : i32
      %dma_start3A_60 = arith.constant 0 : i32
      %dma_start3A_61 = tpu.memref_slice %arg3[%dma_start3A_59, %dma_start3A_60] : memref<10000x64xf32, #tpu.memory_space<hbm>> -> memref<10000x64xf32, #tpu.memory_space<hbm>>
      tpu.enqueue_indirect_dma source(%dma_start3A_61 : memref<10000x64xf32, #tpu.memory_space<hbm>>) target(%arg14 : memref<100x64xf32, #tpu.memory_space<vmem>>) offsets(%dma_start3A_58 : memref<100xi32, #tpu.memory_space<vmem>>) semaphore(%arg18 : memref<!tpu.dma_semaphore, #tpu.memory_space<semaphore_mem>>)
      %scan3A_62 = arith.constant 0 : i32
      %scan3A_63 = arith.constant 50 : i32
      %scan3A_64 = arith.addi %scan3A_62, %scan3A_63 : i32
      %scan3A_65 = arith.constant 1 : i32
      scf.for %scan3A_67 = %scan3A_62 to %scan3A_64 step %scan3A_65  : i32 {
        %mul3A_68 = arith.constant 4 : i32
        %mul3A_69 = arith.muli %scan3A_67, %mul3A_68 : i32
        %add3A_70 = arith.constant 0 : i32
        %add3A_71 = arith.addi %add3A_70, %mul3A_69 : i32
        %add3A_72 = arith.constant 0 : i32
        %add3A_73 = arith.addi %add3A_71, %add3A_72 : i32
        %dma_wait3A = arith.constant 0 : i32
        %dma_wait3A_74 = tpu.memref_slice %arg7[%add3A_73, %dma_wait3A] : memref<200x100xi32, #tpu.memory_space<vmem>> -> memref<1x100xi32, #tpu.memory_space<vmem>>
        %dma_wait3A_75 = tpu.memref_squeeze %dma_wait3A_74 : memref<1x100xi32, #tpu.memory_space<vmem>> -> memref<100xi32, #tpu.memory_space<vmem>>
        %dma_wait3A_76 = arith.constant 0 : i32
        %dma_wait3A_77 = arith.constant 0 : i32
        %dma_wait3A_78 = tpu.memref_slice %arg3[%dma_wait3A_76, %dma_wait3A_77] : memref<10000x64xf32, #tpu.memory_space<hbm>> -> memref<10000x64xf32, #tpu.memory_space<hbm>>
        tpu.wait_indirect_dma semaphore(%arg15 : memref<!tpu.dma_semaphore, #tpu.memory_space<semaphore_mem>>) src(%dma_wait3A_78 : memref<10000x64xf32, #tpu.memory_space<hbm>>) dst(%arg11 : memref<100x64xf32, #tpu.memory_space<vmem>>)
        "tpu.region"() ({
          %run_scoped3A = tpu.sem_alloc : memref<!tpu.dma_semaphore, #tpu.memory_space<semaphore_mem>>
          %dma_start3A_130 = arith.constant 0 : i32
          %dma_start3A_131 = tpu.memref_slice %arg8[%add3A_73, %dma_start3A_130] : memref<200x100xi32, #tpu.memory_space<vmem>> -> memref<1x100xi32, #tpu.memory_space<vmem>>
          %dma_start3A_132 = tpu.memref_squeeze %dma_start3A_131 : memref<1x100xi32, #tpu.memory_space<vmem>> -> memref<100xi32, #tpu.memory_space<vmem>>
          %dma_start3A_133 = arith.constant 0 : i32
          %dma_start3A_134 = arith.constant 0 : i32
          %dma_start3A_135 = tpu.memref_slice %arg10[%dma_start3A_133, %dma_start3A_134] : memref<10000x64xf32, #tpu.memory_space<vmem_shared>> -> memref<10000x64xf32, #tpu.memory_space<vmem_shared>>
          tpu.enqueue_indirect_dma source(%arg11 : memref<100x64xf32, #tpu.memory_space<vmem>>) target(%dma_start3A_135 : memref<10000x64xf32, #tpu.memory_space<vmem_shared>>) offsets(%dma_start3A_132 : memref<100xi32, #tpu.memory_space<vmem>>) semaphore(%run_scoped3A : memref<!tpu.dma_semaphore, #tpu.memory_space<semaphore_mem>>) {add = true}
          %dma_wait3A_136 = arith.constant 0 : i32
          %dma_wait3A_137 = tpu.memref_slice %arg8[%add3A_73, %dma_wait3A_136] : memref<200x100xi32, #tpu.memory_space<vmem>> -> memref<1x100xi32, #tpu.memory_space<vmem>>
          %dma_wait3A_138 = tpu.memref_squeeze %dma_wait3A_137 : memref<1x100xi32, #tpu.memory_space<vmem>> -> memref<100xi32, #tpu.memory_space<vmem>>
          %dma_wait3A_139 = arith.constant 0 : i32
          %dma_wait3A_140 = arith.constant 0 : i32
          %dma_wait3A_141 = tpu.memref_slice %arg10[%dma_wait3A_139, %dma_wait3A_140] : memref<10000x64xf32, #tpu.memory_space<vmem_shared>> -> memref<10000x64xf32, #tpu.memory_space<vmem_shared>>
          tpu.wait_indirect_dma semaphore(%run_scoped3A : memref<!tpu.dma_semaphore, #tpu.memory_space<semaphore_mem>>) src(%arg11 : memref<100x64xf32, #tpu.memory_space<vmem>>) dst(%dma_wait3A_141 : memref<10000x64xf32, #tpu.memory_space<vmem_shared>>)
          tpu.yield
        }) : () -> ()
        %add3A_79 = arith.constant 4 : i32
        %add3A_80 = arith.addi %add3A_73, %add3A_79 : i32
        %lt3A = arith.constant 200 : i32
        %lt3A_81 = arith.cmpi slt, %add3A_80, %lt3A : i32
        %convert_element_type3A_82 = arith.extui %lt3A_81 : i1 to i32
        %cond3A_83 = arith.constant 0 : i32
        %cond3A_84 = arith.cmpi ne, %convert_element_type3A_82, %cond3A_83 : i32
        scf.if %cond3A_84 {
          %add3A_130 = arith.constant 4 : i32
          %add3A_131 = arith.addi %add3A_73, %add3A_130 : i32
          %dma_start3A_132 = arith.constant 0 : i32
          %dma_start3A_133 = tpu.memref_slice %arg7[%add3A_131, %dma_start3A_132] : memref<200x100xi32, #tpu.memory_space<vmem>> -> memref<1x100xi32, #tpu.memory_space<vmem>>
          %dma_start3A_134 = tpu.memref_squeeze %dma_start3A_133 : memref<1x100xi32, #tpu.memory_space<vmem>> -> memref<100xi32, #tpu.memory_space<vmem>>
          %dma_start3A_135 = arith.constant 0 : i32
          %dma_start3A_136 = arith.constant 0 : i32
          %dma_start3A_137 = tpu.memref_slice %arg3[%dma_start3A_135, %dma_start3A_136] : memref<10000x64xf32, #tpu.memory_space<hbm>> -> memref<10000x64xf32, #tpu.memory_space<hbm>>
          tpu.enqueue_indirect_dma source(%dma_start3A_137 : memref<10000x64xf32, #tpu.memory_space<hbm>>) target(%arg11 : memref<100x64xf32, #tpu.memory_space<vmem>>) offsets(%dma_start3A_134 : memref<100xi32, #tpu.memory_space<vmem>>) semaphore(%arg15 : memref<!tpu.dma_semaphore, #tpu.memory_space<semaphore_mem>>)
        } else {
        }
        %add3A_85 = arith.constant 1 : i32
        %add3A_86 = arith.addi %add3A_71, %add3A_85 : i32
        %dma_wait3A_87 = arith.constant 0 : i32
        %dma_wait3A_88 = tpu.memref_slice %arg7[%add3A_86, %dma_wait3A_87] : memref<200x100xi32, #tpu.memory_space<vmem>> -> memref<1x100xi32, #tpu.memory_space<vmem>>
        %dma_wait3A_89 = tpu.memref_squeeze %dma_wait3A_88 : memref<1x100xi32, #tpu.memory_space<vmem>> -> memref<100xi32, #tpu.memory_space<vmem>>
        %dma_wait3A_90 = arith.constant 0 : i32
        %dma_wait3A_91 = arith.constant 0 : i32
        %dma_wait3A_92 = tpu.memref_slice %arg3[%dma_wait3A_90, %dma_wait3A_91] : memref<10000x64xf32, #tpu.memory_space<hbm>> -> memref<10000x64xf32, #tpu.memory_space<hbm>>
        tpu.wait_indirect_dma semaphore(%arg16 : memref<!tpu.dma_semaphore, #tpu.memory_space<semaphore_mem>>) src(%dma_wait3A_92 : memref<10000x64xf32, #tpu.memory_space<hbm>>) dst(%arg12 : memref<100x64xf32, #tpu.memory_space<vmem>>)
        "tpu.region"() ({
          %run_scoped3A = tpu.sem_alloc : memref<!tpu.dma_semaphore, #tpu.memory_space<semaphore_mem>>
          %dma_start3A_130 = arith.constant 0 : i32
          %dma_start3A_131 = tpu.memref_slice %arg8[%add3A_86, %dma_start3A_130] : memref<200x100xi32, #tpu.memory_space<vmem>> -> memref<1x100xi32, #tpu.memory_space<vmem>>
          %dma_start3A_132 = tpu.memref_squeeze %dma_start3A_131 : memref<1x100xi32, #tpu.memory_space<vmem>> -> memref<100xi32, #tpu.memory_space<vmem>>
          %dma_start3A_133 = arith.constant 0 : i32
          %dma_start3A_134 = arith.constant 0 : i32
          %dma_start3A_135 = tpu.memref_slice %arg10[%dma_start3A_133, %dma_start3A_134] : memref<10000x64xf32, #tpu.memory_space<vmem_shared>> -> memref<10000x64xf32, #tpu.memory_space<vmem_shared>>
          tpu.enqueue_indirect_dma source(%arg12 : memref<100x64xf32, #tpu.memory_space<vmem>>) target(%dma_start3A_135 : memref<10000x64xf32, #tpu.memory_space<vmem_shared>>) offsets(%dma_start3A_132 : memref<100xi32, #tpu.memory_space<vmem>>) semaphore(%run_scoped3A : memref<!tpu.dma_semaphore, #tpu.memory_space<semaphore_mem>>) {add = true}
          %dma_wait3A_136 = arith.constant 0 : i32
          %dma_wait3A_137 = tpu.memref_slice %arg8[%add3A_86, %dma_wait3A_136] : memref<200x100xi32, #tpu.memory_space<vmem>> -> memref<1x100xi32, #tpu.memory_space<vmem>>
          %dma_wait3A_138 = tpu.memref_squeeze %dma_wait3A_137 : memref<1x100xi32, #tpu.memory_space<vmem>> -> memref<100xi32, #tpu.memory_space<vmem>>
          %dma_wait3A_139 = arith.constant 0 : i32
          %dma_wait3A_140 = arith.constant 0 : i32
          %dma_wait3A_141 = tpu.memref_slice %arg10[%dma_wait3A_139, %dma_wait3A_140] : memref<10000x64xf32, #tpu.memory_space<vmem_shared>> -> memref<10000x64xf32, #tpu.memory_space<vmem_shared>>
          tpu.wait_indirect_dma semaphore(%run_scoped3A : memref<!tpu.dma_semaphore, #tpu.memory_space<semaphore_mem>>) src(%arg12 : memref<100x64xf32, #tpu.memory_space<vmem>>) dst(%dma_wait3A_141 : memref<10000x64xf32, #tpu.memory_space<vmem_shared>>)
          tpu.yield
        }) : () -> ()
        %add3A_93 = arith.constant 4 : i32
        %add3A_94 = arith.addi %add3A_86, %add3A_93 : i32
        %lt3A_95 = arith.constant 200 : i32
        %lt3A_96 = arith.cmpi slt, %add3A_94, %lt3A_95 : i32
        %convert_element_type3A_97 = arith.extui %lt3A_96 : i1 to i32
        %cond3A_98 = arith.constant 0 : i32
        %cond3A_99 = arith.cmpi ne, %convert_element_type3A_97, %cond3A_98 : i32
        scf.if %cond3A_99 {
          %add3A_130 = arith.constant 4 : i32
          %add3A_131 = arith.addi %add3A_86, %add3A_130 : i32
          %dma_start3A_132 = arith.constant 0 : i32
          %dma_start3A_133 = tpu.memref_slice %arg7[%add3A_131, %dma_start3A_132] : memref<200x100xi32, #tpu.memory_space<vmem>> -> memref<1x100xi32, #tpu.memory_space<vmem>>
          %dma_start3A_134 = tpu.memref_squeeze %dma_start3A_133 : memref<1x100xi32, #tpu.memory_space<vmem>> -> memref<100xi32, #tpu.memory_space<vmem>>
          %dma_start3A_135 = arith.constant 0 : i32
          %dma_start3A_136 = arith.constant 0 : i32
          %dma_start3A_137 = tpu.memref_slice %arg3[%dma_start3A_135, %dma_start3A_136] : memref<10000x64xf32, #tpu.memory_space<hbm>> -> memref<10000x64xf32, #tpu.memory_space<hbm>>
          tpu.enqueue_indirect_dma source(%dma_start3A_137 : memref<10000x64xf32, #tpu.memory_space<hbm>>) target(%arg12 : memref<100x64xf32, #tpu.memory_space<vmem>>) offsets(%dma_start3A_134 : memref<100xi32, #tpu.memory_space<vmem>>) semaphore(%arg16 : memref<!tpu.dma_semaphore, #tpu.memory_space<semaphore_mem>>)
        } else {
        }
        %add3A_100 = arith.constant 2 : i32
        %add3A_101 = arith.addi %add3A_71, %add3A_100 : i32
        %dma_wait3A_102 = arith.constant 0 : i32
        %dma_wait3A_103 = tpu.memref_slice %arg7[%add3A_101, %dma_wait3A_102] : memref<200x100xi32, #tpu.memory_space<vmem>> -> memref<1x100xi32, #tpu.memory_space<vmem>>
        %dma_wait3A_104 = tpu.memref_squeeze %dma_wait3A_103 : memref<1x100xi32, #tpu.memory_space<vmem>> -> memref<100xi32, #tpu.memory_space<vmem>>
        %dma_wait3A_105 = arith.constant 0 : i32
        %dma_wait3A_106 = arith.constant 0 : i32
        %dma_wait3A_107 = tpu.memref_slice %arg3[%dma_wait3A_105, %dma_wait3A_106] : memref<10000x64xf32, #tpu.memory_space<hbm>> -> memref<10000x64xf32, #tpu.memory_space<hbm>>
        tpu.wait_indirect_dma semaphore(%arg17 : memref<!tpu.dma_semaphore, #tpu.memory_space<semaphore_mem>>) src(%dma_wait3A_107 : memref<10000x64xf32, #tpu.memory_space<hbm>>) dst(%arg13 : memref<100x64xf32, #tpu.memory_space<vmem>>)
        "tpu.region"() ({
          %run_scoped3A = tpu.sem_alloc : memref<!tpu.dma_semaphore, #tpu.memory_space<semaphore_mem>>
          %dma_start3A_130 = arith.constant 0 : i32
          %dma_start3A_131 = tpu.memref_slice %arg8[%add3A_101, %dma_start3A_130] : memref<200x100xi32, #tpu.memory_space<vmem>> -> memref<1x100xi32, #tpu.memory_space<vmem>>
          %dma_start3A_132 = tpu.memref_squeeze %dma_start3A_131 : memref<1x100xi32, #tpu.memory_space<vmem>> -> memref<100xi32, #tpu.memory_space<vmem>>
          %dma_start3A_133 = arith.constant 0 : i32
          %dma_start3A_134 = arith.constant 0 : i32
          %dma_start3A_135 = tpu.memref_slice %arg10[%dma_start3A_133, %dma_start3A_134] : memref<10000x64xf32, #tpu.memory_space<vmem_shared>> -> memref<10000x64xf32, #tpu.memory_space<vmem_shared>>
          tpu.enqueue_indirect_dma source(%arg13 : memref<100x64xf32, #tpu.memory_space<vmem>>) target(%dma_start3A_135 : memref<10000x64xf32, #tpu.memory_space<vmem_shared>>) offsets(%dma_start3A_132 : memref<100xi32, #tpu.memory_space<vmem>>) semaphore(%run_scoped3A : memref<!tpu.dma_semaphore, #tpu.memory_space<semaphore_mem>>) {add = true}
          %dma_wait3A_136 = arith.constant 0 : i32
          %dma_wait3A_137 = tpu.memref_slice %arg8[%add3A_101, %dma_wait3A_136] : memref<200x100xi32, #tpu.memory_space<vmem>> -> memref<1x100xi32, #tpu.memory_space<vmem>>
          %dma_wait3A_138 = tpu.memref_squeeze %dma_wait3A_137 : memref<1x100xi32, #tpu.memory_space<vmem>> -> memref<100xi32, #tpu.memory_space<vmem>>
          %dma_wait3A_139 = arith.constant 0 : i32
          %dma_wait3A_140 = arith.constant 0 : i32
          %dma_wait3A_141 = tpu.memref_slice %arg10[%dma_wait3A_139, %dma_wait3A_140] : memref<10000x64xf32, #tpu.memory_space<vmem_shared>> -> memref<10000x64xf32, #tpu.memory_space<vmem_shared>>
          tpu.wait_indirect_dma semaphore(%run_scoped3A : memref<!tpu.dma_semaphore, #tpu.memory_space<semaphore_mem>>) src(%arg13 : memref<100x64xf32, #tpu.memory_space<vmem>>) dst(%dma_wait3A_141 : memref<10000x64xf32, #tpu.memory_space<vmem_shared>>)
          tpu.yield
        }) : () -> ()
        %add3A_108 = arith.constant 4 : i32
        %add3A_109 = arith.addi %add3A_101, %add3A_108 : i32
        %lt3A_110 = arith.constant 200 : i32
        %lt3A_111 = arith.cmpi slt, %add3A_109, %lt3A_110 : i32
        %convert_element_type3A_112 = arith.extui %lt3A_111 : i1 to i32
        %cond3A_113 = arith.constant 0 : i32
        %cond3A_114 = arith.cmpi ne, %convert_element_type3A_112, %cond3A_113 : i32
        scf.if %cond3A_114 {
          %add3A_130 = arith.constant 4 : i32
          %add3A_131 = arith.addi %add3A_101, %add3A_130 : i32
          %dma_start3A_132 = arith.constant 0 : i32
          %dma_start3A_133 = tpu.memref_slice %arg7[%add3A_131, %dma_start3A_132] : memref<200x100xi32, #tpu.memory_space<vmem>> -> memref<1x100xi32, #tpu.memory_space<vmem>>
          %dma_start3A_134 = tpu.memref_squeeze %dma_start3A_133 : memref<1x100xi32, #tpu.memory_space<vmem>> -> memref<100xi32, #tpu.memory_space<vmem>>
          %dma_start3A_135 = arith.constant 0 : i32
          %dma_start3A_136 = arith.constant 0 : i32
          %dma_start3A_137 = tpu.memref_slice %arg3[%dma_start3A_135, %dma_start3A_136] : memref<10000x64xf32, #tpu.memory_space<hbm>> -> memref<10000x64xf32, #tpu.memory_space<hbm>>
          tpu.enqueue_indirect_dma source(%dma_start3A_137 : memref<10000x64xf32, #tpu.memory_space<hbm>>) target(%arg13 : memref<100x64xf32, #tpu.memory_space<vmem>>) offsets(%dma_start3A_134 : memref<100xi32, #tpu.memory_space<vmem>>) semaphore(%arg17 : memref<!tpu.dma_semaphore, #tpu.memory_space<semaphore_mem>>)
        } else {
        }
        %add3A_115 = arith.constant 3 : i32
        %add3A_116 = arith.addi %add3A_71, %add3A_115 : i32
        %dma_wait3A_117 = arith.constant 0 : i32
        %dma_wait3A_118 = tpu.memref_slice %arg7[%add3A_116, %dma_wait3A_117] : memref<200x100xi32, #tpu.memory_space<vmem>> -> memref<1x100xi32, #tpu.memory_space<vmem>>
        %dma_wait3A_119 = tpu.memref_squeeze %dma_wait3A_118 : memref<1x100xi32, #tpu.memory_space<vmem>> -> memref<100xi32, #tpu.memory_space<vmem>>
        %dma_wait3A_120 = arith.constant 0 : i32
        %dma_wait3A_121 = arith.constant 0 : i32
        %dma_wait3A_122 = tpu.memref_slice %arg3[%dma_wait3A_120, %dma_wait3A_121] : memref<10000x64xf32, #tpu.memory_space<hbm>> -> memref<10000x64xf32, #tpu.memory_space<hbm>>
        tpu.wait_indirect_dma semaphore(%arg18 : memref<!tpu.dma_semaphore, #tpu.memory_space<semaphore_mem>>) src(%dma_wait3A_122 : memref<10000x64xf32, #tpu.memory_space<hbm>>) dst(%arg14 : memref<100x64xf32, #tpu.memory_space<vmem>>)
        "tpu.region"() ({
          %run_scoped3A = tpu.sem_alloc : memref<!tpu.dma_semaphore, #tpu.memory_space<semaphore_mem>>
          %dma_start3A_130 = arith.constant 0 : i32
          %dma_start3A_131 = tpu.memref_slice %arg8[%add3A_116, %dma_start3A_130] : memref<200x100xi32, #tpu.memory_space<vmem>> -> memref<1x100xi32, #tpu.memory_space<vmem>>
          %dma_start3A_132 = tpu.memref_squeeze %dma_start3A_131 : memref<1x100xi32, #tpu.memory_space<vmem>> -> memref<100xi32, #tpu.memory_space<vmem>>
          %dma_start3A_133 = arith.constant 0 : i32
          %dma_start3A_134 = arith.constant 0 : i32
          %dma_start3A_135 = tpu.memref_slice %arg10[%dma_start3A_133, %dma_start3A_134] : memref<10000x64xf32, #tpu.memory_space<vmem_shared>> -> memref<10000x64xf32, #tpu.memory_space<vmem_shared>>
          tpu.enqueue_indirect_dma source(%arg14 : memref<100x64xf32, #tpu.memory_space<vmem>>) target(%dma_start3A_135 : memref<10000x64xf32, #tpu.memory_space<vmem_shared>>) offsets(%dma_start3A_132 : memref<100xi32, #tpu.memory_space<vmem>>) semaphore(%run_scoped3A : memref<!tpu.dma_semaphore, #tpu.memory_space<semaphore_mem>>) {add = true}
          %dma_wait3A_136 = arith.constant 0 : i32
          %dma_wait3A_137 = tpu.memref_slice %arg8[%add3A_116, %dma_wait3A_136] : memref<200x100xi32, #tpu.memory_space<vmem>> -> memref<1x100xi32, #tpu.memory_space<vmem>>
          %dma_wait3A_138 = tpu.memref_squeeze %dma_wait3A_137 : memref<1x100xi32, #tpu.memory_space<vmem>> -> memref<100xi32, #tpu.memory_space<vmem>>
          %dma_wait3A_139 = arith.constant 0 : i32
          %dma_wait3A_140 = arith.constant 0 : i32
          %dma_wait3A_141 = tpu.memref_slice %arg10[%dma_wait3A_139, %dma_wait3A_140] : memref<10000x64xf32, #tpu.memory_space<vmem_shared>> -> memref<10000x64xf32, #tpu.memory_space<vmem_shared>>
          tpu.wait_indirect_dma semaphore(%run_scoped3A : memref<!tpu.dma_semaphore, #tpu.memory_space<semaphore_mem>>) src(%arg14 : memref<100x64xf32, #tpu.memory_space<vmem>>) dst(%dma_wait3A_141 : memref<10000x64xf32, #tpu.memory_space<vmem_shared>>)
          tpu.yield
        }) : () -> ()
        %add3A_123 = arith.constant 4 : i32
        %add3A_124 = arith.addi %add3A_116, %add3A_123 : i32
        %lt3A_125 = arith.constant 200 : i32
        %lt3A_126 = arith.cmpi slt, %add3A_124, %lt3A_125 : i32
        %convert_element_type3A_127 = arith.extui %lt3A_126 : i1 to i32
        %cond3A_128 = arith.constant 0 : i32
        %cond3A_129 = arith.cmpi ne, %convert_element_type3A_127, %cond3A_128 : i32
        scf.if %cond3A_129 {
          %add3A_130 = arith.constant 4 : i32
          %add3A_131 = arith.addi %add3A_116, %add3A_130 : i32
          %dma_start3A_132 = arith.constant 0 : i32
          %dma_start3A_133 = tpu.memref_slice %arg7[%add3A_131, %dma_start3A_132] : memref<200x100xi32, #tpu.memory_space<vmem>> -> memref<1x100xi32, #tpu.memory_space<vmem>>
          %dma_start3A_134 = tpu.memref_squeeze %dma_start3A_133 : memref<1x100xi32, #tpu.memory_space<vmem>> -> memref<100xi32, #tpu.memory_space<vmem>>
          %dma_start3A_135 = arith.constant 0 : i32
          %dma_start3A_136 = arith.constant 0 : i32
          %dma_start3A_137 = tpu.memref_slice %arg3[%dma_start3A_135, %dma_start3A_136] : memref<10000x64xf32, #tpu.memory_space<hbm>> -> memref<10000x64xf32, #tpu.memory_space<hbm>>
          tpu.enqueue_indirect_dma source(%dma_start3A_137 : memref<10000x64xf32, #tpu.memory_space<hbm>>) target(%arg14 : memref<100x64xf32, #tpu.memory_space<vmem>>) offsets(%dma_start3A_134 : memref<100xi32, #tpu.memory_space<vmem>>) semaphore(%arg18 : memref<!tpu.dma_semaphore, #tpu.memory_space<semaphore_mem>>)
        } else {
        }
      }
      %scan3A_66 = arith.constant 50 : i32
    } else {
    }
    %barrier3A_29 = arith.constant 0 : index
    tpu.barrier barrier_id(%barrier3A_29)
    "tpu.region"() ({
      %run_scoped3A = tpu.sem_alloc : memref<!tpu.dma_semaphore, #tpu.memory_space<semaphore_mem>>
      %dma_start3A = arith.constant 0 : i32
      %dma_start3A_35 = tpu.memref_slice %arg6[%arg0, %mul3A_5, %dma_start3A] : memref<2x10000x64xf32, #tpu.memory_space<hbm>> -> memref<1x624x64xf32, #tpu.memory_space<hbm>>
      %dma_start3A_36 = tpu.memref_squeeze %dma_start3A_35 : memref<1x624x64xf32, #tpu.memory_space<hbm>> -> memref<624x64xf32, #tpu.memory_space<hbm>>
      %dma_start3A_37 = arith.constant 0 : i32
      %dma_start3A_38 = tpu.memref_slice %arg10[%mul3A_5, %dma_start3A_37] : memref<10000x64xf32, #tpu.memory_space<vmem_shared>> -> memref<624x64xf32, #tpu.memory_space<vmem_shared>>
      tpu.enqueue_dma source(%dma_start3A_38 : memref<624x64xf32, #tpu.memory_space<vmem_shared>>) target(%dma_start3A_36 : memref<624x64xf32, #tpu.memory_space<hbm>>) target_semaphore(%run_scoped3A : memref<!tpu.dma_semaphore, #tpu.memory_space<semaphore_mem>>)
      %dma_wait3A = arith.constant 0 : i32
      %dma_wait3A_39 = tpu.memref_slice %arg6[%arg0, %mul3A_5, %dma_wait3A] : memref<2x10000x64xf32, #tpu.memory_space<hbm>> -> memref<1x624x64xf32, #tpu.memory_space<hbm>>
      %dma_wait3A_40 = tpu.memref_squeeze %dma_wait3A_39 : memref<1x624x64xf32, #tpu.memory_space<hbm>> -> memref<624x64xf32, #tpu.memory_space<hbm>>
      %dma_wait3A_41 = arith.constant 0 : i32
      %dma_wait3A_42 = tpu.memref_slice %arg10[%mul3A_5, %dma_wait3A_41] : memref<10000x64xf32, #tpu.memory_space<vmem_shared>> -> memref<624x64xf32, #tpu.memory_space<vmem_shared>>
      tpu.wait_dma2 semaphore(%run_scoped3A : memref<!tpu.dma_semaphore, #tpu.memory_space<semaphore_mem>>) src(%dma_wait3A_42 : memref<624x64xf32, #tpu.memory_space<vmem_shared>>) dst(%dma_wait3A_40 : memref<624x64xf32, #tpu.memory_space<hbm>>)
      tpu.yield
    }) : () -> ()
    %eq3A_30 = arith.constant 0 : i32
    %eq3A_31 = arith.cmpi eq, %arg1, %eq3A_30 : i32
    %convert_element_type3A_32 = arith.extui %eq3A_31 : i1 to i32
    %cond3A_33 = arith.constant 0 : i32
    %cond3A_34 = arith.cmpi ne, %convert_element_type3A_32, %cond3A_33 : i32
    scf.if %cond3A_34 {
      "tpu.region"() ({
        %run_scoped3A = tpu.sem_alloc : memref<!tpu.dma_semaphore, #tpu.memory_space<semaphore_mem>>
        %dma_start3A = arith.constant 9984 : i32
        %dma_start3A_35 = arith.constant 0 : i32
        %dma_start3A_36 = tpu.memref_slice %arg6[%arg0, %dma_start3A, %dma_start3A_35] : memref<2x10000x64xf32, #tpu.memory_space<hbm>> -> memref<1x16x64xf32, #tpu.memory_space<hbm>>
        %dma_start3A_37 = tpu.memref_squeeze %dma_start3A_36 : memref<1x16x64xf32, #tpu.memory_space<hbm>> -> memref<16x64xf32, #tpu.memory_space<hbm>>
        %dma_start3A_38 = arith.constant 9984 : i32
        %dma_start3A_39 = arith.constant 0 : i32
        %dma_start3A_40 = tpu.memref_slice %arg10[%dma_start3A_38, %dma_start3A_39] : memref<10000x64xf32, #tpu.memory_space<vmem_shared>> -> memref<16x64xf32, #tpu.memory_space<vmem_shared>>
        tpu.enqueue_dma source(%dma_start3A_40 : memref<16x64xf32, #tpu.memory_space<vmem_shared>>) target(%dma_start3A_37 : memref<16x64xf32, #tpu.memory_space<hbm>>) target_semaphore(%run_scoped3A : memref<!tpu.dma_semaphore, #tpu.memory_space<semaphore_mem>>)
        %dma_wait3A = arith.constant 9984 : i32
        %dma_wait3A_41 = arith.constant 0 : i32
        %dma_wait3A_42 = tpu.memref_slice %arg6[%arg0, %dma_wait3A, %dma_wait3A_41] : memref<2x10000x64xf32, #tpu.memory_space<hbm>> -> memref<1x16x64xf32, #tpu.memory_space<hbm>>
        %dma_wait3A_43 = tpu.memref_squeeze %dma_wait3A_42 : memref<1x16x64xf32, #tpu.memory_space<hbm>> -> memref<16x64xf32, #tpu.memory_space<hbm>>
        %dma_wait3A_44 = arith.constant 9984 : i32
        %dma_wait3A_45 = arith.constant 0 : i32
        %dma_wait3A_46 = tpu.memref_slice %arg10[%dma_wait3A_44, %dma_wait3A_45] : memref<10000x64xf32, #tpu.memory_space<vmem_shared>> -> memref<16x64xf32, #tpu.memory_space<vmem_shared>>
        tpu.wait_dma2 semaphore(%run_scoped3A : memref<!tpu.dma_semaphore, #tpu.memory_space<semaphore_mem>>) src(%dma_wait3A_46 : memref<16x64xf32, #tpu.memory_space<vmem_shared>>) dst(%dma_wait3A_43 : memref<16x64xf32, #tpu.memory_space<hbm>>)
        tpu.yield
      }) : () -> ()
    } else {
    }
    return
  }
}

#map = affine_map<(d0, d1) -> (0, 0)>
#map1 = affine_map<(d0, d1) -> (0, 0, 0)>
module attributes {stable_mosaic.version = 14 : i64} {
  func.func @body(%arg0: i32, %arg1: i32, %arg2: memref<10000x64xf32, #tpu.memory_space<hbm>>, %arg3: memref<10000x64xf32, #tpu.memory_space<hbm>>, %arg4: memref<16x200x100xi32, #tpu.memory_space<hbm>>, %arg5: memref<16x200x100xi32, #tpu.memory_space<hbm>>, %arg6: memref<2x10000x64xf32, #tpu.memory_space<hbm>>, %arg7: memref<2x10000x16xf32, #tpu.memory_space<hbm>>, %arg8: memref<200x100xi32, #tpu.memory_space<vmem>>, %arg9: memref<200x100xi32, #tpu.memory_space<vmem>>, %arg10: memref<104x64xf32, #tpu.memory_space<vmem>>, %arg11: memref<10000x64xf32, #tpu.memory_space<vmem_shared>>, %arg12: memref<100x64xf32, #tpu.memory_space<vmem>>, %arg13: memref<100x64xf32, #tpu.memory_space<vmem>>, %arg14: memref<100x64xf32, #tpu.memory_space<vmem>>, %arg15: memref<100x64xf32, #tpu.memory_space<vmem>>, %arg16: memref<!tpu.dma_semaphore, #tpu.memory_space<semaphore_mem>>, %arg17: memref<!tpu.dma_semaphore, #tpu.memory_space<semaphore_mem>>, %arg18: memref<!tpu.dma_semaphore, #tpu.memory_space<semaphore_mem>>, %arg19: memref<!tpu.dma_semaphore, #tpu.memory_space<semaphore_mem>>, %arg20: memref<100x16xf32, #tpu.memory_space<vmem>>, %arg21: memref<104x16xf32, #tpu.memory_space<vmem>>, %arg22: memref<10000x16xf32, #tpu.memory_space<vmem_shared>>) attributes {dimension_semantics = [#tpu.dimension_semantics<core_parallel>, #tpu.dimension_semantics<subcore_parallel>], iteration_bounds = array<i64: 2, 16>, scalar_prefetch = 0 : i64, scratch_operands = 15 : i64, tpu.core_type = #tpu.core_type<sc_vector_subcore>, window_params = [{transform_indices = #map}, {transform_indices = #map}, {transform_indices = #map1}, {transform_indices = #map1}, {transform_indices = #map1}, {transform_indices = #map1}]} {
    "tpu.region"() ({
      %run_scoped3A = tpu.sem_alloc : memref<!tpu.dma_semaphore, #tpu.memory_space<semaphore_mem>>
      %dma_start3A = arith.constant 0 : i32
      %dma_start3A_69 = arith.constant 0 : i32
      %dma_start3A_70 = tpu.memref_slice %arg4[%arg1, %dma_start3A, %dma_start3A_69] : memref<16x200x100xi32, #tpu.memory_space<hbm>> -> memref<1x200x100xi32, #tpu.memory_space<hbm>>
      %dma_start3A_71 = tpu.memref_squeeze %dma_start3A_70 : memref<1x200x100xi32, #tpu.memory_space<hbm>> -> memref<200x100xi32, #tpu.memory_space<hbm>>
      %dma_start3A_72 = arith.constant 0 : i32
      %dma_start3A_73 = arith.constant 0 : i32
      %dma_start3A_74 = tpu.memref_slice %arg4[%arg1, %dma_start3A_72, %dma_start3A_73] : memref<16x200x100xi32, #tpu.memory_space<hbm>> -> memref<1x200x100xi32, #tpu.memory_space<hbm>>
      %dma_start3A_75 = tpu.memref_squeeze %dma_start3A_74 : memref<1x200x100xi32, #tpu.memory_space<hbm>> -> memref<200x100xi32, #tpu.memory_space<hbm>>
      tpu.enqueue_dma source(%dma_start3A_75 : memref<200x100xi32, #tpu.memory_space<hbm>>) target(%arg8 : memref<200x100xi32, #tpu.memory_space<vmem>>) target_semaphore(%run_scoped3A : memref<!tpu.dma_semaphore, #tpu.memory_space<semaphore_mem>>)
      %dma_wait3A = arith.constant 0 : i32
      %dma_wait3A_76 = arith.constant 0 : i32
      %dma_wait3A_77 = tpu.memref_slice %arg4[%arg1, %dma_wait3A, %dma_wait3A_76] : memref<16x200x100xi32, #tpu.memory_space<hbm>> -> memref<1x200x100xi32, #tpu.memory_space<hbm>>
      %dma_wait3A_78 = tpu.memref_squeeze %dma_wait3A_77 : memref<1x200x100xi32, #tpu.memory_space<hbm>> -> memref<200x100xi32, #tpu.memory_space<hbm>>
      %dma_wait3A_79 = arith.constant 0 : i32
      %dma_wait3A_80 = arith.constant 0 : i32
      %dma_wait3A_81 = tpu.memref_slice %arg4[%arg1, %dma_wait3A_79, %dma_wait3A_80] : memref<16x200x100xi32, #tpu.memory_space<hbm>> -> memref<1x200x100xi32, #tpu.memory_space<hbm>>
      %dma_wait3A_82 = tpu.memref_squeeze %dma_wait3A_81 : memref<1x200x100xi32, #tpu.memory_space<hbm>> -> memref<200x100xi32, #tpu.memory_space<hbm>>
      tpu.wait_dma2 semaphore(%run_scoped3A : memref<!tpu.dma_semaphore, #tpu.memory_space<semaphore_mem>>) src(%dma_wait3A_82 : memref<200x100xi32, #tpu.memory_space<hbm>>) dst(%arg8 : memref<200x100xi32, #tpu.memory_space<vmem>>)
      tpu.yield
    }) : () -> ()
    "tpu.region"() ({
      %run_scoped3A = tpu.sem_alloc : memref<!tpu.dma_semaphore, #tpu.memory_space<semaphore_mem>>
      %dma_start3A = arith.constant 0 : i32
      %dma_start3A_69 = arith.constant 0 : i32
      %dma_start3A_70 = tpu.memref_slice %arg5[%arg1, %dma_start3A, %dma_start3A_69] : memref<16x200x100xi32, #tpu.memory_space<hbm>> -> memref<1x200x100xi32, #tpu.memory_space<hbm>>
      %dma_start3A_71 = tpu.memref_squeeze %dma_start3A_70 : memref<1x200x100xi32, #tpu.memory_space<hbm>> -> memref<200x100xi32, #tpu.memory_space<hbm>>
      %dma_start3A_72 = arith.constant 0 : i32
      %dma_start3A_73 = arith.constant 0 : i32
      %dma_start3A_74 = tpu.memref_slice %arg5[%arg1, %dma_start3A_72, %dma_start3A_73] : memref<16x200x100xi32, #tpu.memory_space<hbm>> -> memref<1x200x100xi32, #tpu.memory_space<hbm>>
      %dma_start3A_75 = tpu.memref_squeeze %dma_start3A_74 : memref<1x200x100xi32, #tpu.memory_space<hbm>> -> memref<200x100xi32, #tpu.memory_space<hbm>>
      tpu.enqueue_dma source(%dma_start3A_75 : memref<200x100xi32, #tpu.memory_space<hbm>>) target(%arg9 : memref<200x100xi32, #tpu.memory_space<vmem>>) target_semaphore(%run_scoped3A : memref<!tpu.dma_semaphore, #tpu.memory_space<semaphore_mem>>)
      %dma_wait3A = arith.constant 0 : i32
      %dma_wait3A_76 = arith.constant 0 : i32
      %dma_wait3A_77 = tpu.memref_slice %arg5[%arg1, %dma_wait3A, %dma_wait3A_76] : memref<16x200x100xi32, #tpu.memory_space<hbm>> -> memref<1x200x100xi32, #tpu.memory_space<hbm>>
      %dma_wait3A_78 = tpu.memref_squeeze %dma_wait3A_77 : memref<1x200x100xi32, #tpu.memory_space<hbm>> -> memref<200x100xi32, #tpu.memory_space<hbm>>
      %dma_wait3A_79 = arith.constant 0 : i32
      %dma_wait3A_80 = arith.constant 0 : i32
      %dma_wait3A_81 = tpu.memref_slice %arg5[%arg1, %dma_wait3A_79, %dma_wait3A_80] : memref<16x200x100xi32, #tpu.memory_space<hbm>> -> memref<1x200x100xi32, #tpu.memory_space<hbm>>
      %dma_wait3A_82 = tpu.memref_squeeze %dma_wait3A_81 : memref<1x200x100xi32, #tpu.memory_space<hbm>> -> memref<200x100xi32, #tpu.memory_space<hbm>>
      tpu.wait_dma2 semaphore(%run_scoped3A : memref<!tpu.dma_semaphore, #tpu.memory_space<semaphore_mem>>) src(%dma_wait3A_82 : memref<200x100xi32, #tpu.memory_space<hbm>>) dst(%arg9 : memref<200x100xi32, #tpu.memory_space<vmem>>)
      tpu.yield
    }) : () -> ()
    %broadcast_in_dim3A = arith.constant 0.000000e+00 : f32
    %broadcast_in_dim3A_0 = vector.broadcast %broadcast_in_dim3A : f32 to vector<16xf32>
    %scan3A = arith.constant 0 : i32
    %scan3A_1 = arith.constant 104 : i32
    %scan3A_2 = arith.addi %scan3A, %scan3A_1 : i32
    %scan3A_3 = arith.constant 1 : i32
    scf.for %scan3A_69 = %scan3A to %scan3A_2 step %scan3A_3  : i32 {
      %mul3A_70 = arith.constant 1 : i32
      %mul3A_71 = arith.muli %scan3A_69, %mul3A_70 : i32
      %add3A_72 = arith.constant 0 : i32
      %add3A_73 = arith.addi %add3A_72, %mul3A_71 : i32
      %swap3A = arith.index_cast %add3A_73 : i32 to index
      %swap3A_74 = arith.constant 0 : index
      %swap3A_75 = tpu.vector_load %arg10[%swap3A, %swap3A_74] {strides = array<i32>} : memref<104x64xf32, #tpu.memory_space<vmem>>, vector<1x16xf32>,
      %swap3A_76 = vector.shape_cast %swap3A_75 : vector<1x16xf32> to vector<16xf32>
      %swap3A_77 = vector.shape_cast %broadcast_in_dim3A_0 : vector<16xf32> to vector<1x16xf32>
      tpu.vector_store %arg10[%swap3A, %swap3A_74], %swap3A_77 {strides = array<i32>} : memref<104x64xf32, #tpu.memory_space<vmem>>, vector<1x16xf32>,
      %swap3A_78 = arith.index_cast %add3A_73 : i32 to index
      %swap3A_79 = arith.constant 16 : index
      %swap3A_80 = tpu.vector_load %arg10[%swap3A_78, %swap3A_79] {strides = array<i32>} : memref<104x64xf32, #tpu.memory_space<vmem>>, vector<1x16xf32>,
      %swap3A_81 = vector.shape_cast %swap3A_80 : vector<1x16xf32> to vector<16xf32>
      %swap3A_82 = vector.shape_cast %broadcast_in_dim3A_0 : vector<16xf32> to vector<1x16xf32>
      tpu.vector_store %arg10[%swap3A_78, %swap3A_79], %swap3A_82 {strides = array<i32>} : memref<104x64xf32, #tpu.memory_space<vmem>>, vector<1x16xf32>,
      %swap3A_83 = arith.index_cast %add3A_73 : i32 to index
      %swap3A_84 = arith.constant 32 : index
      %swap3A_85 = tpu.vector_load %arg10[%swap3A_83, %swap3A_84] {strides = array<i32>} : memref<104x64xf32, #tpu.memory_space<vmem>>, vector<1x16xf32>,
      %swap3A_86 = vector.shape_cast %swap3A_85 : vector<1x16xf32> to vector<16xf32>
      %swap3A_87 = vector.shape_cast %broadcast_in_dim3A_0 : vector<16xf32> to vector<1x16xf32>
      tpu.vector_store %arg10[%swap3A_83, %swap3A_84], %swap3A_87 {strides = array<i32>} : memref<104x64xf32, #tpu.memory_space<vmem>>, vector<1x16xf32>,
      %swap3A_88 = arith.index_cast %add3A_73 : i32 to index
      %swap3A_89 = arith.constant 48 : index
      %swap3A_90 = tpu.vector_load %arg10[%swap3A_88, %swap3A_89] {strides = array<i32>} : memref<104x64xf32, #tpu.memory_space<vmem>>, vector<1x16xf32>,
      %swap3A_91 = vector.shape_cast %swap3A_90 : vector<1x16xf32> to vector<16xf32>
      %swap3A_92 = vector.shape_cast %broadcast_in_dim3A_0 : vector<16xf32> to vector<1x16xf32>
      tpu.vector_store %arg10[%swap3A_88, %swap3A_89], %swap3A_92 {strides = array<i32>} : memref<104x64xf32, #tpu.memory_space<vmem>>, vector<1x16xf32>,
    }
    %scan3A_4 = arith.constant 104 : i32
    %mul3A = arith.constant 624 : i32
    %mul3A_5 = arith.muli %arg1, %mul3A : i32
    %add3A = arith.constant 0 : i32
    %add3A_6 = arith.addi %mul3A_5, %add3A : i32
    "tpu.region"() ({
      %run_scoped3A = tpu.sem_alloc : memref<!tpu.dma_semaphore, #tpu.memory_space<semaphore_mem>>
      %dma_start3A = arith.constant 0 : i32
      %dma_start3A_69 = tpu.memref_slice %arg11[%add3A_6, %dma_start3A] : memref<10000x64xf32, #tpu.memory_space<vmem_shared>> -> memref<104x64xf32, #tpu.memory_space<vmem_shared>>
      %dma_start3A_70 = arith.constant 0 : i32
      %dma_start3A_71 = tpu.memref_slice %arg11[%add3A_6, %dma_start3A_70] : memref<10000x64xf32, #tpu.memory_space<vmem_shared>> -> memref<104x64xf32, #tpu.memory_space<vmem_shared>>
      tpu.enqueue_dma source(%arg10 : memref<104x64xf32, #tpu.memory_space<vmem>>) target(%dma_start3A_71 : memref<104x64xf32, #tpu.memory_space<vmem_shared>>) target_semaphore(%run_scoped3A : memref<!tpu.dma_semaphore, #tpu.memory_space<semaphore_mem>>)
      %dma_wait3A = arith.constant 0 : i32
      %dma_wait3A_72 = tpu.memref_slice %arg11[%add3A_6, %dma_wait3A] : memref<10000x64xf32, #tpu.memory_space<vmem_shared>> -> memref<104x64xf32, #tpu.memory_space<vmem_shared>>
      %dma_wait3A_73 = arith.constant 0 : i32
      %dma_wait3A_74 = tpu.memref_slice %arg11[%add3A_6, %dma_wait3A_73] : memref<10000x64xf32, #tpu.memory_space<vmem_shared>> -> memref<104x64xf32, #tpu.memory_space<vmem_shared>>
      tpu.wait_dma2 semaphore(%run_scoped3A : memref<!tpu.dma_semaphore, #tpu.memory_space<semaphore_mem>>) src(%arg10 : memref<104x64xf32, #tpu.memory_space<vmem>>) dst(%dma_wait3A_74 : memref<104x64xf32, #tpu.memory_space<vmem_shared>>)
      tpu.yield
    }) : () -> ()
    %add3A_7 = arith.constant 104 : i32
    %add3A_8 = arith.addi %mul3A_5, %add3A_7 : i32
    "tpu.region"() ({
      %run_scoped3A = tpu.sem_alloc : memref<!tpu.dma_semaphore, #tpu.memory_space<semaphore_mem>>
      %dma_start3A = arith.constant 0 : i32
      %dma_start3A_69 = tpu.memref_slice %arg11[%add3A_8, %dma_start3A] : memref<10000x64xf32, #tpu.memory_space<vmem_shared>> -> memref<104x64xf32, #tpu.memory_space<vmem_shared>>
      %dma_start3A_70 = arith.constant 0 : i32
      %dma_start3A_71 = tpu.memref_slice %arg11[%add3A_8, %dma_start3A_70] : memref<10000x64xf32, #tpu.memory_space<vmem_shared>> -> memref<104x64xf32, #tpu.memory_space<vmem_shared>>
      tpu.enqueue_dma source(%arg10 : memref<104x64xf32, #tpu.memory_space<vmem>>) target(%dma_start3A_71 : memref<104x64xf32, #tpu.memory_space<vmem_shared>>) target_semaphore(%run_scoped3A : memref<!tpu.dma_semaphore, #tpu.memory_space<semaphore_mem>>)
      %dma_wait3A = arith.constant 0 : i32
      %dma_wait3A_72 = tpu.memref_slice %arg11[%add3A_8, %dma_wait3A] : memref<10000x64xf32, #tpu.memory_space<vmem_shared>> -> memref<104x64xf32, #tpu.memory_space<vmem_shared>>
      %dma_wait3A_73 = arith.constant 0 : i32
      %dma_wait3A_74 = tpu.memref_slice %arg11[%add3A_8, %dma_wait3A_73] : memref<10000x64xf32, #tpu.memory_space<vmem_shared>> -> memref<104x64xf32, #tpu.memory_space<vmem_shared>>
      tpu.wait_dma2 semaphore(%run_scoped3A : memref<!tpu.dma_semaphore, #tpu.memory_space<semaphore_mem>>) src(%arg10 : memref<104x64xf32, #tpu.memory_space<vmem>>) dst(%dma_wait3A_74 : memref<104x64xf32, #tpu.memory_space<vmem_shared>>)
      tpu.yield
    }) : () -> ()
    %add3A_9 = arith.constant 208 : i32
    %add3A_10 = arith.addi %mul3A_5, %add3A_9 : i32
    "tpu.region"() ({
      %run_scoped3A = tpu.sem_alloc : memref<!tpu.dma_semaphore, #tpu.memory_space<semaphore_mem>>
      %dma_start3A = arith.constant 0 : i32
      %dma_start3A_69 = tpu.memref_slice %arg11[%add3A_10, %dma_start3A] : memref<10000x64xf32, #tpu.memory_space<vmem_shared>> -> memref<104x64xf32, #tpu.memory_space<vmem_shared>>
      %dma_start3A_70 = arith.constant 0 : i32
      %dma_start3A_71 = tpu.memref_slice %arg11[%add3A_10, %dma_start3A_70] : memref<10000x64xf32, #tpu.memory_space<vmem_shared>> -> memref<104x64xf32, #tpu.memory_space<vmem_shared>>
      tpu.enqueue_dma source(%arg10 : memref<104x64xf32, #tpu.memory_space<vmem>>) target(%dma_start3A_71 : memref<104x64xf32, #tpu.memory_space<vmem_shared>>) target_semaphore(%run_scoped3A : memref<!tpu.dma_semaphore, #tpu.memory_space<semaphore_mem>>)
      %dma_wait3A = arith.constant 0 : i32
      %dma_wait3A_72 = tpu.memref_slice %arg11[%add3A_10, %dma_wait3A] : memref<10000x64xf32, #tpu.memory_space<vmem_shared>> -> memref<104x64xf32, #tpu.memory_space<vmem_shared>>
      %dma_wait3A_73 = arith.constant 0 : i32
      %dma_wait3A_74 = tpu.memref_slice %arg11[%add3A_10, %dma_wait3A_73] : memref<10000x64xf32, #tpu.memory_space<vmem_shared>> -> memref<104x64xf32, #tpu.memory_space<vmem_shared>>
      tpu.wait_dma2 semaphore(%run_scoped3A : memref<!tpu.dma_semaphore, #tpu.memory_space<semaphore_mem>>) src(%arg10 : memref<104x64xf32, #tpu.memory_space<vmem>>) dst(%dma_wait3A_74 : memref<104x64xf32, #tpu.memory_space<vmem_shared>>)
      tpu.yield
    }) : () -> ()
    %add3A_11 = arith.constant 312 : i32
    %add3A_12 = arith.addi %mul3A_5, %add3A_11 : i32
    "tpu.region"() ({
      %run_scoped3A = tpu.sem_alloc : memref<!tpu.dma_semaphore, #tpu.memory_space<semaphore_mem>>
      %dma_start3A = arith.constant 0 : i32
      %dma_start3A_69 = tpu.memref_slice %arg11[%add3A_12, %dma_start3A] : memref<10000x64xf32, #tpu.memory_space<vmem_shared>> -> memref<104x64xf32, #tpu.memory_space<vmem_shared>>
      %dma_start3A_70 = arith.constant 0 : i32
      %dma_start3A_71 = tpu.memref_slice %arg11[%add3A_12, %dma_start3A_70] : memref<10000x64xf32, #tpu.memory_space<vmem_shared>> -> memref<104x64xf32, #tpu.memory_space<vmem_shared>>
      tpu.enqueue_dma source(%arg10 : memref<104x64xf32, #tpu.memory_space<vmem>>) target(%dma_start3A_71 : memref<104x64xf32, #tpu.memory_space<vmem_shared>>) target_semaphore(%run_scoped3A : memref<!tpu.dma_semaphore, #tpu.memory_space<semaphore_mem>>)
      %dma_wait3A = arith.constant 0 : i32
      %dma_wait3A_72 = tpu.memref_slice %arg11[%add3A_12, %dma_wait3A] : memref<10000x64xf32, #tpu.memory_space<vmem_shared>> -> memref<104x64xf32, #tpu.memory_space<vmem_shared>>
      %dma_wait3A_73 = arith.constant 0 : i32
      %dma_wait3A_74 = tpu.memref_slice %arg11[%add3A_12, %dma_wait3A_73] : memref<10000x64xf32, #tpu.memory_space<vmem_shared>> -> memref<104x64xf32, #tpu.memory_space<vmem_shared>>
      tpu.wait_dma2 semaphore(%run_scoped3A : memref<!tpu.dma_semaphore, #tpu.memory_space<semaphore_mem>>) src(%arg10 : memref<104x64xf32, #tpu.memory_space<vmem>>) dst(%dma_wait3A_74 : memref<104x64xf32, #tpu.memory_space<vmem_shared>>)
      tpu.yield
    }) : () -> ()
    %add3A_13 = arith.constant 416 : i32
    %add3A_14 = arith.addi %mul3A_5, %add3A_13 : i32
    "tpu.region"() ({
      %run_scoped3A = tpu.sem_alloc : memref<!tpu.dma_semaphore, #tpu.memory_space<semaphore_mem>>
      %dma_start3A = arith.constant 0 : i32
      %dma_start3A_69 = tpu.memref_slice %arg11[%add3A_14, %dma_start3A] : memref<10000x64xf32, #tpu.memory_space<vmem_shared>> -> memref<104x64xf32, #tpu.memory_space<vmem_shared>>
      %dma_start3A_70 = arith.constant 0 : i32
      %dma_start3A_71 = tpu.memref_slice %arg11[%add3A_14, %dma_start3A_70] : memref<10000x64xf32, #tpu.memory_space<vmem_shared>> -> memref<104x64xf32, #tpu.memory_space<vmem_shared>>
      tpu.enqueue_dma source(%arg10 : memref<104x64xf32, #tpu.memory_space<vmem>>) target(%dma_start3A_71 : memref<104x64xf32, #tpu.memory_space<vmem_shared>>) target_semaphore(%run_scoped3A : memref<!tpu.dma_semaphore, #tpu.memory_space<semaphore_mem>>)
      %dma_wait3A = arith.constant 0 : i32
      %dma_wait3A_72 = tpu.memref_slice %arg11[%add3A_14, %dma_wait3A] : memref<10000x64xf32, #tpu.memory_space<vmem_shared>> -> memref<104x64xf32, #tpu.memory_space<vmem_shared>>
      %dma_wait3A_73 = arith.constant 0 : i32
      %dma_wait3A_74 = tpu.memref_slice %arg11[%add3A_14, %dma_wait3A_73] : memref<10000x64xf32, #tpu.memory_space<vmem_shared>> -> memref<104x64xf32, #tpu.memory_space<vmem_shared>>
      tpu.wait_dma2 semaphore(%run_scoped3A : memref<!tpu.dma_semaphore, #tpu.memory_space<semaphore_mem>>) src(%arg10 : memref<104x64xf32, #tpu.memory_space<vmem>>) dst(%dma_wait3A_74 : memref<104x64xf32, #tpu.memory_space<vmem_shared>>)
      tpu.yield
    }) : () -> ()
    %add3A_15 = arith.constant 520 : i32
    %add3A_16 = arith.addi %mul3A_5, %add3A_15 : i32
    "tpu.region"() ({
      %run_scoped3A = tpu.sem_alloc : memref<!tpu.dma_semaphore, #tpu.memory_space<semaphore_mem>>
      %dma_start3A = arith.constant 0 : i32
      %dma_start3A_69 = tpu.memref_slice %arg11[%add3A_16, %dma_start3A] : memref<10000x64xf32, #tpu.memory_space<vmem_shared>> -> memref<104x64xf32, #tpu.memory_space<vmem_shared>>
      %dma_start3A_70 = arith.constant 0 : i32
      %dma_start3A_71 = tpu.memref_slice %arg11[%add3A_16, %dma_start3A_70] : memref<10000x64xf32, #tpu.memory_space<vmem_shared>> -> memref<104x64xf32, #tpu.memory_space<vmem_shared>>
      tpu.enqueue_dma source(%arg10 : memref<104x64xf32, #tpu.memory_space<vmem>>) target(%dma_start3A_71 : memref<104x64xf32, #tpu.memory_space<vmem_shared>>) target_semaphore(%run_scoped3A : memref<!tpu.dma_semaphore, #tpu.memory_space<semaphore_mem>>)
      %dma_wait3A = arith.constant 0 : i32
      %dma_wait3A_72 = tpu.memref_slice %arg11[%add3A_16, %dma_wait3A] : memref<10000x64xf32, #tpu.memory_space<vmem_shared>> -> memref<104x64xf32, #tpu.memory_space<vmem_shared>>
      %dma_wait3A_73 = arith.constant 0 : i32
      %dma_wait3A_74 = tpu.memref_slice %arg11[%add3A_16, %dma_wait3A_73] : memref<10000x64xf32, #tpu.memory_space<vmem_shared>> -> memref<104x64xf32, #tpu.memory_space<vmem_shared>>
      tpu.wait_dma2 semaphore(%run_scoped3A : memref<!tpu.dma_semaphore, #tpu.memory_space<semaphore_mem>>) src(%arg10 : memref<104x64xf32, #tpu.memory_space<vmem>>) dst(%dma_wait3A_74 : memref<104x64xf32, #tpu.memory_space<vmem_shared>>)
      tpu.yield
    }) : () -> ()
    %eq3A = arith.constant 0 : i32
    %eq3A_17 = arith.cmpi eq, %arg1, %eq3A : i32
    %convert_element_type3A = arith.extui %eq3A_17 : i1 to i32
    %cond3A = arith.constant 0 : i32
    %cond3A_18 = arith.cmpi ne, %convert_element_type3A, %cond3A : i32
    scf.if %cond3A_18 {
      "tpu.region"() ({
        %run_scoped3A = tpu.sem_alloc : memref<!tpu.dma_semaphore, #tpu.memory_space<semaphore_mem>>
        %dma_start3A = arith.constant 0 : i32
        %dma_start3A_69 = arith.constant 0 : i32
        %dma_start3A_70 = tpu.memref_slice %arg10[%dma_start3A, %dma_start3A_69] : memref<104x64xf32, #tpu.memory_space<vmem>> -> memref<16x64xf32, #tpu.memory_space<vmem>>
        %dma_start3A_71 = arith.constant 9984 : i32
        %dma_start3A_72 = arith.constant 0 : i32
        %dma_start3A_73 = tpu.memref_slice %arg11[%dma_start3A_71, %dma_start3A_72] : memref<10000x64xf32, #tpu.memory_space<vmem_shared>> -> memref<16x64xf32, #tpu.memory_space<vmem_shared>>
        %dma_start3A_74 = arith.constant 9984 : i32
        %dma_start3A_75 = arith.constant 0 : i32
        %dma_start3A_76 = tpu.memref_slice %arg11[%dma_start3A_74, %dma_start3A_75] : memref<10000x64xf32, #tpu.memory_space<vmem_shared>> -> memref<16x64xf32, #tpu.memory_space<vmem_shared>>
        %dma_start3A_77 = arith.constant 0 : i32
        %dma_start3A_78 = arith.constant 0 : i32
        %dma_start3A_79 = tpu.memref_slice %arg10[%dma_start3A_77, %dma_start3A_78] : memref<104x64xf32, #tpu.memory_space<vmem>> -> memref<16x64xf32, #tpu.memory_space<vmem>>
        tpu.enqueue_dma source(%dma_start3A_79 : memref<16x64xf32, #tpu.memory_space<vmem>>) target(%dma_start3A_76 : memref<16x64xf32, #tpu.memory_space<vmem_shared>>) target_semaphore(%run_scoped3A : memref<!tpu.dma_semaphore, #tpu.memory_space<semaphore_mem>>)
        %dma_wait3A = arith.constant 0 : i32
        %dma_wait3A_80 = arith.constant 0 : i32
        %dma_wait3A_81 = tpu.memref_slice %arg10[%dma_wait3A, %dma_wait3A_80] : memref<104x64xf32, #tpu.memory_space<vmem>> -> memref<16x64xf32, #tpu.memory_space<vmem>>
        %dma_wait3A_82 = arith.constant 9984 : i32
        %dma_wait3A_83 = arith.constant 0 : i32
        %dma_wait3A_84 = tpu.memref_slice %arg11[%dma_wait3A_82, %dma_wait3A_83] : memref<10000x64xf32, #tpu.memory_space<vmem_shared>> -> memref<16x64xf32, #tpu.memory_space<vmem_shared>>
        %dma_wait3A_85 = arith.constant 9984 : i32
        %dma_wait3A_86 = arith.constant 0 : i32
        %dma_wait3A_87 = tpu.memref_slice %arg11[%dma_wait3A_85, %dma_wait3A_86] : memref<10000x64xf32, #tpu.memory_space<vmem_shared>> -> memref<16x64xf32, #tpu.memory_space<vmem_shared>>
        %dma_wait3A_88 = arith.constant 0 : i32
        %dma_wait3A_89 = arith.constant 0 : i32
        %dma_wait3A_90 = tpu.memref_slice %arg10[%dma_wait3A_88, %dma_wait3A_89] : memref<104x64xf32, #tpu.memory_space<vmem>> -> memref<16x64xf32, #tpu.memory_space<vmem>>
        tpu.wait_dma2 semaphore(%run_scoped3A : memref<!tpu.dma_semaphore, #tpu.memory_space<semaphore_mem>>) src(%dma_wait3A_90 : memref<16x64xf32, #tpu.memory_space<vmem>>) dst(%dma_wait3A_87 : memref<16x64xf32, #tpu.memory_space<vmem_shared>>)
        tpu.yield
      }) : () -> ()
    } else {
    }
    %scan3A_19 = arith.constant 0 : i32
    %scan3A_20 = arith.constant 104 : i32
    %scan3A_21 = arith.addi %scan3A_19, %scan3A_20 : i32
    %scan3A_22 = arith.constant 1 : i32
    scf.for %scan3A_69 = %scan3A_19 to %scan3A_21 step %scan3A_22  : i32 {
      %mul3A_70 = arith.constant 1 : i32
      %mul3A_71 = arith.muli %scan3A_69, %mul3A_70 : i32
      %add3A_72 = arith.constant 0 : i32
      %add3A_73 = arith.addi %add3A_72, %mul3A_71 : i32
      %swap3A = arith.index_cast %add3A_73 : i32 to index
      %swap3A_74 = arith.constant 0 : index
      %swap3A_75 = tpu.vector_load %arg21[%swap3A, %swap3A_74] {strides = array<i32>} : memref<104x16xf32, #tpu.memory_space<vmem>>, vector<1x16xf32>,
      %swap3A_76 = vector.shape_cast %swap3A_75 : vector<1x16xf32> to vector<16xf32>
      %swap3A_77 = vector.shape_cast %broadcast_in_dim3A_0 : vector<16xf32> to vector<1x16xf32>
      tpu.vector_store %arg21[%swap3A, %swap3A_74], %swap3A_77 {strides = array<i32>} : memref<104x16xf32, #tpu.memory_space<vmem>>, vector<1x16xf32>,
    }
    %scan3A_23 = arith.constant 104 : i32
    %add3A_24 = arith.constant 0 : i32
    %add3A_25 = arith.addi %mul3A_5, %add3A_24 : i32
    "tpu.region"() ({
      %run_scoped3A = tpu.sem_alloc : memref<!tpu.dma_semaphore, #tpu.memory_space<semaphore_mem>>
      %dma_start3A = arith.constant 0 : i32
      %dma_start3A_69 = tpu.memref_slice %arg22[%add3A_25, %dma_start3A] : memref<10000x16xf32, #tpu.memory_space<vmem_shared>> -> memref<104x16xf32, #tpu.memory_space<vmem_shared>>
      %dma_start3A_70 = arith.constant 0 : i32
      %dma_start3A_71 = tpu.memref_slice %arg22[%add3A_25, %dma_start3A_70] : memref<10000x16xf32, #tpu.memory_space<vmem_shared>> -> memref<104x16xf32, #tpu.memory_space<vmem_shared>>
      tpu.enqueue_dma source(%arg21 : memref<104x16xf32, #tpu.memory_space<vmem>>) target(%dma_start3A_71 : memref<104x16xf32, #tpu.memory_space<vmem_shared>>) target_semaphore(%run_scoped3A : memref<!tpu.dma_semaphore, #tpu.memory_space<semaphore_mem>>)
      %dma_wait3A = arith.constant 0 : i32
      %dma_wait3A_72 = tpu.memref_slice %arg22[%add3A_25, %dma_wait3A] : memref<10000x16xf32, #tpu.memory_space<vmem_shared>> -> memref<104x16xf32, #tpu.memory_space<vmem_shared>>
      %dma_wait3A_73 = arith.constant 0 : i32
      %dma_wait3A_74 = tpu.memref_slice %arg22[%add3A_25, %dma_wait3A_73] : memref<10000x16xf32, #tpu.memory_space<vmem_shared>> -> memref<104x16xf32, #tpu.memory_space<vmem_shared>>
      tpu.wait_dma2 semaphore(%run_scoped3A : memref<!tpu.dma_semaphore, #tpu.memory_space<semaphore_mem>>) src(%arg21 : memref<104x16xf32, #tpu.memory_space<vmem>>) dst(%dma_wait3A_74 : memref<104x16xf32, #tpu.memory_space<vmem_shared>>)
      tpu.yield
    }) : () -> ()
    %add3A_26 = arith.constant 104 : i32
    %add3A_27 = arith.addi %mul3A_5, %add3A_26 : i32
    "tpu.region"() ({
      %run_scoped3A = tpu.sem_alloc : memref<!tpu.dma_semaphore, #tpu.memory_space<semaphore_mem>>
      %dma_start3A = arith.constant 0 : i32
      %dma_start3A_69 = tpu.memref_slice %arg22[%add3A_27, %dma_start3A] : memref<10000x16xf32, #tpu.memory_space<vmem_shared>> -> memref<104x16xf32, #tpu.memory_space<vmem_shared>>
      %dma_start3A_70 = arith.constant 0 : i32
      %dma_start3A_71 = tpu.memref_slice %arg22[%add3A_27, %dma_start3A_70] : memref<10000x16xf32, #tpu.memory_space<vmem_shared>> -> memref<104x16xf32, #tpu.memory_space<vmem_shared>>
      tpu.enqueue_dma source(%arg21 : memref<104x16xf32, #tpu.memory_space<vmem>>) target(%dma_start3A_71 : memref<104x16xf32, #tpu.memory_space<vmem_shared>>) target_semaphore(%run_scoped3A : memref<!tpu.dma_semaphore, #tpu.memory_space<semaphore_mem>>)
      %dma_wait3A = arith.constant 0 : i32
      %dma_wait3A_72 = tpu.memref_slice %arg22[%add3A_27, %dma_wait3A] : memref<10000x16xf32, #tpu.memory_space<vmem_shared>> -> memref<104x16xf32, #tpu.memory_space<vmem_shared>>
      %dma_wait3A_73 = arith.constant 0 : i32
      %dma_wait3A_74 = tpu.memref_slice %arg22[%add3A_27, %dma_wait3A_73] : memref<10000x16xf32, #tpu.memory_space<vmem_shared>> -> memref<104x16xf32, #tpu.memory_space<vmem_shared>>
      tpu.wait_dma2 semaphore(%run_scoped3A : memref<!tpu.dma_semaphore, #tpu.memory_space<semaphore_mem>>) src(%arg21 : memref<104x16xf32, #tpu.memory_space<vmem>>) dst(%dma_wait3A_74 : memref<104x16xf32, #tpu.memory_space<vmem_shared>>)
      tpu.yield
    }) : () -> ()
    %add3A_28 = arith.constant 208 : i32
    %add3A_29 = arith.addi %mul3A_5, %add3A_28 : i32
    "tpu.region"() ({
      %run_scoped3A = tpu.sem_alloc : memref<!tpu.dma_semaphore, #tpu.memory_space<semaphore_mem>>
      %dma_start3A = arith.constant 0 : i32
      %dma_start3A_69 = tpu.memref_slice %arg22[%add3A_29, %dma_start3A] : memref<10000x16xf32, #tpu.memory_space<vmem_shared>> -> memref<104x16xf32, #tpu.memory_space<vmem_shared>>
      %dma_start3A_70 = arith.constant 0 : i32
      %dma_start3A_71 = tpu.memref_slice %arg22[%add3A_29, %dma_start3A_70] : memref<10000x16xf32, #tpu.memory_space<vmem_shared>> -> memref<104x16xf32, #tpu.memory_space<vmem_shared>>
      tpu.enqueue_dma source(%arg21 : memref<104x16xf32, #tpu.memory_space<vmem>>) target(%dma_start3A_71 : memref<104x16xf32, #tpu.memory_space<vmem_shared>>) target_semaphore(%run_scoped3A : memref<!tpu.dma_semaphore, #tpu.memory_space<semaphore_mem>>)
      %dma_wait3A = arith.constant 0 : i32
      %dma_wait3A_72 = tpu.memref_slice %arg22[%add3A_29, %dma_wait3A] : memref<10000x16xf32, #tpu.memory_space<vmem_shared>> -> memref<104x16xf32, #tpu.memory_space<vmem_shared>>
      %dma_wait3A_73 = arith.constant 0 : i32
      %dma_wait3A_74 = tpu.memref_slice %arg22[%add3A_29, %dma_wait3A_73] : memref<10000x16xf32, #tpu.memory_space<vmem_shared>> -> memref<104x16xf32, #tpu.memory_space<vmem_shared>>
      tpu.wait_dma2 semaphore(%run_scoped3A : memref<!tpu.dma_semaphore, #tpu.memory_space<semaphore_mem>>) src(%arg21 : memref<104x16xf32, #tpu.memory_space<vmem>>) dst(%dma_wait3A_74 : memref<104x16xf32, #tpu.memory_space<vmem_shared>>)
      tpu.yield
    }) : () -> ()
    %add3A_30 = arith.constant 312 : i32
    %add3A_31 = arith.addi %mul3A_5, %add3A_30 : i32
    "tpu.region"() ({
      %run_scoped3A = tpu.sem_alloc : memref<!tpu.dma_semaphore, #tpu.memory_space<semaphore_mem>>
      %dma_start3A = arith.constant 0 : i32
      %dma_start3A_69 = tpu.memref_slice %arg22[%add3A_31, %dma_start3A] : memref<10000x16xf32, #tpu.memory_space<vmem_shared>> -> memref<104x16xf32, #tpu.memory_space<vmem_shared>>
      %dma_start3A_70 = arith.constant 0 : i32
      %dma_start3A_71 = tpu.memref_slice %arg22[%add3A_31, %dma_start3A_70] : memref<10000x16xf32, #tpu.memory_space<vmem_shared>> -> memref<104x16xf32, #tpu.memory_space<vmem_shared>>
      tpu.enqueue_dma source(%arg21 : memref<104x16xf32, #tpu.memory_space<vmem>>) target(%dma_start3A_71 : memref<104x16xf32, #tpu.memory_space<vmem_shared>>) target_semaphore(%run_scoped3A : memref<!tpu.dma_semaphore, #tpu.memory_space<semaphore_mem>>)
      %dma_wait3A = arith.constant 0 : i32
      %dma_wait3A_72 = tpu.memref_slice %arg22[%add3A_31, %dma_wait3A] : memref<10000x16xf32, #tpu.memory_space<vmem_shared>> -> memref<104x16xf32, #tpu.memory_space<vmem_shared>>
      %dma_wait3A_73 = arith.constant 0 : i32
      %dma_wait3A_74 = tpu.memref_slice %arg22[%add3A_31, %dma_wait3A_73] : memref<10000x16xf32, #tpu.memory_space<vmem_shared>> -> memref<104x16xf32, #tpu.memory_space<vmem_shared>>
      tpu.wait_dma2 semaphore(%run_scoped3A : memref<!tpu.dma_semaphore, #tpu.memory_space<semaphore_mem>>) src(%arg21 : memref<104x16xf32, #tpu.memory_space<vmem>>) dst(%dma_wait3A_74 : memref<104x16xf32, #tpu.memory_space<vmem_shared>>)
      tpu.yield
    }) : () -> ()
    %add3A_32 = arith.constant 416 : i32
    %add3A_33 = arith.addi %mul3A_5, %add3A_32 : i32
    "tpu.region"() ({
      %run_scoped3A = tpu.sem_alloc : memref<!tpu.dma_semaphore, #tpu.memory_space<semaphore_mem>>
      %dma_start3A = arith.constant 0 : i32
      %dma_start3A_69 = tpu.memref_slice %arg22[%add3A_33, %dma_start3A] : memref<10000x16xf32, #tpu.memory_space<vmem_shared>> -> memref<104x16xf32, #tpu.memory_space<vmem_shared>>
      %dma_start3A_70 = arith.constant 0 : i32
      %dma_start3A_71 = tpu.memref_slice %arg22[%add3A_33, %dma_start3A_70] : memref<10000x16xf32, #tpu.memory_space<vmem_shared>> -> memref<104x16xf32, #tpu.memory_space<vmem_shared>>
      tpu.enqueue_dma source(%arg21 : memref<104x16xf32, #tpu.memory_space<vmem>>) target(%dma_start3A_71 : memref<104x16xf32, #tpu.memory_space<vmem_shared>>) target_semaphore(%run_scoped3A : memref<!tpu.dma_semaphore, #tpu.memory_space<semaphore_mem>>)
      %dma_wait3A = arith.constant 0 : i32
      %dma_wait3A_72 = tpu.memref_slice %arg22[%add3A_33, %dma_wait3A] : memref<10000x16xf32, #tpu.memory_space<vmem_shared>> -> memref<104x16xf32, #tpu.memory_space<vmem_shared>>
      %dma_wait3A_73 = arith.constant 0 : i32
      %dma_wait3A_74 = tpu.memref_slice %arg22[%add3A_33, %dma_wait3A_73] : memref<10000x16xf32, #tpu.memory_space<vmem_shared>> -> memref<104x16xf32, #tpu.memory_space<vmem_shared>>
      tpu.wait_dma2 semaphore(%run_scoped3A : memref<!tpu.dma_semaphore, #tpu.memory_space<semaphore_mem>>) src(%arg21 : memref<104x16xf32, #tpu.memory_space<vmem>>) dst(%dma_wait3A_74 : memref<104x16xf32, #tpu.memory_space<vmem_shared>>)
      tpu.yield
    }) : () -> ()
    %add3A_34 = arith.constant 520 : i32
    %add3A_35 = arith.addi %mul3A_5, %add3A_34 : i32
    "tpu.region"() ({
      %run_scoped3A = tpu.sem_alloc : memref<!tpu.dma_semaphore, #tpu.memory_space<semaphore_mem>>
      %dma_start3A = arith.constant 0 : i32
      %dma_start3A_69 = tpu.memref_slice %arg22[%add3A_35, %dma_start3A] : memref<10000x16xf32, #tpu.memory_space<vmem_shared>> -> memref<104x16xf32, #tpu.memory_space<vmem_shared>>
      %dma_start3A_70 = arith.constant 0 : i32
      %dma_start3A_71 = tpu.memref_slice %arg22[%add3A_35, %dma_start3A_70] : memref<10000x16xf32, #tpu.memory_space<vmem_shared>> -> memref<104x16xf32, #tpu.memory_space<vmem_shared>>
      tpu.enqueue_dma source(%arg21 : memref<104x16xf32, #tpu.memory_space<vmem>>) target(%dma_start3A_71 : memref<104x16xf32, #tpu.memory_space<vmem_shared>>) target_semaphore(%run_scoped3A : memref<!tpu.dma_semaphore, #tpu.memory_space<semaphore_mem>>)
      %dma_wait3A = arith.constant 0 : i32
      %dma_wait3A_72 = tpu.memref_slice %arg22[%add3A_35, %dma_wait3A] : memref<10000x16xf32, #tpu.memory_space<vmem_shared>> -> memref<104x16xf32, #tpu.memory_space<vmem_shared>>
      %dma_wait3A_73 = arith.constant 0 : i32
      %dma_wait3A_74 = tpu.memref_slice %arg22[%add3A_35, %dma_wait3A_73] : memref<10000x16xf32, #tpu.memory_space<vmem_shared>> -> memref<104x16xf32, #tpu.memory_space<vmem_shared>>
      tpu.wait_dma2 semaphore(%run_scoped3A : memref<!tpu.dma_semaphore, #tpu.memory_space<semaphore_mem>>) src(%arg21 : memref<104x16xf32, #tpu.memory_space<vmem>>) dst(%dma_wait3A_74 : memref<104x16xf32, #tpu.memory_space<vmem_shared>>)
      tpu.yield
    }) : () -> ()
    %eq3A_36 = arith.constant 0 : i32
    %eq3A_37 = arith.cmpi eq, %arg1, %eq3A_36 : i32
    %convert_element_type3A_38 = arith.extui %eq3A_37 : i1 to i32
    %cond3A_39 = arith.constant 0 : i32
    %cond3A_40 = arith.cmpi ne, %convert_element_type3A_38, %cond3A_39 : i32
    scf.if %cond3A_40 {
      "tpu.region"() ({
        %run_scoped3A = tpu.sem_alloc : memref<!tpu.dma_semaphore, #tpu.memory_space<semaphore_mem>>
        %dma_start3A = arith.constant 0 : i32
        %dma_start3A_69 = arith.constant 0 : i32
        %dma_start3A_70 = tpu.memref_slice %arg21[%dma_start3A, %dma_start3A_69] : memref<104x16xf32, #tpu.memory_space<vmem>> -> memref<16x16xf32, #tpu.memory_space<vmem>>
        %dma_start3A_71 = arith.constant 9984 : i32
        %dma_start3A_72 = arith.constant 0 : i32
        %dma_start3A_73 = tpu.memref_slice %arg22[%dma_start3A_71, %dma_start3A_72] : memref<10000x16xf32, #tpu.memory_space<vmem_shared>> -> memref<16x16xf32, #tpu.memory_space<vmem_shared>>
        %dma_start3A_74 = arith.constant 9984 : i32
        %dma_start3A_75 = arith.constant 0 : i32
        %dma_start3A_76 = tpu.memref_slice %arg22[%dma_start3A_74, %dma_start3A_75] : memref<10000x16xf32, #tpu.memory_space<vmem_shared>> -> memref<16x16xf32, #tpu.memory_space<vmem_shared>>
        %dma_start3A_77 = arith.constant 0 : i32
        %dma_start3A_78 = arith.constant 0 : i32
        %dma_start3A_79 = tpu.memref_slice %arg21[%dma_start3A_77, %dma_start3A_78] : memref<104x16xf32, #tpu.memory_space<vmem>> -> memref<16x16xf32, #tpu.memory_space<vmem>>
        tpu.enqueue_dma source(%dma_start3A_79 : memref<16x16xf32, #tpu.memory_space<vmem>>) target(%dma_start3A_76 : memref<16x16xf32, #tpu.memory_space<vmem_shared>>) target_semaphore(%run_scoped3A : memref<!tpu.dma_semaphore, #tpu.memory_space<semaphore_mem>>)
        %dma_wait3A = arith.constant 0 : i32
        %dma_wait3A_80 = arith.constant 0 : i32
        %dma_wait3A_81 = tpu.memref_slice %arg21[%dma_wait3A, %dma_wait3A_80] : memref<104x16xf32, #tpu.memory_space<vmem>> -> memref<16x16xf32, #tpu.memory_space<vmem>>
        %dma_wait3A_82 = arith.constant 9984 : i32
        %dma_wait3A_83 = arith.constant 0 : i32
        %dma_wait3A_84 = tpu.memref_slice %arg22[%dma_wait3A_82, %dma_wait3A_83] : memref<10000x16xf32, #tpu.memory_space<vmem_shared>> -> memref<16x16xf32, #tpu.memory_space<vmem_shared>>
        %dma_wait3A_85 = arith.constant 9984 : i32
        %dma_wait3A_86 = arith.constant 0 : i32
        %dma_wait3A_87 = tpu.memref_slice %arg22[%dma_wait3A_85, %dma_wait3A_86] : memref<10000x16xf32, #tpu.memory_space<vmem_shared>> -> memref<16x16xf32, #tpu.memory_space<vmem_shared>>
        %dma_wait3A_88 = arith.constant 0 : i32
        %dma_wait3A_89 = arith.constant 0 : i32
        %dma_wait3A_90 = tpu.memref_slice %arg21[%dma_wait3A_88, %dma_wait3A_89] : memref<104x16xf32, #tpu.memory_space<vmem>> -> memref<16x16xf32, #tpu.memory_space<vmem>>
        tpu.wait_dma2 semaphore(%run_scoped3A : memref<!tpu.dma_semaphore, #tpu.memory_space<semaphore_mem>>) src(%dma_wait3A_90 : memref<16x16xf32, #tpu.memory_space<vmem>>) dst(%dma_wait3A_87 : memref<16x16xf32, #tpu.memory_space<vmem_shared>>)
        tpu.yield
      }) : () -> ()
    } else {
    }
    %broadcast_in_dim3A_41 = arith.constant 1.000000e+00 : f32
    %broadcast_in_dim3A_42 = vector.broadcast %broadcast_in_dim3A_41 : f32 to vector<16xf32>
    %scan3A_43 = arith.constant 0 : i32
    %scan3A_44 = arith.constant 100 : i32
    %scan3A_45 = arith.addi %scan3A_43, %scan3A_44 : i32
    %scan3A_46 = arith.constant 1 : i32
    scf.for %scan3A_69 = %scan3A_43 to %scan3A_45 step %scan3A_46  : i32 {
      %mul3A_70 = arith.constant 1 : i32
      %mul3A_71 = arith.muli %scan3A_69, %mul3A_70 : i32
      %add3A_72 = arith.constant 0 : i32
      %add3A_73 = arith.addi %add3A_72, %mul3A_71 : i32
      %swap3A = arith.index_cast %add3A_73 : i32 to index
      %swap3A_74 = arith.constant 0 : index
      %swap3A_75 = tpu.vector_load %arg20[%swap3A, %swap3A_74] {strides = array<i32>} : memref<100x16xf32, #tpu.memory_space<vmem>>, vector<1x16xf32>,
      %swap3A_76 = vector.shape_cast %swap3A_75 : vector<1x16xf32> to vector<16xf32>
      %swap3A_77 = vector.shape_cast %broadcast_in_dim3A_42 : vector<16xf32> to vector<1x16xf32>
      tpu.vector_store %arg20[%swap3A, %swap3A_74], %swap3A_77 {strides = array<i32>} : memref<100x16xf32, #tpu.memory_space<vmem>>, vector<1x16xf32>,
    }
    %scan3A_47 = arith.constant 100 : i32
    %barrier3A = arith.constant 0 : index
    tpu.barrier barrier_id(%barrier3A)
    %eq3A_48 = arith.constant 0 : i32
    %eq3A_49 = arith.cmpi eq, %arg0, %eq3A_48 : i32
    %convert_element_type3A_50 = arith.extui %eq3A_49 : i1 to i32
    %cond3A_51 = arith.constant 0 : i32
    %cond3A_52 = arith.cmpi ne, %convert_element_type3A_50, %cond3A_51 : i32
    scf.if %cond3A_52 {
      %dma_start3A = arith.constant 0 : i32
      %dma_start3A_69 = arith.constant 0 : i32
      %dma_start3A_70 = tpu.memref_slice %arg8[%dma_start3A, %dma_start3A_69] : memref<200x100xi32, #tpu.memory_space<vmem>> -> memref<1x100xi32, #tpu.memory_space<vmem>>
      %dma_start3A_71 = tpu.memref_squeeze %dma_start3A_70 : memref<1x100xi32, #tpu.memory_space<vmem>> -> memref<100xi32, #tpu.memory_space<vmem>>
      %dma_start3A_72 = arith.constant 0 : i32
      %dma_start3A_73 = arith.constant 0 : i32
      %dma_start3A_74 = tpu.memref_slice %arg2[%dma_start3A_72, %dma_start3A_73] : memref<10000x64xf32, #tpu.memory_space<hbm>> -> memref<10000x64xf32, #tpu.memory_space<hbm>>
      tpu.enqueue_indirect_dma source(%dma_start3A_74 : memref<10000x64xf32, #tpu.memory_space<hbm>>) target(%arg12 : memref<100x64xf32, #tpu.memory_space<vmem>>) offsets(%dma_start3A_71 : memref<100xi32, #tpu.memory_space<vmem>>) semaphore(%arg16 : memref<!tpu.dma_semaphore, #tpu.memory_space<semaphore_mem>>)
      %dma_start3A_75 = arith.constant 1 : i32
      %dma_start3A_76 = arith.constant 0 : i32
      %dma_start3A_77 = tpu.memref_slice %arg8[%dma_start3A_75, %dma_start3A_76] : memref<200x100xi32, #tpu.memory_space<vmem>> -> memref<1x100xi32, #tpu.memory_space<vmem>>
      %dma_start3A_78 = tpu.memref_squeeze %dma_start3A_77 : memref<1x100xi32, #tpu.memory_space<vmem>> -> memref<100xi32, #tpu.memory_space<vmem>>
      %dma_start3A_79 = arith.constant 0 : i32
      %dma_start3A_80 = arith.constant 0 : i32
      %dma_start3A_81 = tpu.memref_slice %arg2[%dma_start3A_79, %dma_start3A_80] : memref<10000x64xf32, #tpu.memory_space<hbm>> -> memref<10000x64xf32, #tpu.memory_space<hbm>>
      tpu.enqueue_indirect_dma source(%dma_start3A_81 : memref<10000x64xf32, #tpu.memory_space<hbm>>) target(%arg13 : memref<100x64xf32, #tpu.memory_space<vmem>>) offsets(%dma_start3A_78 : memref<100xi32, #tpu.memory_space<vmem>>) semaphore(%arg17 : memref<!tpu.dma_semaphore, #tpu.memory_space<semaphore_mem>>)
      %dma_start3A_82 = arith.constant 2 : i32
      %dma_start3A_83 = arith.constant 0 : i32
      %dma_start3A_84 = tpu.memref_slice %arg8[%dma_start3A_82, %dma_start3A_83] : memref<200x100xi32, #tpu.memory_space<vmem>> -> memref<1x100xi32, #tpu.memory_space<vmem>>
      %dma_start3A_85 = tpu.memref_squeeze %dma_start3A_84 : memref<1x100xi32, #tpu.memory_space<vmem>> -> memref<100xi32, #tpu.memory_space<vmem>>
      %dma_start3A_86 = arith.constant 0 : i32
      %dma_start3A_87 = arith.constant 0 : i32
      %dma_start3A_88 = tpu.memref_slice %arg2[%dma_start3A_86, %dma_start3A_87] : memref<10000x64xf32, #tpu.memory_space<hbm>> -> memref<10000x64xf32, #tpu.memory_space<hbm>>
      tpu.enqueue_indirect_dma source(%dma_start3A_88 : memref<10000x64xf32, #tpu.memory_space<hbm>>) target(%arg14 : memref<100x64xf32, #tpu.memory_space<vmem>>) offsets(%dma_start3A_85 : memref<100xi32, #tpu.memory_space<vmem>>) semaphore(%arg18 : memref<!tpu.dma_semaphore, #tpu.memory_space<semaphore_mem>>)
      %dma_start3A_89 = arith.constant 3 : i32
      %dma_start3A_90 = arith.constant 0 : i32
      %dma_start3A_91 = tpu.memref_slice %arg8[%dma_start3A_89, %dma_start3A_90] : memref<200x100xi32, #tpu.memory_space<vmem>> -> memref<1x100xi32, #tpu.memory_space<vmem>>
      %dma_start3A_92 = tpu.memref_squeeze %dma_start3A_91 : memref<1x100xi32, #tpu.memory_space<vmem>> -> memref<100xi32, #tpu.memory_space<vmem>>
      %dma_start3A_93 = arith.constant 0 : i32
      %dma_start3A_94 = arith.constant 0 : i32
      %dma_start3A_95 = tpu.memref_slice %arg2[%dma_start3A_93, %dma_start3A_94] : memref<10000x64xf32, #tpu.memory_space<hbm>> -> memref<10000x64xf32, #tpu.memory_space<hbm>>
      tpu.enqueue_indirect_dma source(%dma_start3A_95 : memref<10000x64xf32, #tpu.memory_space<hbm>>) target(%arg15 : memref<100x64xf32, #tpu.memory_space<vmem>>) offsets(%dma_start3A_92 : memref<100xi32, #tpu.memory_space<vmem>>) semaphore(%arg19 : memref<!tpu.dma_semaphore, #tpu.memory_space<semaphore_mem>>)
      %scan3A_96 = arith.constant 0 : i32
      %scan3A_97 = arith.constant 50 : i32
      %scan3A_98 = arith.addi %scan3A_96, %scan3A_97 : i32
      %scan3A_99 = arith.constant 1 : i32
      scf.for %scan3A_101 = %scan3A_96 to %scan3A_98 step %scan3A_99  : i32 {
        %mul3A_102 = arith.constant 4 : i32
        %mul3A_103 = arith.muli %scan3A_101, %mul3A_102 : i32
        %add3A_104 = arith.constant 0 : i32
        %add3A_105 = arith.addi %add3A_104, %mul3A_103 : i32
        %add3A_106 = arith.constant 0 : i32
        %add3A_107 = arith.addi %add3A_105, %add3A_106 : i32
        %dma_wait3A = arith.constant 0 : i32
        %dma_wait3A_108 = tpu.memref_slice %arg8[%add3A_107, %dma_wait3A] : memref<200x100xi32, #tpu.memory_space<vmem>> -> memref<1x100xi32, #tpu.memory_space<vmem>>
        %dma_wait3A_109 = tpu.memref_squeeze %dma_wait3A_108 : memref<1x100xi32, #tpu.memory_space<vmem>> -> memref<100xi32, #tpu.memory_space<vmem>>
        %dma_wait3A_110 = arith.constant 0 : i32
        %dma_wait3A_111 = arith.constant 0 : i32
        %dma_wait3A_112 = tpu.memref_slice %arg2[%dma_wait3A_110, %dma_wait3A_111] : memref<10000x64xf32, #tpu.memory_space<hbm>> -> memref<10000x64xf32, #tpu.memory_space<hbm>>
        tpu.wait_indirect_dma semaphore(%arg16 : memref<!tpu.dma_semaphore, #tpu.memory_space<semaphore_mem>>) src(%dma_wait3A_112 : memref<10000x64xf32, #tpu.memory_space<hbm>>) dst(%arg12 : memref<100x64xf32, #tpu.memory_space<vmem>>)
        "tpu.region"() ({
          %run_scoped3A = tpu.sem_alloc : memref<!tpu.dma_semaphore, #tpu.memory_space<semaphore_mem>>
          %dma_start3A_194 = arith.constant 0 : i32
          %dma_start3A_195 = tpu.memref_slice %arg9[%add3A_107, %dma_start3A_194] : memref<200x100xi32, #tpu.memory_space<vmem>> -> memref<1x100xi32, #tpu.memory_space<vmem>>
          %dma_start3A_196 = tpu.memref_squeeze %dma_start3A_195 : memref<1x100xi32, #tpu.memory_space<vmem>> -> memref<100xi32, #tpu.memory_space<vmem>>
          %dma_start3A_197 = arith.constant 0 : i32
          %dma_start3A_198 = arith.constant 0 : i32
          %dma_start3A_199 = tpu.memref_slice %arg11[%dma_start3A_197, %dma_start3A_198] : memref<10000x64xf32, #tpu.memory_space<vmem_shared>> -> memref<10000x64xf32, #tpu.memory_space<vmem_shared>>
          tpu.enqueue_indirect_dma source(%arg12 : memref<100x64xf32, #tpu.memory_space<vmem>>) target(%dma_start3A_199 : memref<10000x64xf32, #tpu.memory_space<vmem_shared>>) offsets(%dma_start3A_196 : memref<100xi32, #tpu.memory_space<vmem>>) semaphore(%run_scoped3A : memref<!tpu.dma_semaphore, #tpu.memory_space<semaphore_mem>>) {add = true}
          %dma_wait3A_200 = arith.constant 0 : i32
          %dma_wait3A_201 = tpu.memref_slice %arg9[%add3A_107, %dma_wait3A_200] : memref<200x100xi32, #tpu.memory_space<vmem>> -> memref<1x100xi32, #tpu.memory_space<vmem>>
          %dma_wait3A_202 = tpu.memref_squeeze %dma_wait3A_201 : memref<1x100xi32, #tpu.memory_space<vmem>> -> memref<100xi32, #tpu.memory_space<vmem>>
          %dma_wait3A_203 = arith.constant 0 : i32
          %dma_wait3A_204 = arith.constant 0 : i32
          %dma_wait3A_205 = tpu.memref_slice %arg11[%dma_wait3A_203, %dma_wait3A_204] : memref<10000x64xf32, #tpu.memory_space<vmem_shared>> -> memref<10000x64xf32, #tpu.memory_space<vmem_shared>>
          tpu.wait_indirect_dma semaphore(%run_scoped3A : memref<!tpu.dma_semaphore, #tpu.memory_space<semaphore_mem>>) src(%arg12 : memref<100x64xf32, #tpu.memory_space<vmem>>) dst(%dma_wait3A_205 : memref<10000x64xf32, #tpu.memory_space<vmem_shared>>)
          tpu.yield
        }) : () -> ()
        %ge3A = arith.constant 0 : i32
        %ge3A_113 = arith.cmpi sge, %add3A_107, %ge3A : i32
        %lt3A = arith.constant 100 : i32
        %lt3A_114 = arith.cmpi slt, %add3A_107, %lt3A : i32
        %and3A = arith.andi %ge3A_113, %lt3A_114 : i1
        %convert_element_type3A_115 = arith.extui %and3A : i1 to i32
        %cond3A_116 = arith.constant 0 : i32
        %cond3A_117 = arith.cmpi ne, %convert_element_type3A_115, %cond3A_116 : i32
        scf.if %cond3A_117 {
          "tpu.region"() ({
            %run_scoped3A = tpu.sem_alloc : memref<!tpu.dma_semaphore, #tpu.memory_space<semaphore_mem>>
            %dma_start3A_194 = arith.constant 0 : i32
            %dma_start3A_195 = tpu.memref_slice %arg9[%add3A_107, %dma_start3A_194] : memref<200x100xi32, #tpu.memory_space<vmem>> -> memref<1x100xi32, #tpu.memory_space<vmem>>
            %dma_start3A_196 = tpu.memref_squeeze %dma_start3A_195 : memref<1x100xi32, #tpu.memory_space<vmem>> -> memref<100xi32, #tpu.memory_space<vmem>>
            %dma_start3A_197 = arith.constant 0 : i32
            %dma_start3A_198 = arith.constant 0 : i32
            %dma_start3A_199 = tpu.memref_slice %arg22[%dma_start3A_197, %dma_start3A_198] : memref<10000x16xf32, #tpu.memory_space<vmem_shared>> -> memref<10000x16xf32, #tpu.memory_space<vmem_shared>>
            tpu.enqueue_indirect_dma source(%arg20 : memref<100x16xf32, #tpu.memory_space<vmem>>) target(%dma_start3A_199 : memref<10000x16xf32, #tpu.memory_space<vmem_shared>>) offsets(%dma_start3A_196 : memref<100xi32, #tpu.memory_space<vmem>>) semaphore(%run_scoped3A : memref<!tpu.dma_semaphore, #tpu.memory_space<semaphore_mem>>) {add = true}
            %dma_wait3A_200 = arith.constant 0 : i32
            %dma_wait3A_201 = tpu.memref_slice %arg9[%add3A_107, %dma_wait3A_200] : memref<200x100xi32, #tpu.memory_space<vmem>> -> memref<1x100xi32, #tpu.memory_space<vmem>>
            %dma_wait3A_202 = tpu.memref_squeeze %dma_wait3A_201 : memref<1x100xi32, #tpu.memory_space<vmem>> -> memref<100xi32, #tpu.memory_space<vmem>>
            %dma_wait3A_203 = arith.constant 0 : i32
            %dma_wait3A_204 = arith.constant 0 : i32
            %dma_wait3A_205 = tpu.memref_slice %arg22[%dma_wait3A_203, %dma_wait3A_204] : memref<10000x16xf32, #tpu.memory_space<vmem_shared>> -> memref<10000x16xf32, #tpu.memory_space<vmem_shared>>
            tpu.wait_indirect_dma semaphore(%run_scoped3A : memref<!tpu.dma_semaphore, #tpu.memory_space<semaphore_mem>>) src(%arg20 : memref<100x16xf32, #tpu.memory_space<vmem>>) dst(%dma_wait3A_205 : memref<10000x16xf32, #tpu.memory_space<vmem_shared>>)
            tpu.yield
          }) : () -> ()
        } else {
        }
        %add3A_118 = arith.constant 4 : i32
        %add3A_119 = arith.addi %add3A_107, %add3A_118 : i32
        %lt3A_120 = arith.constant 200 : i32
        %lt3A_121 = arith.cmpi slt, %add3A_119, %lt3A_120 : i32
        %convert_element_type3A_122 = arith.extui %lt3A_121 : i1 to i32
        %cond3A_123 = arith.constant 0 : i32
        %cond3A_124 = arith.cmpi ne, %convert_element_type3A_122, %cond3A_123 : i32
        scf.if %cond3A_124 {
          %add3A_194 = arith.constant 4 : i32
          %add3A_195 = arith.addi %add3A_107, %add3A_194 : i32
          %dma_start3A_196 = arith.constant 0 : i32
          %dma_start3A_197 = tpu.memref_slice %arg8[%add3A_195, %dma_start3A_196] : memref<200x100xi32, #tpu.memory_space<vmem>> -> memref<1x100xi32, #tpu.memory_space<vmem>>
          %dma_start3A_198 = tpu.memref_squeeze %dma_start3A_197 : memref<1x100xi32, #tpu.memory_space<vmem>> -> memref<100xi32, #tpu.memory_space<vmem>>
          %dma_start3A_199 = arith.constant 0 : i32
          %dma_start3A_200 = arith.constant 0 : i32
          %dma_start3A_201 = tpu.memref_slice %arg2[%dma_start3A_199, %dma_start3A_200] : memref<10000x64xf32, #tpu.memory_space<hbm>> -> memref<10000x64xf32, #tpu.memory_space<hbm>>
          tpu.enqueue_indirect_dma source(%dma_start3A_201 : memref<10000x64xf32, #tpu.memory_space<hbm>>) target(%arg12 : memref<100x64xf32, #tpu.memory_space<vmem>>) offsets(%dma_start3A_198 : memref<100xi32, #tpu.memory_space<vmem>>) semaphore(%arg16 : memref<!tpu.dma_semaphore, #tpu.memory_space<semaphore_mem>>)
        } else {
        }
        %add3A_125 = arith.constant 1 : i32
        %add3A_126 = arith.addi %add3A_105, %add3A_125 : i32
        %dma_wait3A_127 = arith.constant 0 : i32
        %dma_wait3A_128 = tpu.memref_slice %arg8[%add3A_126, %dma_wait3A_127] : memref<200x100xi32, #tpu.memory_space<vmem>> -> memref<1x100xi32, #tpu.memory_space<vmem>>
        %dma_wait3A_129 = tpu.memref_squeeze %dma_wait3A_128 : memref<1x100xi32, #tpu.memory_space<vmem>> -> memref<100xi32, #tpu.memory_space<vmem>>
        %dma_wait3A_130 = arith.constant 0 : i32
        %dma_wait3A_131 = arith.constant 0 : i32
        %dma_wait3A_132 = tpu.memref_slice %arg2[%dma_wait3A_130, %dma_wait3A_131] : memref<10000x64xf32, #tpu.memory_space<hbm>> -> memref<10000x64xf32, #tpu.memory_space<hbm>>
        tpu.wait_indirect_dma semaphore(%arg17 : memref<!tpu.dma_semaphore, #tpu.memory_space<semaphore_mem>>) src(%dma_wait3A_132 : memref<10000x64xf32, #tpu.memory_space<hbm>>) dst(%arg13 : memref<100x64xf32, #tpu.memory_space<vmem>>)
        "tpu.region"() ({
          %run_scoped3A = tpu.sem_alloc : memref<!tpu.dma_semaphore, #tpu.memory_space<semaphore_mem>>
          %dma_start3A_194 = arith.constant 0 : i32
          %dma_start3A_195 = tpu.memref_slice %arg9[%add3A_126, %dma_start3A_194] : memref<200x100xi32, #tpu.memory_space<vmem>> -> memref<1x100xi32, #tpu.memory_space<vmem>>
          %dma_start3A_196 = tpu.memref_squeeze %dma_start3A_195 : memref<1x100xi32, #tpu.memory_space<vmem>> -> memref<100xi32, #tpu.memory_space<vmem>>
          %dma_start3A_197 = arith.constant 0 : i32
          %dma_start3A_198 = arith.constant 0 : i32
          %dma_start3A_199 = tpu.memref_slice %arg11[%dma_start3A_197, %dma_start3A_198] : memref<10000x64xf32, #tpu.memory_space<vmem_shared>> -> memref<10000x64xf32, #tpu.memory_space<vmem_shared>>
          tpu.enqueue_indirect_dma source(%arg13 : memref<100x64xf32, #tpu.memory_space<vmem>>) target(%dma_start3A_199 : memref<10000x64xf32, #tpu.memory_space<vmem_shared>>) offsets(%dma_start3A_196 : memref<100xi32, #tpu.memory_space<vmem>>) semaphore(%run_scoped3A : memref<!tpu.dma_semaphore, #tpu.memory_space<semaphore_mem>>) {add = true}
          %dma_wait3A_200 = arith.constant 0 : i32
          %dma_wait3A_201 = tpu.memref_slice %arg9[%add3A_126, %dma_wait3A_200] : memref<200x100xi32, #tpu.memory_space<vmem>> -> memref<1x100xi32, #tpu.memory_space<vmem>>
          %dma_wait3A_202 = tpu.memref_squeeze %dma_wait3A_201 : memref<1x100xi32, #tpu.memory_space<vmem>> -> memref<100xi32, #tpu.memory_space<vmem>>
          %dma_wait3A_203 = arith.constant 0 : i32
          %dma_wait3A_204 = arith.constant 0 : i32
          %dma_wait3A_205 = tpu.memref_slice %arg11[%dma_wait3A_203, %dma_wait3A_204] : memref<10000x64xf32, #tpu.memory_space<vmem_shared>> -> memref<10000x64xf32, #tpu.memory_space<vmem_shared>>
          tpu.wait_indirect_dma semaphore(%run_scoped3A : memref<!tpu.dma_semaphore, #tpu.memory_space<semaphore_mem>>) src(%arg13 : memref<100x64xf32, #tpu.memory_space<vmem>>) dst(%dma_wait3A_205 : memref<10000x64xf32, #tpu.memory_space<vmem_shared>>)
          tpu.yield
        }) : () -> ()
        %ge3A_133 = arith.constant 0 : i32
        %ge3A_134 = arith.cmpi sge, %add3A_126, %ge3A_133 : i32
        %lt3A_135 = arith.constant 100 : i32
        %lt3A_136 = arith.cmpi slt, %add3A_126, %lt3A_135 : i32
        %and3A_137 = arith.andi %ge3A_134, %lt3A_136 : i1
        %convert_element_type3A_138 = arith.extui %and3A_137 : i1 to i32
        %cond3A_139 = arith.constant 0 : i32
        %cond3A_140 = arith.cmpi ne, %convert_element_type3A_138, %cond3A_139 : i32
        scf.if %cond3A_140 {
          "tpu.region"() ({
            %run_scoped3A = tpu.sem_alloc : memref<!tpu.dma_semaphore, #tpu.memory_space<semaphore_mem>>
            %dma_start3A_194 = arith.constant 0 : i32
            %dma_start3A_195 = tpu.memref_slice %arg9[%add3A_126, %dma_start3A_194] : memref<200x100xi32, #tpu.memory_space<vmem>> -> memref<1x100xi32, #tpu.memory_space<vmem>>
            %dma_start3A_196 = tpu.memref_squeeze %dma_start3A_195 : memref<1x100xi32, #tpu.memory_space<vmem>> -> memref<100xi32, #tpu.memory_space<vmem>>
            %dma_start3A_197 = arith.constant 0 : i32
            %dma_start3A_198 = arith.constant 0 : i32
            %dma_start3A_199 = tpu.memref_slice %arg22[%dma_start3A_197, %dma_start3A_198] : memref<10000x16xf32, #tpu.memory_space<vmem_shared>> -> memref<10000x16xf32, #tpu.memory_space<vmem_shared>>
            tpu.enqueue_indirect_dma source(%arg20 : memref<100x16xf32, #tpu.memory_space<vmem>>) target(%dma_start3A_199 : memref<10000x16xf32, #tpu.memory_space<vmem_shared>>) offsets(%dma_start3A_196 : memref<100xi32, #tpu.memory_space<vmem>>) semaphore(%run_scoped3A : memref<!tpu.dma_semaphore, #tpu.memory_space<semaphore_mem>>) {add = true}
            %dma_wait3A_200 = arith.constant 0 : i32
            %dma_wait3A_201 = tpu.memref_slice %arg9[%add3A_126, %dma_wait3A_200] : memref<200x100xi32, #tpu.memory_space<vmem>> -> memref<1x100xi32, #tpu.memory_space<vmem>>
            %dma_wait3A_202 = tpu.memref_squeeze %dma_wait3A_201 : memref<1x100xi32, #tpu.memory_space<vmem>> -> memref<100xi32, #tpu.memory_space<vmem>>
            %dma_wait3A_203 = arith.constant 0 : i32
            %dma_wait3A_204 = arith.constant 0 : i32
            %dma_wait3A_205 = tpu.memref_slice %arg22[%dma_wait3A_203, %dma_wait3A_204] : memref<10000x16xf32, #tpu.memory_space<vmem_shared>> -> memref<10000x16xf32, #tpu.memory_space<vmem_shared>>
            tpu.wait_indirect_dma semaphore(%run_scoped3A : memref<!tpu.dma_semaphore, #tpu.memory_space<semaphore_mem>>) src(%arg20 : memref<100x16xf32, #tpu.memory_space<vmem>>) dst(%dma_wait3A_205 : memref<10000x16xf32, #tpu.memory_space<vmem_shared>>)
            tpu.yield
          }) : () -> ()
        } else {
        }
        %add3A_141 = arith.constant 4 : i32
        %add3A_142 = arith.addi %add3A_126, %add3A_141 : i32
        %lt3A_143 = arith.constant 200 : i32
        %lt3A_144 = arith.cmpi slt, %add3A_142, %lt3A_143 : i32
        %convert_element_type3A_145 = arith.extui %lt3A_144 : i1 to i32
        %cond3A_146 = arith.constant 0 : i32
        %cond3A_147 = arith.cmpi ne, %convert_element_type3A_145, %cond3A_146 : i32
        scf.if %cond3A_147 {
          %add3A_194 = arith.constant 4 : i32
          %add3A_195 = arith.addi %add3A_126, %add3A_194 : i32
          %dma_start3A_196 = arith.constant 0 : i32
          %dma_start3A_197 = tpu.memref_slice %arg8[%add3A_195, %dma_start3A_196] : memref<200x100xi32, #tpu.memory_space<vmem>> -> memref<1x100xi32, #tpu.memory_space<vmem>>
          %dma_start3A_198 = tpu.memref_squeeze %dma_start3A_197 : memref<1x100xi32, #tpu.memory_space<vmem>> -> memref<100xi32, #tpu.memory_space<vmem>>
          %dma_start3A_199 = arith.constant 0 : i32
          %dma_start3A_200 = arith.constant 0 : i32
          %dma_start3A_201 = tpu.memref_slice %arg2[%dma_start3A_199, %dma_start3A_200] : memref<10000x64xf32, #tpu.memory_space<hbm>> -> memref<10000x64xf32, #tpu.memory_space<hbm>>
          tpu.enqueue_indirect_dma source(%dma_start3A_201 : memref<10000x64xf32, #tpu.memory_space<hbm>>) target(%arg13 : memref<100x64xf32, #tpu.memory_space<vmem>>) offsets(%dma_start3A_198 : memref<100xi32, #tpu.memory_space<vmem>>) semaphore(%arg17 : memref<!tpu.dma_semaphore, #tpu.memory_space<semaphore_mem>>)
        } else {
        }
        %add3A_148 = arith.constant 2 : i32
        %add3A_149 = arith.addi %add3A_105, %add3A_148 : i32
        %dma_wait3A_150 = arith.constant 0 : i32
        %dma_wait3A_151 = tpu.memref_slice %arg8[%add3A_149, %dma_wait3A_150] : memref<200x100xi32, #tpu.memory_space<vmem>> -> memref<1x100xi32, #tpu.memory_space<vmem>>
        %dma_wait3A_152 = tpu.memref_squeeze %dma_wait3A_151 : memref<1x100xi32, #tpu.memory_space<vmem>> -> memref<100xi32, #tpu.memory_space<vmem>>
        %dma_wait3A_153 = arith.constant 0 : i32
        %dma_wait3A_154 = arith.constant 0 : i32
        %dma_wait3A_155 = tpu.memref_slice %arg2[%dma_wait3A_153, %dma_wait3A_154] : memref<10000x64xf32, #tpu.memory_space<hbm>> -> memref<10000x64xf32, #tpu.memory_space<hbm>>
        tpu.wait_indirect_dma semaphore(%arg18 : memref<!tpu.dma_semaphore, #tpu.memory_space<semaphore_mem>>) src(%dma_wait3A_155 : memref<10000x64xf32, #tpu.memory_space<hbm>>) dst(%arg14 : memref<100x64xf32, #tpu.memory_space<vmem>>)
        "tpu.region"() ({
          %run_scoped3A = tpu.sem_alloc : memref<!tpu.dma_semaphore, #tpu.memory_space<semaphore_mem>>
          %dma_start3A_194 = arith.constant 0 : i32
          %dma_start3A_195 = tpu.memref_slice %arg9[%add3A_149, %dma_start3A_194] : memref<200x100xi32, #tpu.memory_space<vmem>> -> memref<1x100xi32, #tpu.memory_space<vmem>>
          %dma_start3A_196 = tpu.memref_squeeze %dma_start3A_195 : memref<1x100xi32, #tpu.memory_space<vmem>> -> memref<100xi32, #tpu.memory_space<vmem>>
          %dma_start3A_197 = arith.constant 0 : i32
          %dma_start3A_198 = arith.constant 0 : i32
          %dma_start3A_199 = tpu.memref_slice %arg11[%dma_start3A_197, %dma_start3A_198] : memref<10000x64xf32, #tpu.memory_space<vmem_shared>> -> memref<10000x64xf32, #tpu.memory_space<vmem_shared>>
          tpu.enqueue_indirect_dma source(%arg14 : memref<100x64xf32, #tpu.memory_space<vmem>>) target(%dma_start3A_199 : memref<10000x64xf32, #tpu.memory_space<vmem_shared>>) offsets(%dma_start3A_196 : memref<100xi32, #tpu.memory_space<vmem>>) semaphore(%run_scoped3A : memref<!tpu.dma_semaphore, #tpu.memory_space<semaphore_mem>>) {add = true}
          %dma_wait3A_200 = arith.constant 0 : i32
          %dma_wait3A_201 = tpu.memref_slice %arg9[%add3A_149, %dma_wait3A_200] : memref<200x100xi32, #tpu.memory_space<vmem>> -> memref<1x100xi32, #tpu.memory_space<vmem>>
          %dma_wait3A_202 = tpu.memref_squeeze %dma_wait3A_201 : memref<1x100xi32, #tpu.memory_space<vmem>> -> memref<100xi32, #tpu.memory_space<vmem>>
          %dma_wait3A_203 = arith.constant 0 : i32
          %dma_wait3A_204 = arith.constant 0 : i32
          %dma_wait3A_205 = tpu.memref_slice %arg11[%dma_wait3A_203, %dma_wait3A_204] : memref<10000x64xf32, #tpu.memory_space<vmem_shared>> -> memref<10000x64xf32, #tpu.memory_space<vmem_shared>>
          tpu.wait_indirect_dma semaphore(%run_scoped3A : memref<!tpu.dma_semaphore, #tpu.memory_space<semaphore_mem>>) src(%arg14 : memref<100x64xf32, #tpu.memory_space<vmem>>) dst(%dma_wait3A_205 : memref<10000x64xf32, #tpu.memory_space<vmem_shared>>)
          tpu.yield
        }) : () -> ()
        %ge3A_156 = arith.constant 0 : i32
        %ge3A_157 = arith.cmpi sge, %add3A_149, %ge3A_156 : i32
        %lt3A_158 = arith.constant 100 : i32
        %lt3A_159 = arith.cmpi slt, %add3A_149, %lt3A_158 : i32
        %and3A_160 = arith.andi %ge3A_157, %lt3A_159 : i1
        %convert_element_type3A_161 = arith.extui %and3A_160 : i1 to i32
        %cond3A_162 = arith.constant 0 : i32
        %cond3A_163 = arith.cmpi ne, %convert_element_type3A_161, %cond3A_162 : i32
        scf.if %cond3A_163 {
          "tpu.region"() ({
            %run_scoped3A = tpu.sem_alloc : memref<!tpu.dma_semaphore, #tpu.memory_space<semaphore_mem>>
            %dma_start3A_194 = arith.constant 0 : i32
            %dma_start3A_195 = tpu.memref_slice %arg9[%add3A_149, %dma_start3A_194] : memref<200x100xi32, #tpu.memory_space<vmem>> -> memref<1x100xi32, #tpu.memory_space<vmem>>
            %dma_start3A_196 = tpu.memref_squeeze %dma_start3A_195 : memref<1x100xi32, #tpu.memory_space<vmem>> -> memref<100xi32, #tpu.memory_space<vmem>>
            %dma_start3A_197 = arith.constant 0 : i32
            %dma_start3A_198 = arith.constant 0 : i32
            %dma_start3A_199 = tpu.memref_slice %arg22[%dma_start3A_197, %dma_start3A_198] : memref<10000x16xf32, #tpu.memory_space<vmem_shared>> -> memref<10000x16xf32, #tpu.memory_space<vmem_shared>>
            tpu.enqueue_indirect_dma source(%arg20 : memref<100x16xf32, #tpu.memory_space<vmem>>) target(%dma_start3A_199 : memref<10000x16xf32, #tpu.memory_space<vmem_shared>>) offsets(%dma_start3A_196 : memref<100xi32, #tpu.memory_space<vmem>>) semaphore(%run_scoped3A : memref<!tpu.dma_semaphore, #tpu.memory_space<semaphore_mem>>) {add = true}
            %dma_wait3A_200 = arith.constant 0 : i32
            %dma_wait3A_201 = tpu.memref_slice %arg9[%add3A_149, %dma_wait3A_200] : memref<200x100xi32, #tpu.memory_space<vmem>> -> memref<1x100xi32, #tpu.memory_space<vmem>>
            %dma_wait3A_202 = tpu.memref_squeeze %dma_wait3A_201 : memref<1x100xi32, #tpu.memory_space<vmem>> -> memref<100xi32, #tpu.memory_space<vmem>>
            %dma_wait3A_203 = arith.constant 0 : i32
            %dma_wait3A_204 = arith.constant 0 : i32
            %dma_wait3A_205 = tpu.memref_slice %arg22[%dma_wait3A_203, %dma_wait3A_204] : memref<10000x16xf32, #tpu.memory_space<vmem_shared>> -> memref<10000x16xf32, #tpu.memory_space<vmem_shared>>
            tpu.wait_indirect_dma semaphore(%run_scoped3A : memref<!tpu.dma_semaphore, #tpu.memory_space<semaphore_mem>>) src(%arg20 : memref<100x16xf32, #tpu.memory_space<vmem>>) dst(%dma_wait3A_205 : memref<10000x16xf32, #tpu.memory_space<vmem_shared>>)
            tpu.yield
          }) : () -> ()
        } else {
        }
        %add3A_164 = arith.constant 4 : i32
        %add3A_165 = arith.addi %add3A_149, %add3A_164 : i32
        %lt3A_166 = arith.constant 200 : i32
        %lt3A_167 = arith.cmpi slt, %add3A_165, %lt3A_166 : i32
        %convert_element_type3A_168 = arith.extui %lt3A_167 : i1 to i32
        %cond3A_169 = arith.constant 0 : i32
        %cond3A_170 = arith.cmpi ne, %convert_element_type3A_168, %cond3A_169 : i32
        scf.if %cond3A_170 {
          %add3A_194 = arith.constant 4 : i32
          %add3A_195 = arith.addi %add3A_149, %add3A_194 : i32
          %dma_start3A_196 = arith.constant 0 : i32
          %dma_start3A_197 = tpu.memref_slice %arg8[%add3A_195, %dma_start3A_196] : memref<200x100xi32, #tpu.memory_space<vmem>> -> memref<1x100xi32, #tpu.memory_space<vmem>>
          %dma_start3A_198 = tpu.memref_squeeze %dma_start3A_197 : memref<1x100xi32, #tpu.memory_space<vmem>> -> memref<100xi32, #tpu.memory_space<vmem>>
          %dma_start3A_199 = arith.constant 0 : i32
          %dma_start3A_200 = arith.constant 0 : i32
          %dma_start3A_201 = tpu.memref_slice %arg2[%dma_start3A_199, %dma_start3A_200] : memref<10000x64xf32, #tpu.memory_space<hbm>> -> memref<10000x64xf32, #tpu.memory_space<hbm>>
          tpu.enqueue_indirect_dma source(%dma_start3A_201 : memref<10000x64xf32, #tpu.memory_space<hbm>>) target(%arg14 : memref<100x64xf32, #tpu.memory_space<vmem>>) offsets(%dma_start3A_198 : memref<100xi32, #tpu.memory_space<vmem>>) semaphore(%arg18 : memref<!tpu.dma_semaphore, #tpu.memory_space<semaphore_mem>>)
        } else {
        }
        %add3A_171 = arith.constant 3 : i32
        %add3A_172 = arith.addi %add3A_105, %add3A_171 : i32
        %dma_wait3A_173 = arith.constant 0 : i32
        %dma_wait3A_174 = tpu.memref_slice %arg8[%add3A_172, %dma_wait3A_173] : memref<200x100xi32, #tpu.memory_space<vmem>> -> memref<1x100xi32, #tpu.memory_space<vmem>>
        %dma_wait3A_175 = tpu.memref_squeeze %dma_wait3A_174 : memref<1x100xi32, #tpu.memory_space<vmem>> -> memref<100xi32, #tpu.memory_space<vmem>>
        %dma_wait3A_176 = arith.constant 0 : i32
        %dma_wait3A_177 = arith.constant 0 : i32
        %dma_wait3A_178 = tpu.memref_slice %arg2[%dma_wait3A_176, %dma_wait3A_177] : memref<10000x64xf32, #tpu.memory_space<hbm>> -> memref<10000x64xf32, #tpu.memory_space<hbm>>
        tpu.wait_indirect_dma semaphore(%arg19 : memref<!tpu.dma_semaphore, #tpu.memory_space<semaphore_mem>>) src(%dma_wait3A_178 : memref<10000x64xf32, #tpu.memory_space<hbm>>) dst(%arg15 : memref<100x64xf32, #tpu.memory_space<vmem>>)
        "tpu.region"() ({
          %run_scoped3A = tpu.sem_alloc : memref<!tpu.dma_semaphore, #tpu.memory_space<semaphore_mem>>
          %dma_start3A_194 = arith.constant 0 : i32
          %dma_start3A_195 = tpu.memref_slice %arg9[%add3A_172, %dma_start3A_194] : memref<200x100xi32, #tpu.memory_space<vmem>> -> memref<1x100xi32, #tpu.memory_space<vmem>>
          %dma_start3A_196 = tpu.memref_squeeze %dma_start3A_195 : memref<1x100xi32, #tpu.memory_space<vmem>> -> memref<100xi32, #tpu.memory_space<vmem>>
          %dma_start3A_197 = arith.constant 0 : i32
          %dma_start3A_198 = arith.constant 0 : i32
          %dma_start3A_199 = tpu.memref_slice %arg11[%dma_start3A_197, %dma_start3A_198] : memref<10000x64xf32, #tpu.memory_space<vmem_shared>> -> memref<10000x64xf32, #tpu.memory_space<vmem_shared>>
          tpu.enqueue_indirect_dma source(%arg15 : memref<100x64xf32, #tpu.memory_space<vmem>>) target(%dma_start3A_199 : memref<10000x64xf32, #tpu.memory_space<vmem_shared>>) offsets(%dma_start3A_196 : memref<100xi32, #tpu.memory_space<vmem>>) semaphore(%run_scoped3A : memref<!tpu.dma_semaphore, #tpu.memory_space<semaphore_mem>>) {add = true}
          %dma_wait3A_200 = arith.constant 0 : i32
          %dma_wait3A_201 = tpu.memref_slice %arg9[%add3A_172, %dma_wait3A_200] : memref<200x100xi32, #tpu.memory_space<vmem>> -> memref<1x100xi32, #tpu.memory_space<vmem>>
          %dma_wait3A_202 = tpu.memref_squeeze %dma_wait3A_201 : memref<1x100xi32, #tpu.memory_space<vmem>> -> memref<100xi32, #tpu.memory_space<vmem>>
          %dma_wait3A_203 = arith.constant 0 : i32
          %dma_wait3A_204 = arith.constant 0 : i32
          %dma_wait3A_205 = tpu.memref_slice %arg11[%dma_wait3A_203, %dma_wait3A_204] : memref<10000x64xf32, #tpu.memory_space<vmem_shared>> -> memref<10000x64xf32, #tpu.memory_space<vmem_shared>>
          tpu.wait_indirect_dma semaphore(%run_scoped3A : memref<!tpu.dma_semaphore, #tpu.memory_space<semaphore_mem>>) src(%arg15 : memref<100x64xf32, #tpu.memory_space<vmem>>) dst(%dma_wait3A_205 : memref<10000x64xf32, #tpu.memory_space<vmem_shared>>)
          tpu.yield
        }) : () -> ()
        %ge3A_179 = arith.constant 0 : i32
        %ge3A_180 = arith.cmpi sge, %add3A_172, %ge3A_179 : i32
        %lt3A_181 = arith.constant 100 : i32
        %lt3A_182 = arith.cmpi slt, %add3A_172, %lt3A_181 : i32
        %and3A_183 = arith.andi %ge3A_180, %lt3A_182 : i1
        %convert_element_type3A_184 = arith.extui %and3A_183 : i1 to i32
        %cond3A_185 = arith.constant 0 : i32
        %cond3A_186 = arith.cmpi ne, %convert_element_type3A_184, %cond3A_185 : i32
        scf.if %cond3A_186 {
          "tpu.region"() ({
            %run_scoped3A = tpu.sem_alloc : memref<!tpu.dma_semaphore, #tpu.memory_space<semaphore_mem>>
            %dma_start3A_194 = arith.constant 0 : i32
            %dma_start3A_195 = tpu.memref_slice %arg9[%add3A_172, %dma_start3A_194] : memref<200x100xi32, #tpu.memory_space<vmem>> -> memref<1x100xi32, #tpu.memory_space<vmem>>
            %dma_start3A_196 = tpu.memref_squeeze %dma_start3A_195 : memref<1x100xi32, #tpu.memory_space<vmem>> -> memref<100xi32, #tpu.memory_space<vmem>>
            %dma_start3A_197 = arith.constant 0 : i32
            %dma_start3A_198 = arith.constant 0 : i32
            %dma_start3A_199 = tpu.memref_slice %arg22[%dma_start3A_197, %dma_start3A_198] : memref<10000x16xf32, #tpu.memory_space<vmem_shared>> -> memref<10000x16xf32, #tpu.memory_space<vmem_shared>>
            tpu.enqueue_indirect_dma source(%arg20 : memref<100x16xf32, #tpu.memory_space<vmem>>) target(%dma_start3A_199 : memref<10000x16xf32, #tpu.memory_space<vmem_shared>>) offsets(%dma_start3A_196 : memref<100xi32, #tpu.memory_space<vmem>>) semaphore(%run_scoped3A : memref<!tpu.dma_semaphore, #tpu.memory_space<semaphore_mem>>) {add = true}
            %dma_wait3A_200 = arith.constant 0 : i32
            %dma_wait3A_201 = tpu.memref_slice %arg9[%add3A_172, %dma_wait3A_200] : memref<200x100xi32, #tpu.memory_space<vmem>> -> memref<1x100xi32, #tpu.memory_space<vmem>>
            %dma_wait3A_202 = tpu.memref_squeeze %dma_wait3A_201 : memref<1x100xi32, #tpu.memory_space<vmem>> -> memref<100xi32, #tpu.memory_space<vmem>>
            %dma_wait3A_203 = arith.constant 0 : i32
            %dma_wait3A_204 = arith.constant 0 : i32
            %dma_wait3A_205 = tpu.memref_slice %arg22[%dma_wait3A_203, %dma_wait3A_204] : memref<10000x16xf32, #tpu.memory_space<vmem_shared>> -> memref<10000x16xf32, #tpu.memory_space<vmem_shared>>
            tpu.wait_indirect_dma semaphore(%run_scoped3A : memref<!tpu.dma_semaphore, #tpu.memory_space<semaphore_mem>>) src(%arg20 : memref<100x16xf32, #tpu.memory_space<vmem>>) dst(%dma_wait3A_205 : memref<10000x16xf32, #tpu.memory_space<vmem_shared>>)
            tpu.yield
          }) : () -> ()
        } else {
        }
        %add3A_187 = arith.constant 4 : i32
        %add3A_188 = arith.addi %add3A_172, %add3A_187 : i32
        %lt3A_189 = arith.constant 200 : i32
        %lt3A_190 = arith.cmpi slt, %add3A_188, %lt3A_189 : i32
        %convert_element_type3A_191 = arith.extui %lt3A_190 : i1 to i32
        %cond3A_192 = arith.constant 0 : i32
        %cond3A_193 = arith.cmpi ne, %convert_element_type3A_191, %cond3A_192 : i32
        scf.if %cond3A_193 {
          %add3A_194 = arith.constant 4 : i32
          %add3A_195 = arith.addi %add3A_172, %add3A_194 : i32
          %dma_start3A_196 = arith.constant 0 : i32
          %dma_start3A_197 = tpu.memref_slice %arg8[%add3A_195, %dma_start3A_196] : memref<200x100xi32, #tpu.memory_space<vmem>> -> memref<1x100xi32, #tpu.memory_space<vmem>>
          %dma_start3A_198 = tpu.memref_squeeze %dma_start3A_197 : memref<1x100xi32, #tpu.memory_space<vmem>> -> memref<100xi32, #tpu.memory_space<vmem>>
          %dma_start3A_199 = arith.constant 0 : i32
          %dma_start3A_200 = arith.constant 0 : i32
          %dma_start3A_201 = tpu.memref_slice %arg2[%dma_start3A_199, %dma_start3A_200] : memref<10000x64xf32, #tpu.memory_space<hbm>> -> memref<10000x64xf32, #tpu.memory_space<hbm>>
          tpu.enqueue_indirect_dma source(%dma_start3A_201 : memref<10000x64xf32, #tpu.memory_space<hbm>>) target(%arg15 : memref<100x64xf32, #tpu.memory_space<vmem>>) offsets(%dma_start3A_198 : memref<100xi32, #tpu.memory_space<vmem>>) semaphore(%arg19 : memref<!tpu.dma_semaphore, #tpu.memory_space<semaphore_mem>>)
        } else {
        }
      }
      %scan3A_100 = arith.constant 50 : i32
    } else {
    }
    %eq3A_53 = arith.constant 1 : i32
    %eq3A_54 = arith.cmpi eq, %arg0, %eq3A_53 : i32
    %convert_element_type3A_55 = arith.extui %eq3A_54 : i1 to i32
    %cond3A_56 = arith.constant 0 : i32
    %cond3A_57 = arith.cmpi ne, %convert_element_type3A_55, %cond3A_56 : i32
    scf.if %cond3A_57 {
      %dma_start3A = arith.constant 0 : i32
      %dma_start3A_69 = arith.constant 0 : i32
      %dma_start3A_70 = tpu.memref_slice %arg8[%dma_start3A, %dma_start3A_69] : memref<200x100xi32, #tpu.memory_space<vmem>> -> memref<1x100xi32, #tpu.memory_space<vmem>>
      %dma_start3A_71 = tpu.memref_squeeze %dma_start3A_70 : memref<1x100xi32, #tpu.memory_space<vmem>> -> memref<100xi32, #tpu.memory_space<vmem>>
      %dma_start3A_72 = arith.constant 0 : i32
      %dma_start3A_73 = arith.constant 0 : i32
      %dma_start3A_74 = tpu.memref_slice %arg3[%dma_start3A_72, %dma_start3A_73] : memref<10000x64xf32, #tpu.memory_space<hbm>> -> memref<10000x64xf32, #tpu.memory_space<hbm>>
      tpu.enqueue_indirect_dma source(%dma_start3A_74 : memref<10000x64xf32, #tpu.memory_space<hbm>>) target(%arg12 : memref<100x64xf32, #tpu.memory_space<vmem>>) offsets(%dma_start3A_71 : memref<100xi32, #tpu.memory_space<vmem>>) semaphore(%arg16 : memref<!tpu.dma_semaphore, #tpu.memory_space<semaphore_mem>>)
      %dma_start3A_75 = arith.constant 1 : i32
      %dma_start3A_76 = arith.constant 0 : i32
      %dma_start3A_77 = tpu.memref_slice %arg8[%dma_start3A_75, %dma_start3A_76] : memref<200x100xi32, #tpu.memory_space<vmem>> -> memref<1x100xi32, #tpu.memory_space<vmem>>
      %dma_start3A_78 = tpu.memref_squeeze %dma_start3A_77 : memref<1x100xi32, #tpu.memory_space<vmem>> -> memref<100xi32, #tpu.memory_space<vmem>>
      %dma_start3A_79 = arith.constant 0 : i32
      %dma_start3A_80 = arith.constant 0 : i32
      %dma_start3A_81 = tpu.memref_slice %arg3[%dma_start3A_79, %dma_start3A_80] : memref<10000x64xf32, #tpu.memory_space<hbm>> -> memref<10000x64xf32, #tpu.memory_space<hbm>>
      tpu.enqueue_indirect_dma source(%dma_start3A_81 : memref<10000x64xf32, #tpu.memory_space<hbm>>) target(%arg13 : memref<100x64xf32, #tpu.memory_space<vmem>>) offsets(%dma_start3A_78 : memref<100xi32, #tpu.memory_space<vmem>>) semaphore(%arg17 : memref<!tpu.dma_semaphore, #tpu.memory_space<semaphore_mem>>)
      %dma_start3A_82 = arith.constant 2 : i32
      %dma_start3A_83 = arith.constant 0 : i32
      %dma_start3A_84 = tpu.memref_slice %arg8[%dma_start3A_82, %dma_start3A_83] : memref<200x100xi32, #tpu.memory_space<vmem>> -> memref<1x100xi32, #tpu.memory_space<vmem>>
      %dma_start3A_85 = tpu.memref_squeeze %dma_start3A_84 : memref<1x100xi32, #tpu.memory_space<vmem>> -> memref<100xi32, #tpu.memory_space<vmem>>
      %dma_start3A_86 = arith.constant 0 : i32
      %dma_start3A_87 = arith.constant 0 : i32
      %dma_start3A_88 = tpu.memref_slice %arg3[%dma_start3A_86, %dma_start3A_87] : memref<10000x64xf32, #tpu.memory_space<hbm>> -> memref<10000x64xf32, #tpu.memory_space<hbm>>
      tpu.enqueue_indirect_dma source(%dma_start3A_88 : memref<10000x64xf32, #tpu.memory_space<hbm>>) target(%arg14 : memref<100x64xf32, #tpu.memory_space<vmem>>) offsets(%dma_start3A_85 : memref<100xi32, #tpu.memory_space<vmem>>) semaphore(%arg18 : memref<!tpu.dma_semaphore, #tpu.memory_space<semaphore_mem>>)
      %dma_start3A_89 = arith.constant 3 : i32
      %dma_start3A_90 = arith.constant 0 : i32
      %dma_start3A_91 = tpu.memref_slice %arg8[%dma_start3A_89, %dma_start3A_90] : memref<200x100xi32, #tpu.memory_space<vmem>> -> memref<1x100xi32, #tpu.memory_space<vmem>>
      %dma_start3A_92 = tpu.memref_squeeze %dma_start3A_91 : memref<1x100xi32, #tpu.memory_space<vmem>> -> memref<100xi32, #tpu.memory_space<vmem>>
      %dma_start3A_93 = arith.constant 0 : i32
      %dma_start3A_94 = arith.constant 0 : i32
      %dma_start3A_95 = tpu.memref_slice %arg3[%dma_start3A_93, %dma_start3A_94] : memref<10000x64xf32, #tpu.memory_space<hbm>> -> memref<10000x64xf32, #tpu.memory_space<hbm>>
      tpu.enqueue_indirect_dma source(%dma_start3A_95 : memref<10000x64xf32, #tpu.memory_space<hbm>>) target(%arg15 : memref<100x64xf32, #tpu.memory_space<vmem>>) offsets(%dma_start3A_92 : memref<100xi32, #tpu.memory_space<vmem>>) semaphore(%arg19 : memref<!tpu.dma_semaphore, #tpu.memory_space<semaphore_mem>>)
      %scan3A_96 = arith.constant 0 : i32
      %scan3A_97 = arith.constant 50 : i32
      %scan3A_98 = arith.addi %scan3A_96, %scan3A_97 : i32
      %scan3A_99 = arith.constant 1 : i32
      scf.for %scan3A_101 = %scan3A_96 to %scan3A_98 step %scan3A_99  : i32 {
        %mul3A_102 = arith.constant 4 : i32
        %mul3A_103 = arith.muli %scan3A_101, %mul3A_102 : i32
        %add3A_104 = arith.constant 0 : i32
        %add3A_105 = arith.addi %add3A_104, %mul3A_103 : i32
        %add3A_106 = arith.constant 0 : i32
        %add3A_107 = arith.addi %add3A_105, %add3A_106 : i32
        %dma_wait3A = arith.constant 0 : i32
        %dma_wait3A_108 = tpu.memref_slice %arg8[%add3A_107, %dma_wait3A] : memref<200x100xi32, #tpu.memory_space<vmem>> -> memref<1x100xi32, #tpu.memory_space<vmem>>
        %dma_wait3A_109 = tpu.memref_squeeze %dma_wait3A_108 : memref<1x100xi32, #tpu.memory_space<vmem>> -> memref<100xi32, #tpu.memory_space<vmem>>
        %dma_wait3A_110 = arith.constant 0 : i32
        %dma_wait3A_111 = arith.constant 0 : i32
        %dma_wait3A_112 = tpu.memref_slice %arg3[%dma_wait3A_110, %dma_wait3A_111] : memref<10000x64xf32, #tpu.memory_space<hbm>> -> memref<10000x64xf32, #tpu.memory_space<hbm>>
        tpu.wait_indirect_dma semaphore(%arg16 : memref<!tpu.dma_semaphore, #tpu.memory_space<semaphore_mem>>) src(%dma_wait3A_112 : memref<10000x64xf32, #tpu.memory_space<hbm>>) dst(%arg12 : memref<100x64xf32, #tpu.memory_space<vmem>>)
        "tpu.region"() ({
          %run_scoped3A = tpu.sem_alloc : memref<!tpu.dma_semaphore, #tpu.memory_space<semaphore_mem>>
          %dma_start3A_194 = arith.constant 0 : i32
          %dma_start3A_195 = tpu.memref_slice %arg9[%add3A_107, %dma_start3A_194] : memref<200x100xi32, #tpu.memory_space<vmem>> -> memref<1x100xi32, #tpu.memory_space<vmem>>
          %dma_start3A_196 = tpu.memref_squeeze %dma_start3A_195 : memref<1x100xi32, #tpu.memory_space<vmem>> -> memref<100xi32, #tpu.memory_space<vmem>>
          %dma_start3A_197 = arith.constant 0 : i32
          %dma_start3A_198 = arith.constant 0 : i32
          %dma_start3A_199 = tpu.memref_slice %arg11[%dma_start3A_197, %dma_start3A_198] : memref<10000x64xf32, #tpu.memory_space<vmem_shared>> -> memref<10000x64xf32, #tpu.memory_space<vmem_shared>>
          tpu.enqueue_indirect_dma source(%arg12 : memref<100x64xf32, #tpu.memory_space<vmem>>) target(%dma_start3A_199 : memref<10000x64xf32, #tpu.memory_space<vmem_shared>>) offsets(%dma_start3A_196 : memref<100xi32, #tpu.memory_space<vmem>>) semaphore(%run_scoped3A : memref<!tpu.dma_semaphore, #tpu.memory_space<semaphore_mem>>) {add = true}
          %dma_wait3A_200 = arith.constant 0 : i32
          %dma_wait3A_201 = tpu.memref_slice %arg9[%add3A_107, %dma_wait3A_200] : memref<200x100xi32, #tpu.memory_space<vmem>> -> memref<1x100xi32, #tpu.memory_space<vmem>>
          %dma_wait3A_202 = tpu.memref_squeeze %dma_wait3A_201 : memref<1x100xi32, #tpu.memory_space<vmem>> -> memref<100xi32, #tpu.memory_space<vmem>>
          %dma_wait3A_203 = arith.constant 0 : i32
          %dma_wait3A_204 = arith.constant 0 : i32
          %dma_wait3A_205 = tpu.memref_slice %arg11[%dma_wait3A_203, %dma_wait3A_204] : memref<10000x64xf32, #tpu.memory_space<vmem_shared>> -> memref<10000x64xf32, #tpu.memory_space<vmem_shared>>
          tpu.wait_indirect_dma semaphore(%run_scoped3A : memref<!tpu.dma_semaphore, #tpu.memory_space<semaphore_mem>>) src(%arg12 : memref<100x64xf32, #tpu.memory_space<vmem>>) dst(%dma_wait3A_205 : memref<10000x64xf32, #tpu.memory_space<vmem_shared>>)
          tpu.yield
        }) : () -> ()
        %ge3A = arith.constant 100 : i32
        %ge3A_113 = arith.cmpi sge, %add3A_107, %ge3A : i32
        %lt3A = arith.constant 200 : i32
        %lt3A_114 = arith.cmpi slt, %add3A_107, %lt3A : i32
        %and3A = arith.andi %ge3A_113, %lt3A_114 : i1
        %convert_element_type3A_115 = arith.extui %and3A : i1 to i32
        %cond3A_116 = arith.constant 0 : i32
        %cond3A_117 = arith.cmpi ne, %convert_element_type3A_115, %cond3A_116 : i32
        scf.if %cond3A_117 {
          "tpu.region"() ({
            %run_scoped3A = tpu.sem_alloc : memref<!tpu.dma_semaphore, #tpu.memory_space<semaphore_mem>>
            %dma_start3A_194 = arith.constant 0 : i32
            %dma_start3A_195 = tpu.memref_slice %arg9[%add3A_107, %dma_start3A_194] : memref<200x100xi32, #tpu.memory_space<vmem>> -> memref<1x100xi32, #tpu.memory_space<vmem>>
            %dma_start3A_196 = tpu.memref_squeeze %dma_start3A_195 : memref<1x100xi32, #tpu.memory_space<vmem>> -> memref<100xi32, #tpu.memory_space<vmem>>
            %dma_start3A_197 = arith.constant 0 : i32
            %dma_start3A_198 = arith.constant 0 : i32
            %dma_start3A_199 = tpu.memref_slice %arg22[%dma_start3A_197, %dma_start3A_198] : memref<10000x16xf32, #tpu.memory_space<vmem_shared>> -> memref<10000x16xf32, #tpu.memory_space<vmem_shared>>
            tpu.enqueue_indirect_dma source(%arg20 : memref<100x16xf32, #tpu.memory_space<vmem>>) target(%dma_start3A_199 : memref<10000x16xf32, #tpu.memory_space<vmem_shared>>) offsets(%dma_start3A_196 : memref<100xi32, #tpu.memory_space<vmem>>) semaphore(%run_scoped3A : memref<!tpu.dma_semaphore, #tpu.memory_space<semaphore_mem>>) {add = true}
            %dma_wait3A_200 = arith.constant 0 : i32
            %dma_wait3A_201 = tpu.memref_slice %arg9[%add3A_107, %dma_wait3A_200] : memref<200x100xi32, #tpu.memory_space<vmem>> -> memref<1x100xi32, #tpu.memory_space<vmem>>
            %dma_wait3A_202 = tpu.memref_squeeze %dma_wait3A_201 : memref<1x100xi32, #tpu.memory_space<vmem>> -> memref<100xi32, #tpu.memory_space<vmem>>
            %dma_wait3A_203 = arith.constant 0 : i32
            %dma_wait3A_204 = arith.constant 0 : i32
            %dma_wait3A_205 = tpu.memref_slice %arg22[%dma_wait3A_203, %dma_wait3A_204] : memref<10000x16xf32, #tpu.memory_space<vmem_shared>> -> memref<10000x16xf32, #tpu.memory_space<vmem_shared>>
            tpu.wait_indirect_dma semaphore(%run_scoped3A : memref<!tpu.dma_semaphore, #tpu.memory_space<semaphore_mem>>) src(%arg20 : memref<100x16xf32, #tpu.memory_space<vmem>>) dst(%dma_wait3A_205 : memref<10000x16xf32, #tpu.memory_space<vmem_shared>>)
            tpu.yield
          }) : () -> ()
        } else {
        }
        %add3A_118 = arith.constant 4 : i32
        %add3A_119 = arith.addi %add3A_107, %add3A_118 : i32
        %lt3A_120 = arith.constant 200 : i32
        %lt3A_121 = arith.cmpi slt, %add3A_119, %lt3A_120 : i32
        %convert_element_type3A_122 = arith.extui %lt3A_121 : i1 to i32
        %cond3A_123 = arith.constant 0 : i32
        %cond3A_124 = arith.cmpi ne, %convert_element_type3A_122, %cond3A_123 : i32
        scf.if %cond3A_124 {
          %add3A_194 = arith.constant 4 : i32
          %add3A_195 = arith.addi %add3A_107, %add3A_194 : i32
          %dma_start3A_196 = arith.constant 0 : i32
          %dma_start3A_197 = tpu.memref_slice %arg8[%add3A_195, %dma_start3A_196] : memref<200x100xi32, #tpu.memory_space<vmem>> -> memref<1x100xi32, #tpu.memory_space<vmem>>
          %dma_start3A_198 = tpu.memref_squeeze %dma_start3A_197 : memref<1x100xi32, #tpu.memory_space<vmem>> -> memref<100xi32, #tpu.memory_space<vmem>>
          %dma_start3A_199 = arith.constant 0 : i32
          %dma_start3A_200 = arith.constant 0 : i32
          %dma_start3A_201 = tpu.memref_slice %arg3[%dma_start3A_199, %dma_start3A_200] : memref<10000x64xf32, #tpu.memory_space<hbm>> -> memref<10000x64xf32, #tpu.memory_space<hbm>>
          tpu.enqueue_indirect_dma source(%dma_start3A_201 : memref<10000x64xf32, #tpu.memory_space<hbm>>) target(%arg12 : memref<100x64xf32, #tpu.memory_space<vmem>>) offsets(%dma_start3A_198 : memref<100xi32, #tpu.memory_space<vmem>>) semaphore(%arg16 : memref<!tpu.dma_semaphore, #tpu.memory_space<semaphore_mem>>)
        } else {
        }
        %add3A_125 = arith.constant 1 : i32
        %add3A_126 = arith.addi %add3A_105, %add3A_125 : i32
        %dma_wait3A_127 = arith.constant 0 : i32
        %dma_wait3A_128 = tpu.memref_slice %arg8[%add3A_126, %dma_wait3A_127] : memref<200x100xi32, #tpu.memory_space<vmem>> -> memref<1x100xi32, #tpu.memory_space<vmem>>
        %dma_wait3A_129 = tpu.memref_squeeze %dma_wait3A_128 : memref<1x100xi32, #tpu.memory_space<vmem>> -> memref<100xi32, #tpu.memory_space<vmem>>
        %dma_wait3A_130 = arith.constant 0 : i32
        %dma_wait3A_131 = arith.constant 0 : i32
        %dma_wait3A_132 = tpu.memref_slice %arg3[%dma_wait3A_130, %dma_wait3A_131] : memref<10000x64xf32, #tpu.memory_space<hbm>> -> memref<10000x64xf32, #tpu.memory_space<hbm>>
        tpu.wait_indirect_dma semaphore(%arg17 : memref<!tpu.dma_semaphore, #tpu.memory_space<semaphore_mem>>) src(%dma_wait3A_132 : memref<10000x64xf32, #tpu.memory_space<hbm>>) dst(%arg13 : memref<100x64xf32, #tpu.memory_space<vmem>>)
        "tpu.region"() ({
          %run_scoped3A = tpu.sem_alloc : memref<!tpu.dma_semaphore, #tpu.memory_space<semaphore_mem>>
          %dma_start3A_194 = arith.constant 0 : i32
          %dma_start3A_195 = tpu.memref_slice %arg9[%add3A_126, %dma_start3A_194] : memref<200x100xi32, #tpu.memory_space<vmem>> -> memref<1x100xi32, #tpu.memory_space<vmem>>
          %dma_start3A_196 = tpu.memref_squeeze %dma_start3A_195 : memref<1x100xi32, #tpu.memory_space<vmem>> -> memref<100xi32, #tpu.memory_space<vmem>>
          %dma_start3A_197 = arith.constant 0 : i32
          %dma_start3A_198 = arith.constant 0 : i32
          %dma_start3A_199 = tpu.memref_slice %arg11[%dma_start3A_197, %dma_start3A_198] : memref<10000x64xf32, #tpu.memory_space<vmem_shared>> -> memref<10000x64xf32, #tpu.memory_space<vmem_shared>>
          tpu.enqueue_indirect_dma source(%arg13 : memref<100x64xf32, #tpu.memory_space<vmem>>) target(%dma_start3A_199 : memref<10000x64xf32, #tpu.memory_space<vmem_shared>>) offsets(%dma_start3A_196 : memref<100xi32, #tpu.memory_space<vmem>>) semaphore(%run_scoped3A : memref<!tpu.dma_semaphore, #tpu.memory_space<semaphore_mem>>) {add = true}
          %dma_wait3A_200 = arith.constant 0 : i32
          %dma_wait3A_201 = tpu.memref_slice %arg9[%add3A_126, %dma_wait3A_200] : memref<200x100xi32, #tpu.memory_space<vmem>> -> memref<1x100xi32, #tpu.memory_space<vmem>>
          %dma_wait3A_202 = tpu.memref_squeeze %dma_wait3A_201 : memref<1x100xi32, #tpu.memory_space<vmem>> -> memref<100xi32, #tpu.memory_space<vmem>>
          %dma_wait3A_203 = arith.constant 0 : i32
          %dma_wait3A_204 = arith.constant 0 : i32
          %dma_wait3A_205 = tpu.memref_slice %arg11[%dma_wait3A_203, %dma_wait3A_204] : memref<10000x64xf32, #tpu.memory_space<vmem_shared>> -> memref<10000x64xf32, #tpu.memory_space<vmem_shared>>
          tpu.wait_indirect_dma semaphore(%run_scoped3A : memref<!tpu.dma_semaphore, #tpu.memory_space<semaphore_mem>>) src(%arg13 : memref<100x64xf32, #tpu.memory_space<vmem>>) dst(%dma_wait3A_205 : memref<10000x64xf32, #tpu.memory_space<vmem_shared>>)
          tpu.yield
        }) : () -> ()
        %ge3A_133 = arith.constant 100 : i32
        %ge3A_134 = arith.cmpi sge, %add3A_126, %ge3A_133 : i32
        %lt3A_135 = arith.constant 200 : i32
        %lt3A_136 = arith.cmpi slt, %add3A_126, %lt3A_135 : i32
        %and3A_137 = arith.andi %ge3A_134, %lt3A_136 : i1
        %convert_element_type3A_138 = arith.extui %and3A_137 : i1 to i32
        %cond3A_139 = arith.constant 0 : i32
        %cond3A_140 = arith.cmpi ne, %convert_element_type3A_138, %cond3A_139 : i32
        scf.if %cond3A_140 {
          "tpu.region"() ({
            %run_scoped3A = tpu.sem_alloc : memref<!tpu.dma_semaphore, #tpu.memory_space<semaphore_mem>>
            %dma_start3A_194 = arith.constant 0 : i32
            %dma_start3A_195 = tpu.memref_slice %arg9[%add3A_126, %dma_start3A_194] : memref<200x100xi32, #tpu.memory_space<vmem>> -> memref<1x100xi32, #tpu.memory_space<vmem>>
            %dma_start3A_196 = tpu.memref_squeeze %dma_start3A_195 : memref<1x100xi32, #tpu.memory_space<vmem>> -> memref<100xi32, #tpu.memory_space<vmem>>
            %dma_start3A_197 = arith.constant 0 : i32
            %dma_start3A_198 = arith.constant 0 : i32
            %dma_start3A_199 = tpu.memref_slice %arg22[%dma_start3A_197, %dma_start3A_198] : memref<10000x16xf32, #tpu.memory_space<vmem_shared>> -> memref<10000x16xf32, #tpu.memory_space<vmem_shared>>
            tpu.enqueue_indirect_dma source(%arg20 : memref<100x16xf32, #tpu.memory_space<vmem>>) target(%dma_start3A_199 : memref<10000x16xf32, #tpu.memory_space<vmem_shared>>) offsets(%dma_start3A_196 : memref<100xi32, #tpu.memory_space<vmem>>) semaphore(%run_scoped3A : memref<!tpu.dma_semaphore, #tpu.memory_space<semaphore_mem>>) {add = true}
            %dma_wait3A_200 = arith.constant 0 : i32
            %dma_wait3A_201 = tpu.memref_slice %arg9[%add3A_126, %dma_wait3A_200] : memref<200x100xi32, #tpu.memory_space<vmem>> -> memref<1x100xi32, #tpu.memory_space<vmem>>
            %dma_wait3A_202 = tpu.memref_squeeze %dma_wait3A_201 : memref<1x100xi32, #tpu.memory_space<vmem>> -> memref<100xi32, #tpu.memory_space<vmem>>
            %dma_wait3A_203 = arith.constant 0 : i32
            %dma_wait3A_204 = arith.constant 0 : i32
            %dma_wait3A_205 = tpu.memref_slice %arg22[%dma_wait3A_203, %dma_wait3A_204] : memref<10000x16xf32, #tpu.memory_space<vmem_shared>> -> memref<10000x16xf32, #tpu.memory_space<vmem_shared>>
            tpu.wait_indirect_dma semaphore(%run_scoped3A : memref<!tpu.dma_semaphore, #tpu.memory_space<semaphore_mem>>) src(%arg20 : memref<100x16xf32, #tpu.memory_space<vmem>>) dst(%dma_wait3A_205 : memref<10000x16xf32, #tpu.memory_space<vmem_shared>>)
            tpu.yield
          }) : () -> ()
        } else {
        }
        %add3A_141 = arith.constant 4 : i32
        %add3A_142 = arith.addi %add3A_126, %add3A_141 : i32
        %lt3A_143 = arith.constant 200 : i32
        %lt3A_144 = arith.cmpi slt, %add3A_142, %lt3A_143 : i32
        %convert_element_type3A_145 = arith.extui %lt3A_144 : i1 to i32
        %cond3A_146 = arith.constant 0 : i32
        %cond3A_147 = arith.cmpi ne, %convert_element_type3A_145, %cond3A_146 : i32
        scf.if %cond3A_147 {
          %add3A_194 = arith.constant 4 : i32
          %add3A_195 = arith.addi %add3A_126, %add3A_194 : i32
          %dma_start3A_196 = arith.constant 0 : i32
          %dma_start3A_197 = tpu.memref_slice %arg8[%add3A_195, %dma_start3A_196] : memref<200x100xi32, #tpu.memory_space<vmem>> -> memref<1x100xi32, #tpu.memory_space<vmem>>
          %dma_start3A_198 = tpu.memref_squeeze %dma_start3A_197 : memref<1x100xi32, #tpu.memory_space<vmem>> -> memref<100xi32, #tpu.memory_space<vmem>>
          %dma_start3A_199 = arith.constant 0 : i32
          %dma_start3A_200 = arith.constant 0 : i32
          %dma_start3A_201 = tpu.memref_slice %arg3[%dma_start3A_199, %dma_start3A_200] : memref<10000x64xf32, #tpu.memory_space<hbm>> -> memref<10000x64xf32, #tpu.memory_space<hbm>>
          tpu.enqueue_indirect_dma source(%dma_start3A_201 : memref<10000x64xf32, #tpu.memory_space<hbm>>) target(%arg13 : memref<100x64xf32, #tpu.memory_space<vmem>>) offsets(%dma_start3A_198 : memref<100xi32, #tpu.memory_space<vmem>>) semaphore(%arg17 : memref<!tpu.dma_semaphore, #tpu.memory_space<semaphore_mem>>)
        } else {
        }
        %add3A_148 = arith.constant 2 : i32
        %add3A_149 = arith.addi %add3A_105, %add3A_148 : i32
        %dma_wait3A_150 = arith.constant 0 : i32
        %dma_wait3A_151 = tpu.memref_slice %arg8[%add3A_149, %dma_wait3A_150] : memref<200x100xi32, #tpu.memory_space<vmem>> -> memref<1x100xi32, #tpu.memory_space<vmem>>
        %dma_wait3A_152 = tpu.memref_squeeze %dma_wait3A_151 : memref<1x100xi32, #tpu.memory_space<vmem>> -> memref<100xi32, #tpu.memory_space<vmem>>
        %dma_wait3A_153 = arith.constant 0 : i32
        %dma_wait3A_154 = arith.constant 0 : i32
        %dma_wait3A_155 = tpu.memref_slice %arg3[%dma_wait3A_153, %dma_wait3A_154] : memref<10000x64xf32, #tpu.memory_space<hbm>> -> memref<10000x64xf32, #tpu.memory_space<hbm>>
        tpu.wait_indirect_dma semaphore(%arg18 : memref<!tpu.dma_semaphore, #tpu.memory_space<semaphore_mem>>) src(%dma_wait3A_155 : memref<10000x64xf32, #tpu.memory_space<hbm>>) dst(%arg14 : memref<100x64xf32, #tpu.memory_space<vmem>>)
        "tpu.region"() ({
          %run_scoped3A = tpu.sem_alloc : memref<!tpu.dma_semaphore, #tpu.memory_space<semaphore_mem>>
          %dma_start3A_194 = arith.constant 0 : i32
          %dma_start3A_195 = tpu.memref_slice %arg9[%add3A_149, %dma_start3A_194] : memref<200x100xi32, #tpu.memory_space<vmem>> -> memref<1x100xi32, #tpu.memory_space<vmem>>
          %dma_start3A_196 = tpu.memref_squeeze %dma_start3A_195 : memref<1x100xi32, #tpu.memory_space<vmem>> -> memref<100xi32, #tpu.memory_space<vmem>>
          %dma_start3A_197 = arith.constant 0 : i32
          %dma_start3A_198 = arith.constant 0 : i32
          %dma_start3A_199 = tpu.memref_slice %arg11[%dma_start3A_197, %dma_start3A_198] : memref<10000x64xf32, #tpu.memory_space<vmem_shared>> -> memref<10000x64xf32, #tpu.memory_space<vmem_shared>>
          tpu.enqueue_indirect_dma source(%arg14 : memref<100x64xf32, #tpu.memory_space<vmem>>) target(%dma_start3A_199 : memref<10000x64xf32, #tpu.memory_space<vmem_shared>>) offsets(%dma_start3A_196 : memref<100xi32, #tpu.memory_space<vmem>>) semaphore(%run_scoped3A : memref<!tpu.dma_semaphore, #tpu.memory_space<semaphore_mem>>) {add = true}
          %dma_wait3A_200 = arith.constant 0 : i32
          %dma_wait3A_201 = tpu.memref_slice %arg9[%add3A_149, %dma_wait3A_200] : memref<200x100xi32, #tpu.memory_space<vmem>> -> memref<1x100xi32, #tpu.memory_space<vmem>>
          %dma_wait3A_202 = tpu.memref_squeeze %dma_wait3A_201 : memref<1x100xi32, #tpu.memory_space<vmem>> -> memref<100xi32, #tpu.memory_space<vmem>>
          %dma_wait3A_203 = arith.constant 0 : i32
          %dma_wait3A_204 = arith.constant 0 : i32
          %dma_wait3A_205 = tpu.memref_slice %arg11[%dma_wait3A_203, %dma_wait3A_204] : memref<10000x64xf32, #tpu.memory_space<vmem_shared>> -> memref<10000x64xf32, #tpu.memory_space<vmem_shared>>
          tpu.wait_indirect_dma semaphore(%run_scoped3A : memref<!tpu.dma_semaphore, #tpu.memory_space<semaphore_mem>>) src(%arg14 : memref<100x64xf32, #tpu.memory_space<vmem>>) dst(%dma_wait3A_205 : memref<10000x64xf32, #tpu.memory_space<vmem_shared>>)
          tpu.yield
        }) : () -> ()
        %ge3A_156 = arith.constant 100 : i32
        %ge3A_157 = arith.cmpi sge, %add3A_149, %ge3A_156 : i32
        %lt3A_158 = arith.constant 200 : i32
        %lt3A_159 = arith.cmpi slt, %add3A_149, %lt3A_158 : i32
        %and3A_160 = arith.andi %ge3A_157, %lt3A_159 : i1
        %convert_element_type3A_161 = arith.extui %and3A_160 : i1 to i32
        %cond3A_162 = arith.constant 0 : i32
        %cond3A_163 = arith.cmpi ne, %convert_element_type3A_161, %cond3A_162 : i32
        scf.if %cond3A_163 {
          "tpu.region"() ({
            %run_scoped3A = tpu.sem_alloc : memref<!tpu.dma_semaphore, #tpu.memory_space<semaphore_mem>>
            %dma_start3A_194 = arith.constant 0 : i32
            %dma_start3A_195 = tpu.memref_slice %arg9[%add3A_149, %dma_start3A_194] : memref<200x100xi32, #tpu.memory_space<vmem>> -> memref<1x100xi32, #tpu.memory_space<vmem>>
            %dma_start3A_196 = tpu.memref_squeeze %dma_start3A_195 : memref<1x100xi32, #tpu.memory_space<vmem>> -> memref<100xi32, #tpu.memory_space<vmem>>
            %dma_start3A_197 = arith.constant 0 : i32
            %dma_start3A_198 = arith.constant 0 : i32
            %dma_start3A_199 = tpu.memref_slice %arg22[%dma_start3A_197, %dma_start3A_198] : memref<10000x16xf32, #tpu.memory_space<vmem_shared>> -> memref<10000x16xf32, #tpu.memory_space<vmem_shared>>
            tpu.enqueue_indirect_dma source(%arg20 : memref<100x16xf32, #tpu.memory_space<vmem>>) target(%dma_start3A_199 : memref<10000x16xf32, #tpu.memory_space<vmem_shared>>) offsets(%dma_start3A_196 : memref<100xi32, #tpu.memory_space<vmem>>) semaphore(%run_scoped3A : memref<!tpu.dma_semaphore, #tpu.memory_space<semaphore_mem>>) {add = true}
            %dma_wait3A_200 = arith.constant 0 : i32
            %dma_wait3A_201 = tpu.memref_slice %arg9[%add3A_149, %dma_wait3A_200] : memref<200x100xi32, #tpu.memory_space<vmem>> -> memref<1x100xi32, #tpu.memory_space<vmem>>
            %dma_wait3A_202 = tpu.memref_squeeze %dma_wait3A_201 : memref<1x100xi32, #tpu.memory_space<vmem>> -> memref<100xi32, #tpu.memory_space<vmem>>
            %dma_wait3A_203 = arith.constant 0 : i32
            %dma_wait3A_204 = arith.constant 0 : i32
            %dma_wait3A_205 = tpu.memref_slice %arg22[%dma_wait3A_203, %dma_wait3A_204] : memref<10000x16xf32, #tpu.memory_space<vmem_shared>> -> memref<10000x16xf32, #tpu.memory_space<vmem_shared>>
            tpu.wait_indirect_dma semaphore(%run_scoped3A : memref<!tpu.dma_semaphore, #tpu.memory_space<semaphore_mem>>) src(%arg20 : memref<100x16xf32, #tpu.memory_space<vmem>>) dst(%dma_wait3A_205 : memref<10000x16xf32, #tpu.memory_space<vmem_shared>>)
            tpu.yield
          }) : () -> ()
        } else {
        }
        %add3A_164 = arith.constant 4 : i32
        %add3A_165 = arith.addi %add3A_149, %add3A_164 : i32
        %lt3A_166 = arith.constant 200 : i32
        %lt3A_167 = arith.cmpi slt, %add3A_165, %lt3A_166 : i32
        %convert_element_type3A_168 = arith.extui %lt3A_167 : i1 to i32
        %cond3A_169 = arith.constant 0 : i32
        %cond3A_170 = arith.cmpi ne, %convert_element_type3A_168, %cond3A_169 : i32
        scf.if %cond3A_170 {
          %add3A_194 = arith.constant 4 : i32
          %add3A_195 = arith.addi %add3A_149, %add3A_194 : i32
          %dma_start3A_196 = arith.constant 0 : i32
          %dma_start3A_197 = tpu.memref_slice %arg8[%add3A_195, %dma_start3A_196] : memref<200x100xi32, #tpu.memory_space<vmem>> -> memref<1x100xi32, #tpu.memory_space<vmem>>
          %dma_start3A_198 = tpu.memref_squeeze %dma_start3A_197 : memref<1x100xi32, #tpu.memory_space<vmem>> -> memref<100xi32, #tpu.memory_space<vmem>>
          %dma_start3A_199 = arith.constant 0 : i32
          %dma_start3A_200 = arith.constant 0 : i32
          %dma_start3A_201 = tpu.memref_slice %arg3[%dma_start3A_199, %dma_start3A_200] : memref<10000x64xf32, #tpu.memory_space<hbm>> -> memref<10000x64xf32, #tpu.memory_space<hbm>>
          tpu.enqueue_indirect_dma source(%dma_start3A_201 : memref<10000x64xf32, #tpu.memory_space<hbm>>) target(%arg14 : memref<100x64xf32, #tpu.memory_space<vmem>>) offsets(%dma_start3A_198 : memref<100xi32, #tpu.memory_space<vmem>>) semaphore(%arg18 : memref<!tpu.dma_semaphore, #tpu.memory_space<semaphore_mem>>)
        } else {
        }
        %add3A_171 = arith.constant 3 : i32
        %add3A_172 = arith.addi %add3A_105, %add3A_171 : i32
        %dma_wait3A_173 = arith.constant 0 : i32
        %dma_wait3A_174 = tpu.memref_slice %arg8[%add3A_172, %dma_wait3A_173] : memref<200x100xi32, #tpu.memory_space<vmem>> -> memref<1x100xi32, #tpu.memory_space<vmem>>
        %dma_wait3A_175 = tpu.memref_squeeze %dma_wait3A_174 : memref<1x100xi32, #tpu.memory_space<vmem>> -> memref<100xi32, #tpu.memory_space<vmem>>
        %dma_wait3A_176 = arith.constant 0 : i32
        %dma_wait3A_177 = arith.constant 0 : i32
        %dma_wait3A_178 = tpu.memref_slice %arg3[%dma_wait3A_176, %dma_wait3A_177] : memref<10000x64xf32, #tpu.memory_space<hbm>> -> memref<10000x64xf32, #tpu.memory_space<hbm>>
        tpu.wait_indirect_dma semaphore(%arg19 : memref<!tpu.dma_semaphore, #tpu.memory_space<semaphore_mem>>) src(%dma_wait3A_178 : memref<10000x64xf32, #tpu.memory_space<hbm>>) dst(%arg15 : memref<100x64xf32, #tpu.memory_space<vmem>>)
        "tpu.region"() ({
          %run_scoped3A = tpu.sem_alloc : memref<!tpu.dma_semaphore, #tpu.memory_space<semaphore_mem>>
          %dma_start3A_194 = arith.constant 0 : i32
          %dma_start3A_195 = tpu.memref_slice %arg9[%add3A_172, %dma_start3A_194] : memref<200x100xi32, #tpu.memory_space<vmem>> -> memref<1x100xi32, #tpu.memory_space<vmem>>
          %dma_start3A_196 = tpu.memref_squeeze %dma_start3A_195 : memref<1x100xi32, #tpu.memory_space<vmem>> -> memref<100xi32, #tpu.memory_space<vmem>>
          %dma_start3A_197 = arith.constant 0 : i32
          %dma_start3A_198 = arith.constant 0 : i32
          %dma_start3A_199 = tpu.memref_slice %arg11[%dma_start3A_197, %dma_start3A_198] : memref<10000x64xf32, #tpu.memory_space<vmem_shared>> -> memref<10000x64xf32, #tpu.memory_space<vmem_shared>>
          tpu.enqueue_indirect_dma source(%arg15 : memref<100x64xf32, #tpu.memory_space<vmem>>) target(%dma_start3A_199 : memref<10000x64xf32, #tpu.memory_space<vmem_shared>>) offsets(%dma_start3A_196 : memref<100xi32, #tpu.memory_space<vmem>>) semaphore(%run_scoped3A : memref<!tpu.dma_semaphore, #tpu.memory_space<semaphore_mem>>) {add = true}
          %dma_wait3A_200 = arith.constant 0 : i32
          %dma_wait3A_201 = tpu.memref_slice %arg9[%add3A_172, %dma_wait3A_200] : memref<200x100xi32, #tpu.memory_space<vmem>> -> memref<1x100xi32, #tpu.memory_space<vmem>>
          %dma_wait3A_202 = tpu.memref_squeeze %dma_wait3A_201 : memref<1x100xi32, #tpu.memory_space<vmem>> -> memref<100xi32, #tpu.memory_space<vmem>>
          %dma_wait3A_203 = arith.constant 0 : i32
          %dma_wait3A_204 = arith.constant 0 : i32
          %dma_wait3A_205 = tpu.memref_slice %arg11[%dma_wait3A_203, %dma_wait3A_204] : memref<10000x64xf32, #tpu.memory_space<vmem_shared>> -> memref<10000x64xf32, #tpu.memory_space<vmem_shared>>
          tpu.wait_indirect_dma semaphore(%run_scoped3A : memref<!tpu.dma_semaphore, #tpu.memory_space<semaphore_mem>>) src(%arg15 : memref<100x64xf32, #tpu.memory_space<vmem>>) dst(%dma_wait3A_205 : memref<10000x64xf32, #tpu.memory_space<vmem_shared>>)
          tpu.yield
        }) : () -> ()
        %ge3A_179 = arith.constant 100 : i32
        %ge3A_180 = arith.cmpi sge, %add3A_172, %ge3A_179 : i32
        %lt3A_181 = arith.constant 200 : i32
        %lt3A_182 = arith.cmpi slt, %add3A_172, %lt3A_181 : i32
        %and3A_183 = arith.andi %ge3A_180, %lt3A_182 : i1
        %convert_element_type3A_184 = arith.extui %and3A_183 : i1 to i32
        %cond3A_185 = arith.constant 0 : i32
        %cond3A_186 = arith.cmpi ne, %convert_element_type3A_184, %cond3A_185 : i32
        scf.if %cond3A_186 {
          "tpu.region"() ({
            %run_scoped3A = tpu.sem_alloc : memref<!tpu.dma_semaphore, #tpu.memory_space<semaphore_mem>>
            %dma_start3A_194 = arith.constant 0 : i32
            %dma_start3A_195 = tpu.memref_slice %arg9[%add3A_172, %dma_start3A_194] : memref<200x100xi32, #tpu.memory_space<vmem>> -> memref<1x100xi32, #tpu.memory_space<vmem>>
            %dma_start3A_196 = tpu.memref_squeeze %dma_start3A_195 : memref<1x100xi32, #tpu.memory_space<vmem>> -> memref<100xi32, #tpu.memory_space<vmem>>
            %dma_start3A_197 = arith.constant 0 : i32
            %dma_start3A_198 = arith.constant 0 : i32
            %dma_start3A_199 = tpu.memref_slice %arg22[%dma_start3A_197, %dma_start3A_198] : memref<10000x16xf32, #tpu.memory_space<vmem_shared>> -> memref<10000x16xf32, #tpu.memory_space<vmem_shared>>
            tpu.enqueue_indirect_dma source(%arg20 : memref<100x16xf32, #tpu.memory_space<vmem>>) target(%dma_start3A_199 : memref<10000x16xf32, #tpu.memory_space<vmem_shared>>) offsets(%dma_start3A_196 : memref<100xi32, #tpu.memory_space<vmem>>) semaphore(%run_scoped3A : memref<!tpu.dma_semaphore, #tpu.memory_space<semaphore_mem>>) {add = true}
            %dma_wait3A_200 = arith.constant 0 : i32
            %dma_wait3A_201 = tpu.memref_slice %arg9[%add3A_172, %dma_wait3A_200] : memref<200x100xi32, #tpu.memory_space<vmem>> -> memref<1x100xi32, #tpu.memory_space<vmem>>
            %dma_wait3A_202 = tpu.memref_squeeze %dma_wait3A_201 : memref<1x100xi32, #tpu.memory_space<vmem>> -> memref<100xi32, #tpu.memory_space<vmem>>
            %dma_wait3A_203 = arith.constant 0 : i32
            %dma_wait3A_204 = arith.constant 0 : i32
            %dma_wait3A_205 = tpu.memref_slice %arg22[%dma_wait3A_203, %dma_wait3A_204] : memref<10000x16xf32, #tpu.memory_space<vmem_shared>> -> memref<10000x16xf32, #tpu.memory_space<vmem_shared>>
            tpu.wait_indirect_dma semaphore(%run_scoped3A : memref<!tpu.dma_semaphore, #tpu.memory_space<semaphore_mem>>) src(%arg20 : memref<100x16xf32, #tpu.memory_space<vmem>>) dst(%dma_wait3A_205 : memref<10000x16xf32, #tpu.memory_space<vmem_shared>>)
            tpu.yield
          }) : () -> ()
        } else {
        }
        %add3A_187 = arith.constant 4 : i32
        %add3A_188 = arith.addi %add3A_172, %add3A_187 : i32
        %lt3A_189 = arith.constant 200 : i32
        %lt3A_190 = arith.cmpi slt, %add3A_188, %lt3A_189 : i32
        %convert_element_type3A_191 = arith.extui %lt3A_190 : i1 to i32
        %cond3A_192 = arith.constant 0 : i32
        %cond3A_193 = arith.cmpi ne, %convert_element_type3A_191, %cond3A_192 : i32
        scf.if %cond3A_193 {
          %add3A_194 = arith.constant 4 : i32
          %add3A_195 = arith.addi %add3A_172, %add3A_194 : i32
          %dma_start3A_196 = arith.constant 0 : i32
          %dma_start3A_197 = tpu.memref_slice %arg8[%add3A_195, %dma_start3A_196] : memref<200x100xi32, #tpu.memory_space<vmem>> -> memref<1x100xi32, #tpu.memory_space<vmem>>
          %dma_start3A_198 = tpu.memref_squeeze %dma_start3A_197 : memref<1x100xi32, #tpu.memory_space<vmem>> -> memref<100xi32, #tpu.memory_space<vmem>>
          %dma_start3A_199 = arith.constant 0 : i32
          %dma_start3A_200 = arith.constant 0 : i32
          %dma_start3A_201 = tpu.memref_slice %arg3[%dma_start3A_199, %dma_start3A_200] : memref<10000x64xf32, #tpu.memory_space<hbm>> -> memref<10000x64xf32, #tpu.memory_space<hbm>>
          tpu.enqueue_indirect_dma source(%dma_start3A_201 : memref<10000x64xf32, #tpu.memory_space<hbm>>) target(%arg15 : memref<100x64xf32, #tpu.memory_space<vmem>>) offsets(%dma_start3A_198 : memref<100xi32, #tpu.memory_space<vmem>>) semaphore(%arg19 : memref<!tpu.dma_semaphore, #tpu.memory_space<semaphore_mem>>)
        } else {
        }
      }
      %scan3A_100 = arith.constant 50 : i32
    } else {
    }
    %barrier3A_58 = arith.constant 0 : index
    tpu.barrier barrier_id(%barrier3A_58)
    "tpu.region"() ({
      %run_scoped3A = tpu.sem_alloc : memref<!tpu.dma_semaphore, #tpu.memory_space<semaphore_mem>>
      %dma_start3A = arith.constant 0 : i32
      %dma_start3A_69 = tpu.memref_slice %arg6[%arg0, %mul3A_5, %dma_start3A] : memref<2x10000x64xf32, #tpu.memory_space<hbm>> -> memref<1x624x64xf32, #tpu.memory_space<hbm>>
      %dma_start3A_70 = tpu.memref_squeeze %dma_start3A_69 : memref<1x624x64xf32, #tpu.memory_space<hbm>> -> memref<624x64xf32, #tpu.memory_space<hbm>>
      %dma_start3A_71 = arith.constant 0 : i32
      %dma_start3A_72 = tpu.memref_slice %arg11[%mul3A_5, %dma_start3A_71] : memref<10000x64xf32, #tpu.memory_space<vmem_shared>> -> memref<624x64xf32, #tpu.memory_space<vmem_shared>>
      tpu.enqueue_dma source(%dma_start3A_72 : memref<624x64xf32, #tpu.memory_space<vmem_shared>>) target(%dma_start3A_70 : memref<624x64xf32, #tpu.memory_space<hbm>>) target_semaphore(%run_scoped3A : memref<!tpu.dma_semaphore, #tpu.memory_space<semaphore_mem>>)
      %dma_wait3A = arith.constant 0 : i32
      %dma_wait3A_73 = tpu.memref_slice %arg6[%arg0, %mul3A_5, %dma_wait3A] : memref<2x10000x64xf32, #tpu.memory_space<hbm>> -> memref<1x624x64xf32, #tpu.memory_space<hbm>>
      %dma_wait3A_74 = tpu.memref_squeeze %dma_wait3A_73 : memref<1x624x64xf32, #tpu.memory_space<hbm>> -> memref<624x64xf32, #tpu.memory_space<hbm>>
      %dma_wait3A_75 = arith.constant 0 : i32
      %dma_wait3A_76 = tpu.memref_slice %arg11[%mul3A_5, %dma_wait3A_75] : memref<10000x64xf32, #tpu.memory_space<vmem_shared>> -> memref<624x64xf32, #tpu.memory_space<vmem_shared>>
      tpu.wait_dma2 semaphore(%run_scoped3A : memref<!tpu.dma_semaphore, #tpu.memory_space<semaphore_mem>>) src(%dma_wait3A_76 : memref<624x64xf32, #tpu.memory_space<vmem_shared>>) dst(%dma_wait3A_74 : memref<624x64xf32, #tpu.memory_space<hbm>>)
      tpu.yield
    }) : () -> ()
    %eq3A_59 = arith.constant 0 : i32
    %eq3A_60 = arith.cmpi eq, %arg1, %eq3A_59 : i32
    %convert_element_type3A_61 = arith.extui %eq3A_60 : i1 to i32
    %cond3A_62 = arith.constant 0 : i32
    %cond3A_63 = arith.cmpi ne, %convert_element_type3A_61, %cond3A_62 : i32
    scf.if %cond3A_63 {
      "tpu.region"() ({
        %run_scoped3A = tpu.sem_alloc : memref<!tpu.dma_semaphore, #tpu.memory_space<semaphore_mem>>
        %dma_start3A = arith.constant 9984 : i32
        %dma_start3A_69 = arith.constant 0 : i32
        %dma_start3A_70 = tpu.memref_slice %arg6[%arg0, %dma_start3A, %dma_start3A_69] : memref<2x10000x64xf32, #tpu.memory_space<hbm>> -> memref<1x16x64xf32, #tpu.memory_space<hbm>>
        %dma_start3A_71 = tpu.memref_squeeze %dma_start3A_70 : memref<1x16x64xf32, #tpu.memory_space<hbm>> -> memref<16x64xf32, #tpu.memory_space<hbm>>
        %dma_start3A_72 = arith.constant 9984 : i32
        %dma_start3A_73 = arith.constant 0 : i32
        %dma_start3A_74 = tpu.memref_slice %arg11[%dma_start3A_72, %dma_start3A_73] : memref<10000x64xf32, #tpu.memory_space<vmem_shared>> -> memref<16x64xf32, #tpu.memory_space<vmem_shared>>
        tpu.enqueue_dma source(%dma_start3A_74 : memref<16x64xf32, #tpu.memory_space<vmem_shared>>) target(%dma_start3A_71 : memref<16x64xf32, #tpu.memory_space<hbm>>) target_semaphore(%run_scoped3A : memref<!tpu.dma_semaphore, #tpu.memory_space<semaphore_mem>>)
        %dma_wait3A = arith.constant 9984 : i32
        %dma_wait3A_75 = arith.constant 0 : i32
        %dma_wait3A_76 = tpu.memref_slice %arg6[%arg0, %dma_wait3A, %dma_wait3A_75] : memref<2x10000x64xf32, #tpu.memory_space<hbm>> -> memref<1x16x64xf32, #tpu.memory_space<hbm>>
        %dma_wait3A_77 = tpu.memref_squeeze %dma_wait3A_76 : memref<1x16x64xf32, #tpu.memory_space<hbm>> -> memref<16x64xf32, #tpu.memory_space<hbm>>
        %dma_wait3A_78 = arith.constant 9984 : i32
        %dma_wait3A_79 = arith.constant 0 : i32
        %dma_wait3A_80 = tpu.memref_slice %arg11[%dma_wait3A_78, %dma_wait3A_79] : memref<10000x64xf32, #tpu.memory_space<vmem_shared>> -> memref<16x64xf32, #tpu.memory_space<vmem_shared>>
        tpu.wait_dma2 semaphore(%run_scoped3A : memref<!tpu.dma_semaphore, #tpu.memory_space<semaphore_mem>>) src(%dma_wait3A_80 : memref<16x64xf32, #tpu.memory_space<vmem_shared>>) dst(%dma_wait3A_77 : memref<16x64xf32, #tpu.memory_space<hbm>>)
        tpu.yield
      }) : () -> ()
    } else {
    }
    "tpu.region"() ({
      %run_scoped3A = tpu.sem_alloc : memref<!tpu.dma_semaphore, #tpu.memory_space<semaphore_mem>>
      %dma_start3A = arith.constant 0 : i32
      %dma_start3A_69 = tpu.memref_slice %arg7[%arg0, %mul3A_5, %dma_start3A] : memref<2x10000x16xf32, #tpu.memory_space<hbm>> -> memref<1x624x16xf32, #tpu.memory_space<hbm>>
      %dma_start3A_70 = tpu.memref_squeeze %dma_start3A_69 : memref<1x624x16xf32, #tpu.memory_space<hbm>> -> memref<624x16xf32, #tpu.memory_space<hbm>>
      %dma_start3A_71 = arith.constant 0 : i32
      %dma_start3A_72 = tpu.memref_slice %arg22[%mul3A_5, %dma_start3A_71] : memref<10000x16xf32, #tpu.memory_space<vmem_shared>> -> memref<624x16xf32, #tpu.memory_space<vmem_shared>>
      tpu.enqueue_dma source(%dma_start3A_72 : memref<624x16xf32, #tpu.memory_space<vmem_shared>>) target(%dma_start3A_70 : memref<624x16xf32, #tpu.memory_space<hbm>>) target_semaphore(%run_scoped3A : memref<!tpu.dma_semaphore, #tpu.memory_space<semaphore_mem>>)
      %dma_wait3A = arith.constant 0 : i32
      %dma_wait3A_73 = tpu.memref_slice %arg7[%arg0, %mul3A_5, %dma_wait3A] : memref<2x10000x16xf32, #tpu.memory_space<hbm>> -> memref<1x624x16xf32, #tpu.memory_space<hbm>>
      %dma_wait3A_74 = tpu.memref_squeeze %dma_wait3A_73 : memref<1x624x16xf32, #tpu.memory_space<hbm>> -> memref<624x16xf32, #tpu.memory_space<hbm>>
      %dma_wait3A_75 = arith.constant 0 : i32
      %dma_wait3A_76 = tpu.memref_slice %arg22[%mul3A_5, %dma_wait3A_75] : memref<10000x16xf32, #tpu.memory_space<vmem_shared>> -> memref<624x16xf32, #tpu.memory_space<vmem_shared>>
      tpu.wait_dma2 semaphore(%run_scoped3A : memref<!tpu.dma_semaphore, #tpu.memory_space<semaphore_mem>>) src(%dma_wait3A_76 : memref<624x16xf32, #tpu.memory_space<vmem_shared>>) dst(%dma_wait3A_74 : memref<624x16xf32, #tpu.memory_space<hbm>>)
      tpu.yield
    }) : () -> ()
    %eq3A_64 = arith.constant 0 : i32
    %eq3A_65 = arith.cmpi eq, %arg1, %eq3A_64 : i32
    %convert_element_type3A_66 = arith.extui %eq3A_65 : i1 to i32
    %cond3A_67 = arith.constant 0 : i32
    %cond3A_68 = arith.cmpi ne, %convert_element_type3A_66, %cond3A_67 : i32
    scf.if %cond3A_68 {
      "tpu.region"() ({
        %run_scoped3A = tpu.sem_alloc : memref<!tpu.dma_semaphore, #tpu.memory_space<semaphore_mem>>
        %dma_start3A = arith.constant 9984 : i32
        %dma_start3A_69 = arith.constant 0 : i32
        %dma_start3A_70 = tpu.memref_slice %arg7[%arg0, %dma_start3A, %dma_start3A_69] : memref<2x10000x16xf32, #tpu.memory_space<hbm>> -> memref<1x16x16xf32, #tpu.memory_space<hbm>>
        %dma_start3A_71 = tpu.memref_squeeze %dma_start3A_70 : memref<1x16x16xf32, #tpu.memory_space<hbm>> -> memref<16x16xf32, #tpu.memory_space<hbm>>
        %dma_start3A_72 = arith.constant 9984 : i32
        %dma_start3A_73 = arith.constant 0 : i32
        %dma_start3A_74 = tpu.memref_slice %arg22[%dma_start3A_72, %dma_start3A_73] : memref<10000x16xf32, #tpu.memory_space<vmem_shared>> -> memref<16x16xf32, #tpu.memory_space<vmem_shared>>
        tpu.enqueue_dma source(%dma_start3A_74 : memref<16x16xf32, #tpu.memory_space<vmem_shared>>) target(%dma_start3A_71 : memref<16x16xf32, #tpu.memory_space<hbm>>) target_semaphore(%run_scoped3A : memref<!tpu.dma_semaphore, #tpu.memory_space<semaphore_mem>>)
        %dma_wait3A = arith.constant 9984 : i32
        %dma_wait3A_75 = arith.constant 0 : i32
        %dma_wait3A_76 = tpu.memref_slice %arg7[%arg0, %dma_wait3A, %dma_wait3A_75] : memref<2x10000x16xf32, #tpu.memory_space<hbm>> -> memref<1x16x16xf32, #tpu.memory_space<hbm>>
        %dma_wait3A_77 = tpu.memref_squeeze %dma_wait3A_76 : memref<1x16x16xf32, #tpu.memory_space<hbm>> -> memref<16x16xf32, #tpu.memory_space<hbm>>
        %dma_wait3A_78 = arith.constant 9984 : i32
        %dma_wait3A_79 = arith.constant 0 : i32
        %dma_wait3A_80 = tpu.memref_slice %arg22[%dma_wait3A_78, %dma_wait3A_79] : memref<10000x16xf32, #tpu.memory_space<vmem_shared>> -> memref<16x16xf32, #tpu.memory_space<vmem_shared>>
        tpu.wait_dma2 semaphore(%run_scoped3A : memref<!tpu.dma_semaphore, #tpu.memory_space<semaphore_mem>>) src(%dma_wait3A_80 : memref<16x16xf32, #tpu.memory_space<vmem_shared>>) dst(%dma_wait3A_77 : memref<16x16xf32, #tpu.memory_space<hbm>>)
        tpu.yield
      }) : () -> ()
    } else {
    }
    return
  }
}

module attributes {stable_mosaic.version = 14 : i64} {
  func.func @_mm_body(%arg0: memref<10000x128xf32, #tpu.memory_space<vmem>>, %arg1: memref<128x128xf32, #tpu.memory_space<vmem>>, %arg2: memref<10000x64xf32, #tpu.memory_space<vmem>>, %arg3: memref<10000x64xf32, #tpu.memory_space<vmem>>) attributes {dimension_semantics = [], scalar_prefetch = 0 : i64, scratch_operands = 0 : i64, tpu.core_type = #tpu.core_type<tc>} {
    %get3A = arith.constant 0 : index
    %get3A_0 = arith.constant 0 : index
    %get3A_1 = vector.load %arg0[%get3A, %get3A_0] : memref<10000x128xf32, #tpu.memory_space<vmem>>, vector<10000x128xf32>
    %get3A_2 = arith.constant 0 : index
    %get3A_3 = arith.constant 0 : index
    %get3A_4 = vector.load %arg1[%get3A_2, %get3A_3] : memref<128x128xf32, #tpu.memory_space<vmem>>, vector<128x128xf32>
    %dot_general3A = arith.constant dense<0.000000e+00> : vector<10000x128xf32>
    %dot_general3A_5 = tpu.matmul %get3A_1, %get3A_4, %dot_general3A {dimension_numbers = #tpu.dot_dimension_numbers<[1], [0], [0], [1], [0, 0, 1, 1], [], []>, transpose_lhs_hint = false} : vector<10000x128xf32>, vector<128x128xf32>, vector<10000x128xf32> -> vector<10000x128xf32>
    %slice3A = vector.extract_strided_slice %dot_general3A_5 {offsets = [0, 0], sizes = [10000, 64], strides = [1, 1]} : vector<10000x128xf32> to vector<10000x64xf32>
    %swap3A = arith.constant 0 : index
    %swap3A_6 = arith.constant 0 : index
    %swap3A_7 = vector.load %arg2[%swap3A, %swap3A_6] : memref<10000x64xf32, #tpu.memory_space<vmem>>, vector<10000x64xf32>
    tpu.vector_store %arg2[%swap3A, %swap3A_6], %slice3A {strides = array<i32>} : memref<10000x64xf32, #tpu.memory_space<vmem>>, vector<10000x64xf32>,
    %slice3A_8 = vector.extract_strided_slice %dot_general3A_5 {offsets = [0, 64], sizes = [10000, 64], strides = [1, 1]} : vector<10000x128xf32> to vector<10000x64xf32>
    %swap3A_9 = arith.constant 0 : index
    %swap3A_10 = arith.constant 0 : index
    %swap3A_11 = vector.load %arg3[%swap3A_9, %swap3A_10] : memref<10000x64xf32, #tpu.memory_space<vmem>>, vector<10000x64xf32>
    tpu.vector_store %arg3[%swap3A_9, %swap3A_10], %slice3A_8 {strides = array<i32>} : memref<10000x64xf32, #tpu.memory_space<vmem>>, vector<10000x64xf32>,
    return
  }
}

module attributes {stable_mosaic.version = 14 : i64} {
  func.func @_layer_body(%arg0: memref<10000x128xf32, #tpu.memory_space<vmem>>, %arg1: memref<2x10000x64xf32, #tpu.memory_space<vmem>>, %arg2: memref<2x10000x16xf32, #tpu.memory_space<vmem>>, %arg3: memref<128x128xf32, #tpu.memory_space<vmem>>, %arg4: memref<128xf32, #tpu.memory_space<vmem>>, %arg5: memref<128x128xf32, #tpu.memory_space<vmem>>, %arg6: memref<10000x128xf32, #tpu.memory_space<vmem>>, %arg7: memref<10000x64xf32, #tpu.memory_space<vmem>>, %arg8: memref<10000x64xf32, #tpu.memory_space<vmem>>) attributes {dimension_semantics = [], scalar_prefetch = 0 : i64, scratch_operands = 0 : i64, tpu.core_type = #tpu.core_type<tc>} {
    %get3A = arith.constant 0 : index
    %get3A_0 = arith.constant 0 : index
    %get3A_1 = arith.constant 0 : index
    %get3A_2 = vector.load %arg1[%get3A, %get3A_0, %get3A_1] : memref<2x10000x64xf32, #tpu.memory_space<vmem>>, vector<1x10000x64xf32>
    %get3A_3 = vector.shape_cast %get3A_2 : vector<1x10000x64xf32> to vector<10000x64xf32>
    %get3A_4 = arith.constant 1 : index
    %get3A_5 = arith.constant 0 : index
    %get3A_6 = arith.constant 0 : index
    %get3A_7 = vector.load %arg1[%get3A_4, %get3A_5, %get3A_6] : memref<2x10000x64xf32, #tpu.memory_space<vmem>>, vector<1x10000x64xf32>
    %get3A_8 = vector.shape_cast %get3A_7 : vector<1x10000x64xf32> to vector<10000x64xf32>
    %concatenate3A = tpu.concatenate %get3A_3, %get3A_8 in 1 : vector<10000x64xf32>, vector<10000x64xf32> -> vector<10000x128xf32>
    %get3A_9 = arith.constant 0 : index
    %get3A_10 = arith.constant 0 : index
    %get3A_11 = arith.constant 0 : index
    %get3A_12 = vector.load %arg2[%get3A_9, %get3A_10, %get3A_11] : memref<2x10000x16xf32, #tpu.memory_space<vmem>>, vector<1x10000x1xf32>
    %get3A_13 = vector.shape_cast %get3A_12 : vector<1x10000x1xf32> to vector<10000x1xf32>
    %get3A_14 = arith.constant 1 : index
    %get3A_15 = arith.constant 0 : index
    %get3A_16 = arith.constant 0 : index
    %get3A_17 = vector.load %arg2[%get3A_14, %get3A_15, %get3A_16] : memref<2x10000x16xf32, #tpu.memory_space<vmem>>, vector<1x10000x1xf32>
    %get3A_18 = vector.shape_cast %get3A_17 : vector<1x10000x1xf32> to vector<10000x1xf32>
    %add3A = arith.addf %get3A_13, %get3A_18 : vector<10000x1xf32>
    %max3A = arith.constant 1.000000e+00 : f32
    %max3A_19 = vector.broadcast %max3A : f32 to vector<10000x1xf32>
    %max3A_20 = arith.maximumf %add3A, %max3A_19 : vector<10000x1xf32>
    %div3A = arith.constant 1.000000e+00 : f32
    %div3A_21 = vector.broadcast %div3A : f32 to vector<10000x1xf32>
    %div3A_22 = arith.divf %div3A_21, %max3A_20 : vector<10000x1xf32>
    %mul3A = vector.broadcast %div3A_22 : vector<10000x1xf32> to vector<10000x128xf32>
    %mul3A_23 = arith.mulf %concatenate3A, %mul3A : vector<10000x128xf32>
    %get3A_24 = arith.constant 0 : index
    %get3A_25 = arith.constant 0 : index
    %get3A_26 = vector.load %arg0[%get3A_24, %get3A_25] : memref<10000x128xf32, #tpu.memory_space<vmem>>, vector<10000x128xf32>
    %get3A_27 = arith.constant 0 : index
    %get3A_28 = arith.constant 0 : index
    %get3A_29 = vector.load %arg3[%get3A_27, %get3A_28] : memref<128x128xf32, #tpu.memory_space<vmem>>, vector<128x128xf32>
    %dot_general3A = arith.constant dense<0.000000e+00> : vector<10000x128xf32>
    %dot_general3A_30 = tpu.matmul %get3A_26, %get3A_29, %dot_general3A {dimension_numbers = #tpu.dot_dimension_numbers<[1], [0], [0], [1], [0, 0, 1, 1], [], []>, transpose_lhs_hint = false} : vector<10000x128xf32>, vector<128x128xf32>, vector<10000x128xf32> -> vector<10000x128xf32>
    %add3A_31 = arith.addf %dot_general3A_30, %mul3A_23 : vector<10000x128xf32>
    %get3A_32 = arith.constant 0 : index
    %get3A_33 = vector.load %arg4[%get3A_32] : memref<128xf32, #tpu.memory_space<vmem>>, vector<128xf32>
    %broadcast_in_dim3A = vector.shape_cast %get3A_33 : vector<128xf32> to vector<1x128xf32>
    %add3A_34 = vector.broadcast %broadcast_in_dim3A : vector<1x128xf32> to vector<10000x128xf32>
    %add3A_35 = arith.addf %add3A_31, %add3A_34 : vector<10000x128xf32>
    %max3A_36 = arith.constant 0.000000e+00 : f32
    %max3A_37 = vector.broadcast %max3A_36 : f32 to vector<10000x128xf32>
    %max3A_38 = arith.maximumf %add3A_35, %max3A_37 : vector<10000x128xf32>
    %swap3A = arith.constant 0 : index
    %swap3A_39 = arith.constant 0 : index
    %swap3A_40 = vector.load %arg6[%swap3A, %swap3A_39] : memref<10000x128xf32, #tpu.memory_space<vmem>>, vector<10000x128xf32>
    tpu.vector_store %arg6[%swap3A, %swap3A_39], %max3A_38 {strides = array<i32>} : memref<10000x128xf32, #tpu.memory_space<vmem>>, vector<10000x128xf32>,
    %get3A_41 = arith.constant 0 : index
    %get3A_42 = arith.constant 0 : index
    %get3A_43 = vector.load %arg5[%get3A_41, %get3A_42] : memref<128x128xf32, #tpu.memory_space<vmem>>, vector<128x128xf32>
    %dot_general3A_44 = arith.constant dense<0.000000e+00> : vector<10000x128xf32>
    %dot_general3A_45 = tpu.matmul %max3A_38, %get3A_43, %dot_general3A_44 {dimension_numbers = #tpu.dot_dimension_numbers<[1], [0], [0], [1], [0, 0, 1, 1], [], []>, transpose_lhs_hint = false} : vector<10000x128xf32>, vector<128x128xf32>, vector<10000x128xf32> -> vector<10000x128xf32>
    %slice3A = vector.extract_strided_slice %dot_general3A_45 {offsets = [0, 0], sizes = [10000, 64], strides = [1, 1]} : vector<10000x128xf32> to vector<10000x64xf32>
    %swap3A_46 = arith.constant 0 : index
    %swap3A_47 = arith.constant 0 : index
    %swap3A_48 = vector.load %arg7[%swap3A_46, %swap3A_47] : memref<10000x64xf32, #tpu.memory_space<vmem>>, vector<10000x64xf32>
    tpu.vector_store %arg7[%swap3A_46, %swap3A_47], %slice3A {strides = array<i32>} : memref<10000x64xf32, #tpu.memory_space<vmem>>, vector<10000x64xf32>,
    %slice3A_49 = vector.extract_strided_slice %dot_general3A_45 {offsets = [0, 64], sizes = [10000, 64], strides = [1, 1]} : vector<10000x128xf32> to vector<10000x64xf32>
    %swap3A_50 = arith.constant 0 : index
    %swap3A_51 = arith.constant 0 : index
    %swap3A_52 = vector.load %arg8[%swap3A_50, %swap3A_51] : memref<10000x64xf32, #tpu.memory_space<vmem>>, vector<10000x64xf32>
    tpu.vector_store %arg8[%swap3A_50, %swap3A_51], %slice3A_49 {strides = array<i32>} : memref<10000x64xf32, #tpu.memory_space<vmem>>, vector<10000x64xf32>,
    return
  }
}

module attributes {stable_mosaic.version = 14 : i64} {
  func.func @_out_body(%arg0: memref<10000x128xf32, #tpu.memory_space<vmem>>, %arg1: memref<2x10000x64xf32, #tpu.memory_space<vmem>>, %arg2: memref<2x10000x16xf32, #tpu.memory_space<vmem>>, %arg3: memref<128x128xf32, #tpu.memory_space<vmem>>, %arg4: memref<128xf32, #tpu.memory_space<vmem>>, %arg5: memref<128x64xf32, #tpu.memory_space<vmem>>, %arg6: memref<64xf32, #tpu.memory_space<vmem>>, %arg7: memref<10000x64xf32, #tpu.memory_space<vmem>>) attributes {dimension_semantics = [], scalar_prefetch = 0 : i64, scratch_operands = 0 : i64, tpu.core_type = #tpu.core_type<tc>} {
    %get3A = arith.constant 0 : index
    %get3A_0 = arith.constant 0 : index
    %get3A_1 = arith.constant 0 : index
    %get3A_2 = vector.load %arg1[%get3A, %get3A_0, %get3A_1] : memref<2x10000x64xf32, #tpu.memory_space<vmem>>, vector<1x10000x64xf32>
    %get3A_3 = vector.shape_cast %get3A_2 : vector<1x10000x64xf32> to vector<10000x64xf32>
    %get3A_4 = arith.constant 1 : index
    %get3A_5 = arith.constant 0 : index
    %get3A_6 = arith.constant 0 : index
    %get3A_7 = vector.load %arg1[%get3A_4, %get3A_5, %get3A_6] : memref<2x10000x64xf32, #tpu.memory_space<vmem>>, vector<1x10000x64xf32>
    %get3A_8 = vector.shape_cast %get3A_7 : vector<1x10000x64xf32> to vector<10000x64xf32>
    %concatenate3A = tpu.concatenate %get3A_3, %get3A_8 in 1 : vector<10000x64xf32>, vector<10000x64xf32> -> vector<10000x128xf32>
    %get3A_9 = arith.constant 0 : index
    %get3A_10 = arith.constant 0 : index
    %get3A_11 = arith.constant 0 : index
    %get3A_12 = vector.load %arg2[%get3A_9, %get3A_10, %get3A_11] : memref<2x10000x16xf32, #tpu.memory_space<vmem>>, vector<1x10000x1xf32>
    %get3A_13 = vector.shape_cast %get3A_12 : vector<1x10000x1xf32> to vector<10000x1xf32>
    %get3A_14 = arith.constant 1 : index
    %get3A_15 = arith.constant 0 : index
    %get3A_16 = arith.constant 0 : index
    %get3A_17 = vector.load %arg2[%get3A_14, %get3A_15, %get3A_16] : memref<2x10000x16xf32, #tpu.memory_space<vmem>>, vector<1x10000x1xf32>
    %get3A_18 = vector.shape_cast %get3A_17 : vector<1x10000x1xf32> to vector<10000x1xf32>
    %add3A = arith.addf %get3A_13, %get3A_18 : vector<10000x1xf32>
    %max3A = arith.constant 1.000000e+00 : f32
    %max3A_19 = vector.broadcast %max3A : f32 to vector<10000x1xf32>
    %max3A_20 = arith.maximumf %add3A, %max3A_19 : vector<10000x1xf32>
    %div3A = arith.constant 1.000000e+00 : f32
    %div3A_21 = vector.broadcast %div3A : f32 to vector<10000x1xf32>
    %div3A_22 = arith.divf %div3A_21, %max3A_20 : vector<10000x1xf32>
    %mul3A = vector.broadcast %div3A_22 : vector<10000x1xf32> to vector<10000x128xf32>
    %mul3A_23 = arith.mulf %concatenate3A, %mul3A : vector<10000x128xf32>
    %get3A_24 = arith.constant 0 : index
    %get3A_25 = arith.constant 0 : index
    %get3A_26 = vector.load %arg0[%get3A_24, %get3A_25] : memref<10000x128xf32, #tpu.memory_space<vmem>>, vector<10000x128xf32>
    %get3A_27 = arith.constant 0 : index
    %get3A_28 = arith.constant 0 : index
    %get3A_29 = vector.load %arg3[%get3A_27, %get3A_28] : memref<128x128xf32, #tpu.memory_space<vmem>>, vector<128x128xf32>
    %dot_general3A = arith.constant dense<0.000000e+00> : vector<10000x128xf32>
    %dot_general3A_30 = tpu.matmul %get3A_26, %get3A_29, %dot_general3A {dimension_numbers = #tpu.dot_dimension_numbers<[1], [0], [0], [1], [0, 0, 1, 1], [], []>, transpose_lhs_hint = false} : vector<10000x128xf32>, vector<128x128xf32>, vector<10000x128xf32> -> vector<10000x128xf32>
    %add3A_31 = arith.addf %dot_general3A_30, %mul3A_23 : vector<10000x128xf32>
    %get3A_32 = arith.constant 0 : index
    %get3A_33 = vector.load %arg4[%get3A_32] : memref<128xf32, #tpu.memory_space<vmem>>, vector<128xf32>
    %broadcast_in_dim3A = vector.shape_cast %get3A_33 : vector<128xf32> to vector<1x128xf32>
    %add3A_34 = vector.broadcast %broadcast_in_dim3A : vector<1x128xf32> to vector<10000x128xf32>
    %add3A_35 = arith.addf %add3A_31, %add3A_34 : vector<10000x128xf32>
    %max3A_36 = arith.constant 0.000000e+00 : f32
    %max3A_37 = vector.broadcast %max3A_36 : f32 to vector<10000x128xf32>
    %max3A_38 = arith.maximumf %add3A_35, %max3A_37 : vector<10000x128xf32>
    %get3A_39 = arith.constant 0 : index
    %get3A_40 = arith.constant 0 : index
    %get3A_41 = vector.load %arg5[%get3A_39, %get3A_40] : memref<128x64xf32, #tpu.memory_space<vmem>>, vector<128x64xf32>
    %dot_general3A_42 = arith.constant dense<0.000000e+00> : vector<10000x64xf32>
    %dot_general3A_43 = tpu.matmul %max3A_38, %get3A_41, %dot_general3A_42 {dimension_numbers = #tpu.dot_dimension_numbers<[1], [0], [0], [1], [0, 0, 1, 1], [], []>, transpose_lhs_hint = false} : vector<10000x128xf32>, vector<128x64xf32>, vector<10000x64xf32> -> vector<10000x64xf32>
    %get3A_44 = arith.constant 0 : index
    %get3A_45 = vector.load %arg6[%get3A_44] : memref<64xf32, #tpu.memory_space<vmem>>, vector<64xf32>
    %broadcast_in_dim3A_46 = vector.shape_cast %get3A_45 : vector<64xf32> to vector<1x64xf32>
    %add3A_47 = vector.broadcast %broadcast_in_dim3A_46 : vector<1x64xf32> to vector<10000x64xf32>
    %add3A_48 = arith.addf %dot_general3A_43, %add3A_47 : vector<10000x64xf32>
    %swap3A = arith.constant 0 : index
    %swap3A_49 = arith.constant 0 : index
    %swap3A_50 = vector.load %arg7[%swap3A, %swap3A_49] : memref<10000x64xf32, #tpu.memory_space<vmem>>, vector<10000x64xf32>
    tpu.vector_store %arg7[%swap3A, %swap3A_49], %add3A_48 {strides = array<i32>} : memref<10000x64xf32, #tpu.memory_space<vmem>>, vector<10000x64xf32>,
    return
  }
}

</mosaic_0001>

<sc_bundles>
// kernel: kernel.10.cloned.1.call-start
scs
__scs_entry_jumppad:
0x0: {  	(pc) =	sbr.rel $0x88, $3  }
0x1: {  	(tag) =	ssettag $0x0;
	lr =	simm.s32 $0x1  }
0x2: {  	[smem:$0x3F97] =	sst lr;
	_ =	strace $0xD0000000  }
0x3: {  	_ = 	snop  }
0x4: {  	_ = 	snop  }
0x5: {  	_ = 	snop  }
0x6: {  	_ = 	snop  }
0x7: {  	_ = 	snop  }
__scs_overlays_trampoline_lowered:
0x8: {  	[smem:$0x3FA6] =	sst s0  }
0x9: {  	[smem:$0x3FA7] =	sst s1  }
0xa: {  	[smem:$0x3FA8] =	sst s2  }
0xb: {  	[smem:$0x3FA9] =	sst s3  }
0xc: {  	[smem:$0x3FAA] =	sst s4  }
0xd: {  	[smem:$0x3FAB] =	sst s5  }
0xe: {  	[smem:$0x3FAC] =	sst s6  }
0xf: {  	[smem:$0x3FAD] =	sst s7  }
0x10: {  	[smem:$0x3FAE] =	sst s8  }
0x11: {  	[smem:$0x3FAF] =	sst s9;
	s0 =	simm.s32 @!p0 $0x0  }
0x12: {  	s1 =	sld [smem:$0x3F95];
	s0 =	simm.s32 @p0 $0x1  }
0x13: {  	[smem:$0x3FB0] =	sst s0;
	s0 =	simm.s32 @!p1 $0x0  }
0x14: {  	s2 =	sld [smem:$0x3F94];
	s0 =	simm.s32 @p1 $0x1  }
0x15: {  	[smem:$0x3FB1] =	sst s0;
	s0 =	simm.s32 @!p2 $0x0  }
0x16: {  	s3 =	sld [smem:$0x3FDB];
	s0 =	simm.s32 @p2 $0x1  }
0x17: {  	s4 =	simm.s32 $0x1BF5;
	[smem:$0x3FB3] =	sst s0  }
0x18: {  	s0 =	sld [smem:$0x3F96];
	_ =	swait.ge [sflag:s4], $0x0  }
0x19: {  	s7 =	sld [smem:$0x3F97]  }
0x1a: {  	s8 =	sadd.s32 $0xFFFFE003, lr  }
0x1b: {  	s9 =	sadd.s32 $0xFFFFFEF7, lr;
	s5 =	simm.s32 $0xFFFFFFFF;
	p2 =	slt.u32 s8, $0xFFFFF086  }
0x1c: {  	p1 =	slt.u32 s9, $0xF7A;
	s5 =	simm.s32 @!p2 $0x0  }
0x1d: {  	s5 =	simm.s32 @p1 $0x1;
	p0 =	seq.s32 s7, s2  }
0x1e: {  	s7 =	smul.u32 @!p0 $0xF7A, s2;
	p2 =	seq.s32 @!p0 s5, $0x0  }
0x1f: {  	s9 =	smul.u32 $0xF7A, s1;
	s8 =	simm.s32 @!p0 $0x1BF5;
	p2 =	por !p2, p0  }
0x20: {  	[sflag:s8] =	ssyncset.s32 @!p0 $0xFFFFF086;
	s6 =	sadd.s32 @!p0 s3, s7;
	s7 =	simm.s32 @!p0 $0x108  }
0x21: {  	s3 =	sadd.s32 s3, s9;
	s6 =	sadd.s32 @!p0 $0x88, s6;
	s7 =	simm.s32 @p2 $0x1082  }
0x22: {  	[simem:s7], [sflag:s8] =	dma.local @!p0 [hbm:s6], $0xF7A  }
0x23: {  	s9 =	sor.u32 $0xD0000000, s2;
	s6 =	simm.s32 $0x108;
	_ =	swait.ge @!p0 [sflag:s8], $0x0  }
0x24: {  	s3 =	sadd.s32 $0x88, s3;
	s6 =	simm.s32 @!p1 $0x1082;
	[sflag:s4] =	ssyncset.s32 $0xFFFFF086  }
0x25: {  	[simem:s6], [sflag:s4] =	dma.local [hbm:s3], $0xF7A  }
0x26: {  	[smem:$0x3F97] =	sst s1;
	(tag) =	ssettag s2;
	_ =	strace s9  }
0x27: {  	s1 =	sld [smem:$0x3FA7]  }
0x28: {  	s2 =	sld [smem:$0x3FA8]  }
0x29: {  	s4 =	sld [smem:$0x3FAA]  }
0x2a: {  	p0 =	seq.s32 s5, $0x0;
	s5 =	sld [smem:$0x3FAB]  }
0x2b: {  	s6 =	sld [smem:$0x3FAC]  }
0x2c: {  	s7 =	sld [smem:$0x3FAD]  }
0x2d: {  	s3 =	simm.s32 $0x108;
	s8 =	sld [smem:$0x3FAE]  }
0x2e: {  	s3 =	simm.s32 @!p0 $0x1082;
	s9 =	sld [smem:$0x3FAF]  }
0x2f: {  	lr =	sadd.s32 s0, s3;
	s0 =	sld [smem:$0x3FA6]  }
0x30: {  	s3 =	sld [smem:$0x3FA9]  }
0x31: {  	[smem:$0x3FB2] =	sst s10  }
0x32: {  	s10 =	sld [smem:$0x3FB0];
	_ =	sdelay $0x3  }
0x33: {  	p0 =	seq.s32 s10, $0x1;
	s10 =	sld [smem:$0x3FB2];
	_ =	sdelay $0x3  }
0x34: {  	[smem:$0x3FB2] =	sst s10  }
0x35: {  	s10 =	sld [smem:$0x3FB1];
	_ =	sdelay $0x3  }
0x36: {  	p1 =	seq.s32 s10, $0x1;
	s10 =	sld [smem:$0x3FB2];
	_ =	sdelay $0x3  }
0x37: {  	[smem:$0x3FB2] =	sst s10  }
0x38: {  	s10 =	sld [smem:$0x3FB3]  }
0x39: {  	_ = 	snop;
	(pc) =	sbr.ind lr, $3  }
0x3a: {  	_ = 	snop  }
0x3b: {  	_ = 	snop  }
0x3c: {  	p2 =	seq.s32 s10, $0x1;
	s10 =	sld [smem:$0x3FB2]  }
0x3d: {  	_ =	shalt  }
0x3e: {  	_ =	shalt  }
0x3f: {  	_ =	shalt  }
0x40: {  	_ =	shalt  }
0x41: {  	_ =	shalt  }
0x42: {  	_ =	shalt  }
0x43: {  	_ =	shalt  }
0x44: {  	_ =	shalt  }
0x45: {  	_ =	shalt  }
0x46: {  	_ =	shalt  }
0x47: {  	_ =	shalt  }
0x48: {  	_ =	shalt  }
0x49: {  	_ =	shalt  }
0x4a: {  	_ =	shalt  }
0x4b: {  	_ =	shalt  }
0x4c: {  	_ =	shalt  }
0x4d: {  	_ =	shalt  }
0x4e: {  	_ =	shalt  }
0x4f: {  	_ =	shalt  }
0x50: {  	_ =	shalt  }
0x51: {  	_ =	shalt  }
0x52: {  	_ =	shalt  }
0x53: {  	_ =	shalt  }
0x54: {  	_ =	shalt  }
0x55: {  	_ =	shalt  }
0x56: {  	_ =	shalt  }
0x57: {  	_ =	shalt  }
0x58: {  	_ =	shalt  }
0x59: {  	_ =	shalt  }
0x5a: {  	_ =	shalt  }
0x5b: {  	_ =	shalt  }
0x5c: {  	_ =	shalt  }
0x5d: {  	_ =	shalt  }
0x5e: {  	_ =	shalt  }
0x5f: {  	_ =	shalt  }
0x60: {  	_ =	shalt  }
0x61: {  	_ =	shalt  }
0x62: {  	_ =	shalt  }
0x63: {  	_ =	shalt  }
0x64: {  	_ =	shalt  }
0x65: {  	_ =	shalt  }
0x66: {  	_ =	shalt  }
0x67: {  	_ =	shalt  }
0x68: {  	_ =	shalt  }
0x69: {  	_ =	shalt  }
0x6a: {  	_ =	shalt  }
0x6b: {  	_ =	shalt  }
0x6c: {  	_ =	shalt  }
0x6d: {  	_ =	shalt  }
0x6e: {  	_ =	shalt  }
0x6f: {  	_ =	shalt  }
0x70: {  	_ =	shalt  }
0x71: {  	_ =	shalt  }
0x72: {  	_ =	shalt  }
0x73: {  	_ =	shalt  }
0x74: {  	_ =	shalt  }
0x75: {  	_ =	shalt  }
0x76: {  	_ =	shalt  }
0x77: {  	_ =	shalt  }
0x78: {  	_ =	shalt  }
0x79: {  	_ =	shalt  }
0x7a: {  	_ =	shalt  }
0x7b: {  	_ =	shalt  }
0x7c: {  	_ =	shalt  }
0x7d: {  	_ =	shalt  }
0x7e: {  	_ =	shalt  }
0x7f: {  	_ =	shalt  }
0x80: {  	_ =	shalt  }
0x81: {  	_ =	shalt  }
0x82: {  	_ =	shalt  }
0x83: {  	_ =	shalt  }
0x84: {  	_ =	shalt  }
0x85: {  	_ =	shalt  }
0x86: {  	_ =	shalt  }
0x87: {  	_ =	shalt  }
.Lfunc_end0:
.L_simem_size_0:
called_computation.1_lowered:
.L_overlay_start_0:
0x88: {  	s2 =	sld [smem:$0x3FD9]  }
0x89: {  	s3 =	sld [smem:$0x3FFE];
	_ =	sdelay $0x1  }
0x8a: {  	s1 =	srdreg.scid  }
0x8b: {  	s0 =	sand.u32 $0x1, s1  }
0x8c: {  	s17 =	sshll.u32 s0, $0xA;
	s2 =	sadd.s32 s3, s2  }
0x8d: {  	s2 =	sadd.s32 s2, s17  }
0x8e: {  	[smem:$0x3FBE] =	sst s2  }
0x8f: {  	_ = 	snop  }
0x90: {  	s2 =	sld [smem:$0x3FD0];
	(tm) =	ssettm $0x1  }
0x91: {  	s18 =	sld [smem:$0x3FFB];
	_ =	sdelay $0x3  }
0x92: {  	_ =	strace s18  }
0x93: {  	s3 =	sld [smem:$0x3FFC];
	_ =	sdelay $0x3  }
0x94: {  	_ =	strace s3  }
0x95: {  	s3 =	sld [smem:$0x3FFD];
	_ =	sdelay $0x3  }
0x96: {  	_ =	strace s3  }
0x97: {  	_ =	strace $0x8FFFFFFF  }
0x98: {  	s19 =	sld [smem:$0x3FDB];
	_ =	sdelay $0x1  }
0x99: {  	s4 =	simm.s32 $_scs_section_size  }
0x9a: {  	s5 =	simm.s32 $_size__tile_overlayer_lowered;
	s6 =	simm.s32 $_tile_overlayer_lowered  }
0x9b: {  	s22 =	simm.s32 $0x1BFF;
	s21 =	sshll.u32 s6, $0x1;
	s3 =	sadd.s32 s4, s19  }
0x9c: {  	s7 =	simm.s32 $0x0;
	s20 =	sshll.u32 s5, $0x1;
	s5 =	sadd.s32 s21, s3  }
0x9d: {  	[timem:s7], [sflag:s22] =	dma.local [hbm:s5], s20  }
0x9e: {  	_ =	swait.ge [sflag:s22], s20  }
0x9f: {  	s4 =	ssub.s32 $0x0, s20;
	[sflag:s22] =	ssyncset.done $0x0  }
0xa0: {  	[sflag:s22] =	ssyncadd.s32 s4;
	_ =	sdelay $0x1  }
0xa1: {  	s23 =	simm.s32 $0x1B8B  }
0xa2: {  	_ =	swait.ge [sflag:s23], $0x1  }
0xa3: {  	[sflag:s23] =	ssyncset.done $0x0  }
0xa4: {  	s25 =	simm.s32 $0x1B8E;
	s24 =	sld [smem:$0x3FFE];
	[sflag:s23] =	ssyncadd.s32 $0xFFFFFFFF  }
0xa5: {  	s26 =	simm.s32 $execute0_lowered;
	[smem:$0x3FD2] =	sst s25  }
0xa6: {  	s5 =	sshll.u32 s26, $0x1;
	_ =	strace $0x80000049;
	[dreg:$0x1] =	wrdreg $0xFFFFFFFF  }
0xa7: {  	s28 =	simm.s32 $_size_execute0_lowered;
	s3 =	sadd.s32 s3, s5;
	[dreg:$0x0] =	wrdreg $0x0  }
0xa8: {  	s5 =	sshll.u32 s28, $0x1;
	[dreg:$0x2] =	wrdreg s3  }
0xa9: {  	[dreg:$0x3] =	wrdreg s5  }
0xaa: {  	[dreg:$0x4] =	wrdreg $0xC0  }
0xab: {  	_ =	task [dreg:s7], $0x5FFFF  }
0xac: {  	[dreg:$0x1] =	wrdreg $0xFFFFFFFF  }
0xad: {  	[dreg:$0x0] =	wrdreg $0x60  }
0xae: {  	[dreg:$0x2] =	wrdreg s2  }
0xaf: {  	[dreg:$0x3] =	wrdreg s24  }
0xb0: {  	[dreg:$0x4] =	wrdreg $0xBC800  }
0xb1: {  	[dreg:$0x5] =	wrdreg $0x9  }
0xb2: {  	_ =	task.clear_ibuf [dreg:s7], $0x6FFFF;
	_ =	strace $0x90000049  }
0xb3: {  	s29 =	simm.s32 $0x9;
	_ =	strace $0x8000004B  }
0xb4: {  	_ =	swait.ge [sflag:s29], $0x1  }
0xb5: {  	[sflag:s29] =	ssyncadd.s32 $0xFFFFFFFF  }
0xb6: {  	_ =	strace $0x9000004B  }
0xb7: {  	_ =	sfence  }
0xb8: {  	s30 =	sld [smem:$0x0];
	_ =	sdelay $0x2  }
0xb9: {  	s31 =	sshll.u32 s1, $0xD;
	s1 =	sshrl.u32 s1, $0x2  }
0xba: {  	s3 =	sand.u32 $0x4000, s31;
	s1 =	sadd.s32 s1, s30  }
0xbb: {  	s0 =	sor.u32 s3, s0;
	s1 =	sshll.u32 s1, $0x11  }
0xbc: {  	s0 =	sor.u32 s1, s0  }
0xbd: {  	s0 =	sadd.s32 $0x8F2B, s0  }
0xbe: {  	[sflag:s0] =	ssyncadd.remote.s32 $0x1  }
0xbf: {  	_ =	sfence.sel $0xFFFF  }
0xc0: {  	[dreg:$0x0] =	wrdreg $0xFFFFFFFF;
	(pc) =	sbr.abs _section_cstart, $3  }
0xc1: {  	[dreg:$0x1] =	wrdreg $0xFFFFFFFF  }
0xc2: {  	_ =	task.clear_ibuf [dreg:s7], $0x2FFFF;
	_ =	strace $0x9FFFFFFF  }
0xc3: {  	(tm) =	ssettm $0x7FFFFFFF  }
tec
execute0_lowered:
.L_overlay_start_1:
0x0: {  	(tag) =	ssettag $0x1  }
0x1: {  	s1 =	rddreg [dreg:$0x0]  }
0x2: {  	s0 =	rddreg [dreg:$0x1]  }
0x3: {  	s2 =	rddreg [dreg:$0x2];
	s3 =	simm.s32 $0x0  }
0x4: {  	s19 =	stileid.u32;
	s6 =	srdreg.scid;
	s20 =	simm.s32 $0xA280  }
0x5: {  	s21 =	simm.s32 $0x64;
	s22 =	simm.s32 $0x158C0;
	s24 =	simm.s32 $0x171C0  }
0x6: {  	s29 =	simm.s32 $0x1A3C0;
	s30 =	simm.s32 $0x1;
	s31 =	simm.s32 $0x2  }
0x7: {  	s23 =	simm.s32 $0x0;
	[smem:$0x7FF] =	sst s3;
	s4 =	smul.u32 $0xA28, s19  }
0x8: {  	s5 =	sadd.s32 $0x16A00, s0;
	s15 =	sand.u32 $0x1, s6;
	s7 =	smul.u32 $0x27000, s19  }
0x9: {  	s16 =	smul.u32 $0x9C00, s19;
	s14 =	sadd.s32 $0x9C000, s2;
	p1 =	sne.s32 s19, $0x0  }
0xa: {  	s19 =	simm.s32 $0x4;
	_ =	strace $0x8000004A;
	s6 =	ssub.s32 $0x2, s15  }
0xb: {  	s18 =	smul.u32 $0x9C400, s15;
	p0 =	seq.s32 s15, $0x1;
	s4 =	sadd.s32 s4, s0  }
0xc: {  	s0 =	sadd.s32 $0x2A400, s0;
	s8 =	sshrl.u32 s6, $0x1;
	s9 =	sshrl.u32 s7, $0x2  }
0xd: {  	s17 =	ssub.s32 s6, s8;
	s6 =	sadd.s32 $0xC600, s4;
	s7 =	sadd.s32 $0x2200, s4  }
0xe: {  	s8 =	sadd.s32 s16, s2;
	s25 =	sadd.s32 s9, s2;
	s26 =	sadd.s32 s16, s18  }
.Ltmp0:
0xf: {  	s28 =	sshrl.u32 s18, $0x3;
	s18 =	simm.s32 $0x5;
	(pc) =	sbr.rel .LBB2_1-.Ltmp0, $4  }
0x10: {  	s9 =	sadd.s32 $0x1A00, s25;
	s10 =	sadd.s32 $0x3400, s25;
	s11 =	sadd.s32 $0x4E00, s25  }
0x11: {  	s12 =	sadd.s32 $0x6800, s25;
	s13 =	sadd.s32 $0x8200, s25;
	s4 =	sshrl.u32 s26, $0x3  }
0x12: {  	s16 =	sadd.s32 s0, s28;
	s17 =	smax.u32 s17, $0x1;
	s26 =	simm.s32 $0x18AC0  }
0x13: {  	v0 =	vimm.f32 $0.0e+00;
	s15 =	sadd.s32 s0, s4;
	s16 =	sadd.s32 $0x13800, s16;
	s0 =	simm.s32 $0x3  }
.LBB2_6:
0x14: {  	[tilespmem:s29], [sflag:$0x4] =	stream.indirect.gather [hbm4b:s1+s21], $0x40, s28, s21, $0xb8;
	[tilespmem:$0x1BCC0] =	vst v63  }
.LBB2_10:
0x15: {  	_ =	swait.ge [sflag:s30], $0x1900  }
0x16: {  	[sflag:s30] =	ssyncset.done $0x0  }
0x17: {  	s4 =	simm.s32 $0xA0E0;
	[sflag:s30] =	ssyncadd.s32 $0xFFFFE700  }
0x18: {  	[spmem:s2] =	stream.indirect.scatter.add.f32 [tilespmem:s22], [sflag:$0x5], $0x40, s4, s21, $0xb8;
	[tilespmem:$0x1BCC0] =	vst v63  }
0x19: {  	_ =	swait.ge [sflag:s18], $0x1900  }
0x1a: {  	[sflag:s18] =	ssyncset.done $0x0  }
0x1b: {  	[sflag:s18] =	ssyncadd.s32 $0xFFFFE700  }
0x1c: {  	_ =	swait.ge [sflag:s31], $0x1900  }
0x1d: {  	[sflag:s31] =	ssyncset.done $0x0  }
0x1e: {  	s25 =	simm.s32 $0xA148;
	[sflag:s31] =	ssyncadd.s32 $0xFFFFE700  }
0x1f: {  	[spmem:s2] =	stream.indirect.scatter.add.f32 [tilespmem:s24], [sflag:$0x5], $0x40, s25, s21, $0xb8;
	[tilespmem:$0x1BCC0] =	vst v63  }
0x20: {  	_ =	swait.ge [sflag:s18], $0x1900  }
0x21: {  	[sflag:s18] =	ssyncset.done $0x0  }
0x22: {  	[sflag:s18] =	ssyncadd.s32 $0xFFFFE700  }
0x23: {  	_ =	swait.ge [sflag:s0], $0x1900  }
0x24: {  	[sflag:s0] =	ssyncset.done $0x0  }
0x25: {  	s28 =	simm.s32 $0xA1B0;
	[sflag:s0] =	ssyncadd.s32 $0xFFFFE700  }
0x26: {  	[spmem:s2] =	stream.indirect.scatter.add.f32 [tilespmem:s26], [sflag:$0x5], $0x40, s28, s21, $0xb8;
	[tilespmem:$0x1BCC0] =	vst v63  }
0x27: {  	_ =	swait.ge [sflag:s18], $0x1900  }
0x28: {  	[sflag:s18] =	ssyncset.done $0x0  }
0x29: {  	[sflag:s18] =	ssyncadd.s32 $0xFFFFE700  }
0x2a: {  	_ =	swait.ge [sflag:s19], $0x1900  }
0x2b: {  	[sflag:s19] =	ssyncset.done $0x0  }
0x2c: {  	s25 =	simm.s32 $0xA218;
	[sflag:s19] =	ssyncadd.s32 $0xFFFFE700  }
0x2d: {  	[spmem:s2] =	stream.indirect.scatter.add.f32 [tilespmem:s29], [sflag:$0x5], $0x40, s25, s21, $0xb8;
	[tilespmem:$0x1BCC0] =	vst v63  }
0x2e: {  	_ =	swait.ge [sflag:s18], $0x1900  }
0x2f: {  	s28 =	stileid.u32;
	[sflag:s18] =	ssyncset.done $0x0  }
0x30: {  	s4 =	sshll.u32 s28, $0x6;
	[sflag:s18] =	ssyncadd.s32 $0xFFFFE700  }
0x31: {  	s4 =	sor.u32 $0x1C05, s4;
	s25 =	sshrl.u32 s8, $0x3;
	[bflag:$0x0] =	sbarrier.arrive $0xFFFF  }
0x32: {  	[hbm:s15], [sflag:s4] =	dma.local [spmem:s25], $0x1380  }
0x33: {  	_ =	swait.ge [sflag:s18], $0x1380  }
0x34: {  	s23 =	sadd.s32 $0x1, s23;
	[sflag:s18] =	ssyncset.done $0x0  }
0x35: {  	p2 =	sne.s32 s23, s17;
	s25 =	sshrl.u32 @!p1 s14, $0x3;
	[sflag:s18] =	ssyncadd.s32 $0xFFFFEC80  }
0x36: {  	[hbm:s16], [sflag:s4] =	dma.local @!p1 [spmem:s25], $0x80  }
.Ltmp1:
0x37: {  	_ = 	snop;
	(pc) =	sbr.rel @!p2 .LBB2_11-.Ltmp1, $4  }
0x38: {  	s4 =	simm.s32 @!p1 $0x5  }
0x39: {  	_ =	swait.ge @!p1 [sflag:s4], $0x80  }
0x3a: {  	[sflag:s4] =	ssyncset.done @!p1 $0x0  }
0x3b: {  	[sflag:s4] =	ssyncadd.s32 @!p1 $0xFFFFFF80  }
.LBB2_1:
0x3c: {  	[tilespmem:s3], [sflag:$0x5] =	stream.linear.gather [hbm4b:s6+s3], $0x5140, $0x38;
	[tilespmem:$0x1BCC0] =	vst v63  }
0x3d: {  	_ =	swait.ge [sflag:s18], $0x5140  }
0x3e: {  	[sflag:s18] =	ssyncset.done $0x0  }
0x3f: {  	s4 =	simm.s32 $0x5140;
	[sflag:s18] =	ssyncadd.s32 $0xFFFFAEC0  }
0x40: {  	[tilespmem:s4], [sflag:$0x5] =	stream.linear.gather [hbm4b:s7+s3], $0x5140, $0x38;
	[tilespmem:$0x1BCC0] =	vst v63  }
0x41: {  	_ =	swait.ge [sflag:s18], $0x5140  }
0x42: {  	[sflag:s18] =	ssyncset.done $0x0  }
0x43: {  	s28 =	simm.s32 $0x100;
	s25 =	simm.s32 $0x0;
	[sflag:s18] =	ssyncadd.s32 $0xFFFFAEC0  }
.LBB2_2:
0x44: {  	p2 =	sne.s32 s28, $0x6700;
	[tilespmem:s25+$0xA2B0] =	vst v0;
	s4 =	smov.u32 s28;
	s28 =	sadd.s32 $0x100, s28  }
.Ltmp2:
0x45: {  	[tilespmem:s25+$0xA2A0] =	vst v0;
	(pc) =	sbr.rel @p2 .LBB2_2-.Ltmp2, $3  }
0x46: {  	[tilespmem:s25+$0xA280] =	vst v0  }
0x47: {  	[tilespmem:s25+$0xA290] =	vst v0;
	_ =	sdelay $0x1  }
0x48: {  	s25 =	sshra.s32 s4, $0x2  }
0x49: {  	[tilespmem:s25+$0xA2B0] =	vst v0  }
0x4a: {  	[tilespmem:s25+$0xA2A0] =	vst v0  }
0x4b: {  	[tilespmem:s25+$0xA280] =	vst v0  }
0x4c: {  	[tilespmem:s25+$0xA290] =	vst v0  }
0x4d: {  	[spmem:s8] =	stream.linear.scatter [tilespmem:s20], [sflag:$0x5], $0x1A00, $0x38;
	[tilespmem:$0x1BCC0] =	vst v63  }
0x4e: {  	_ =	swait.ge [sflag:s18], $0x1A00  }
0x4f: {  	[sflag:s18] =	ssyncset.done $0x0  }
0x50: {  	[sflag:s18] =	ssyncadd.s32 $0xFFFFE600  }
0x51: {  	[spmem:s9] =	stream.linear.scatter [tilespmem:s20], [sflag:$0x5], $0x1A00, $0x38;
	[tilespmem:$0x1BCC0] =	vst v63  }
0x52: {  	_ =	swait.ge [sflag:s18], $0x1A00  }
0x53: {  	[sflag:s18] =	ssyncset.done $0x0  }
0x54: {  	[sflag:s18] =	ssyncadd.s32 $0xFFFFE600  }
0x55: {  	[spmem:s10] =	stream.linear.scatter [tilespmem:s20], [sflag:$0x5], $0x1A00, $0x38;
	[tilespmem:$0x1BCC0] =	vst v63  }
0x56: {  	_ =	swait.ge [sflag:s18], $0x1A00  }
0x57: {  	[sflag:s18] =	ssyncset.done $0x0  }
0x58: {  	[sflag:s18] =	ssyncadd.s32 $0xFFFFE600  }
0x59: {  	[spmem:s11] =	stream.linear.scatter [tilespmem:s20], [sflag:$0x5], $0x1A00, $0x38;
	[tilespmem:$0x1BCC0] =	vst v63  }
0x5a: {  	_ =	swait.ge [sflag:s18], $0x1A00  }
0x5b: {  	[sflag:s18] =	ssyncset.done $0x0  }
0x5c: {  	[sflag:s18] =	ssyncadd.s32 $0xFFFFE600  }
0x5d: {  	[spmem:s12] =	stream.linear.scatter [tilespmem:s20], [sflag:$0x5], $0x1A00, $0x38;
	[tilespmem:$0x1BCC0] =	vst v63  }
0x5e: {  	_ =	swait.ge [sflag:s18], $0x1A00  }
0x5f: {  	[sflag:s18] =	ssyncset.done $0x0  }
0x60: {  	[sflag:s18] =	ssyncadd.s32 $0xFFFFE600  }
0x61: {  	[spmem:s13] =	stream.linear.scatter [tilespmem:s20], [sflag:$0x5], $0x1A00, $0x38;
	[tilespmem:$0x1BCC0] =	vst v63  }
0x62: {  	_ =	swait.ge [sflag:s18], $0x1A00  }
0x63: {  	[sflag:s18] =	ssyncset.done $0x0  }
0x64: {  	s4 =	simm.s32 @!p1 $0xA280;
	[sflag:s18] =	ssyncadd.s32 $0xFFFFE600  }
0x65: {  	[spmem:s14] =	stream.linear.scatter @!p1 [tilespmem:s4], [sflag:$0x5], $0x400, $0x38;
	[tilespmem:$0x1BCC0] =	vst v63  }
0x66: {  	s4 =	simm.s32 @!p1 $0x5  }
.Ltmp3:
0x67: {  	_ =	swait.ge @!p1 [sflag:s4], $0x400;
	(pc) =	sbr.rel @!p0 .LBB2_4-.Ltmp3, $4  }
0x68: {  	[sflag:s4] =	ssyncset.done @!p1 $0x0  }
0x69: {  	[sflag:s4] =	ssyncadd.s32 @!p1 $0xFFFFFC00  }
0x6a: {  	[bflag:$0x0] =	sbarrier.arrive $0xFFFF  }
0x6b: {  	s4 =	simm.s32 $0x0  }
0x6c: {  	[tilespmem:s22], [sflag:$0x1] =	stream.indirect.gather [hbm4b:s5+s21], $0x40, s4, s21, $0xb8;
	[tilespmem:$0x1BCC0] =	vst v63  }
0x6d: {  	s25 =	simm.s32 $0x68  }
0x6e: {  	[tilespmem:s24], [sflag:$0x2] =	stream.indirect.gather [hbm4b:s5+s21], $0x40, s25, s21, $0xb8;
	[tilespmem:$0x1BCC0] =	vst v63  }
0x6f: {  	s25 =	simm.s32 $0xD0  }
0x70: {  	[tilespmem:s26], [sflag:$0x3] =	stream.indirect.gather [hbm4b:s5+s21], $0x40, s25, s21, $0xb8;
	[tilespmem:$0x1BCC0] =	vst v63  }
0x71: {  	s25 =	simm.s32 $0x138  }
0x72: {  	[tilespmem:s29], [sflag:$0x4] =	stream.indirect.gather [hbm4b:s5+s21], $0x40, s25, s21, $0xb8;
	[tilespmem:$0x1BCC0] =	vst v63  }
0x73: {  	_ =	swait.ge [sflag:s30], $0x1900  }
0x74: {  	[sflag:s30] =	ssyncset.done $0x0  }
0x75: {  	s25 =	simm.s32 $0x5140;
	[sflag:s30] =	ssyncadd.s32 $0xFFFFE700  }
0x76: {  	[spmem:s2] =	stream.indirect.scatter.add.f32 [tilespmem:s22], [sflag:$0x5], $0x40, s25, s21, $0xb8;
	[tilespmem:$0x1BCC0] =	vst v63  }
0x77: {  	_ =	swait.ge [sflag:s18], $0x1900  }
0x78: {  	[sflag:s18] =	ssyncset.done $0x0  }
0x79: {  	s25 =	simm.s32 $0x1A0;
	[sflag:s18] =	ssyncadd.s32 $0xFFFFE700  }
0x7a: {  	[tilespmem:s22], [sflag:$0x1] =	stream.indirect.gather [hbm4b:s5+s21], $0x40, s25, s21, $0xb8;
	[tilespmem:$0x1BCC0] =	vst v63  }
0x7b: {  	_ =	swait.ge [sflag:s31], $0x1900  }
0x7c: {  	[sflag:s31] =	ssyncset.done $0x0  }
0x7d: {  	s25 =	simm.s32 $0x51A8;
	[sflag:s31] =	ssyncadd.s32 $0xFFFFE700  }
0x7e: {  	[spmem:s2] =	stream.indirect.scatter.add.f32 [tilespmem:s24], [sflag:$0x5], $0x40, s25, s21, $0xb8;
	[tilespmem:$0x1BCC0] =	vst v63  }
0x7f: {  	_ =	swait.ge [sflag:s18], $0x1900  }
0x80: {  	[sflag:s18] =	ssyncset.done $0x0  }
0x81: {  	s25 =	simm.s32 $0x208;
	[sflag:s18] =	ssyncadd.s32 $0xFFFFE700  }
0x82: {  	[tilespmem:s24], [sflag:$0x2] =	stream.indirect.gather [hbm4b:s5+s21], $0x40, s25, s21, $0xb8;
	[tilespmem:$0x1BCC0] =	vst v63  }
0x83: {  	_ =	swait.ge [sflag:s0], $0x1900  }
0x84: {  	[sflag:s0] =	ssyncset.done $0x0  }
0x85: {  	s25 =	simm.s32 $0x5210;
	[sflag:s0] =	ssyncadd.s32 $0xFFFFE700  }
0x86: {  	[spmem:s2] =	stream.indirect.scatter.add.f32 [tilespmem:s26], [sflag:$0x5], $0x40, s25, s21, $0xb8;
	[tilespmem:$0x1BCC0] =	vst v63  }
0x87: {  	_ =	swait.ge [sflag:s18], $0x1900  }
0x88: {  	[sflag:s18] =	ssyncset.done $0x0  }
0x89: {  	s25 =	simm.s32 $0x270;
	[sflag:s18] =	ssyncadd.s32 $0xFFFFE700  }
0x8a: {  	[tilespmem:s26], [sflag:$0x3] =	stream.indirect.gather [hbm4b:s5+s21], $0x40, s25, s21, $0xb8;
	[tilespmem:$0x1BCC0] =	vst v63  }
0x8b: {  	_ =	swait.ge [sflag:s19], $0x1900  }
0x8c: {  	[sflag:s19] =	ssyncset.done $0x0  }
0x8d: {  	s25 =	simm.s32 $0x5278;
	[sflag:s19] =	ssyncadd.s32 $0xFFFFE700  }
0x8e: {  	[spmem:s2] =	stream.indirect.scatter.add.f32 [tilespmem:s29], [sflag:$0x5], $0x40, s25, s21, $0xb8;
	[tilespmem:$0x1BCC0] =	vst v63  }
0x8f: {  	_ =	swait.ge [sflag:s18], $0x1900  }
0x90: {  	[sflag:s18] =	ssyncset.done $0x0  }
0x91: {  	s28 =	simm.s32 $0x2D8;
	s25 =	simm.s32 $0x680;
	[sflag:s18] =	ssyncadd.s32 $0xFFFFE700  }
.LBB2_8:
0x92: {  	[tilespmem:s29], [sflag:$0x4] =	stream.indirect.gather [hbm4b:s5+s21], $0x40, s28, s21, $0xb8;
	[tilespmem:$0x1BCC0] =	vst v63  }
0x93: {  	s4 =	smov.u32 s25  }
0x94: {  	p2 =	sne.s32 s25, $0x13800;
	s25 =	sadd.s32 $0x680, s25;
	_ =	swait.ge [sflag:s30], $0x1900  }
0x95: {  	s28 =	sshra.s32 s4, $0x2;
	[sflag:s30] =	ssyncset.done $0x0  }
0x96: {  	s4 =	sadd.s32 $0x5140, s28;
	[sflag:s30] =	ssyncadd.s32 $0xFFFFE700  }
0x97: {  	[spmem:s2] =	stream.indirect.scatter.add.f32 [tilespmem:s22], [sflag:$0x5], $0x40, s4, s21, $0xb8;
	[tilespmem:$0x1BCC0] =	vst v63  }
0x98: {  	_ =	swait.ge [sflag:s18], $0x1900  }
0x99: {  	[sflag:s18] =	ssyncset.done $0x0  }
0x9a: {  	s4 =	sadd.s32 $0x1A0, s28;
	[sflag:s18] =	ssyncadd.s32 $0xFFFFE700  }
0x9b: {  	[tilespmem:s22], [sflag:$0x1] =	stream.indirect.gather [hbm4b:s5+s21], $0x40, s4, s21, $0xb8;
	[tilespmem:$0x1BCC0] =	vst v63  }
0x9c: {  	_ =	swait.ge [sflag:s31], $0x1900  }
0x9d: {  	[sflag:s31] =	ssyncset.done $0x0  }
0x9e: {  	s4 =	sadd.s32 $0x51A8, s28;
	[sflag:s31] =	ssyncadd.s32 $0xFFFFE700  }
0x9f: {  	[spmem:s2] =	stream.indirect.scatter.add.f32 [tilespmem:s24], [sflag:$0x5], $0x40, s4, s21, $0xb8;
	[tilespmem:$0x1BCC0] =	vst v63  }
0xa0: {  	_ =	swait.ge [sflag:s18], $0x1900  }
0xa1: {  	[sflag:s18] =	ssyncset.done $0x0  }
0xa2: {  	s4 =	sadd.s32 $0x208, s28;
	[sflag:s18] =	ssyncadd.s32 $0xFFFFE700  }
0xa3: {  	[tilespmem:s24], [sflag:$0x2] =	stream.indirect.gather [hbm4b:s5+s21], $0x40, s4, s21, $0xb8;
	[tilespmem:$0x1BCC0] =	vst v63  }
0xa4: {  	_ =	swait.ge [sflag:s0], $0x1900  }
0xa5: {  	[sflag:s0] =	ssyncset.done $0x0  }
0xa6: {  	s4 =	sadd.s32 $0x5210, s28;
	[sflag:s0] =	ssyncadd.s32 $0xFFFFE700  }
0xa7: {  	[spmem:s2] =	stream.indirect.scatter.add.f32 [tilespmem:s26], [sflag:$0x5], $0x40, s4, s21, $0xb8;
	[tilespmem:$0x1BCC0] =	vst v63  }
0xa8: {  	_ =	swait.ge [sflag:s18], $0x1900  }
0xa9: {  	[sflag:s18] =	ssyncset.done $0x0  }
0xaa: {  	s4 =	sadd.s32 $0x270, s28;
	[sflag:s18] =	ssyncadd.s32 $0xFFFFE700  }
0xab: {  	[tilespmem:s26], [sflag:$0x3] =	stream.indirect.gather [hbm4b:s5+s21], $0x40, s4, s21, $0xb8;
	[tilespmem:$0x1BCC0] =	vst v63  }
0xac: {  	_ =	swait.ge [sflag:s19], $0x1900  }
0xad: {  	[sflag:s19] =	ssyncset.done $0x0  }
.Ltmp4:
0xae: {  	s4 =	sadd.s32 $0x5278, s28;
	[sflag:s19] =	ssyncadd.s32 $0xFFFFE700;
	(pc) =	sbr.rel @p2 .LBB2_8-.Ltmp4, $4  }
0xaf: {  	[spmem:s2] =	stream.indirect.scatter.add.f32 [tilespmem:s29], [sflag:$0x5], $0x40, s4, s21, $0xb8;
	[tilespmem:$0x1BCC0] =	vst v63  }
0xb0: {  	_ =	swait.ge [sflag:s18], $0x1900  }
0xb1: {  	[sflag:s18] =	ssyncset.done $0x0  }
0xb2: {  	s28 =	sadd.s32 $0x2D8, s28;
	[sflag:s18] =	ssyncadd.s32 $0xFFFFE700  }
.Ltmp5:
0xb3: {  	(pc) =	sbr.rel .LBB2_10-.Ltmp5, $2  }
0xb4: {  	_ =	sdelay $0x2  }
0xb5: {  	[tilespmem:s29], [sflag:$0x4] =	stream.indirect.gather [hbm4b:s5+s21], $0x40, s28, s21, $0xb8;
	[tilespmem:$0x1BCC0] =	vst v63  }
.LBB2_4:
0xb6: {  	[tilespmem:s22], [sflag:$0x1] =	stream.indirect.gather [hbm4b:s1+s21], $0x40, s4, s21, $0xb8;
	[tilespmem:$0x1BCC0] =	vst v63  }
0xb7: {  	s25 =	simm.s32 $0x68  }
0xb8: {  	[tilespmem:s24], [sflag:$0x2] =	stream.indirect.gather [hbm4b:s1+s21], $0x40, s25, s21, $0xb8;
	[tilespmem:$0x1BCC0] =	vst v63  }
0xb9: {  	s25 =	simm.s32 $0xD0  }
0xba: {  	[tilespmem:s26], [sflag:$0x3] =	stream.indirect.gather [hbm4b:s1+s21], $0x40, s25, s21, $0xb8;
	[tilespmem:$0x1BCC0] =	vst v63  }
0xbb: {  	s25 =	simm.s32 $0x138  }
0xbc: {  	[tilespmem:s29], [sflag:$0x4] =	stream.indirect.gather [hbm4b:s1+s21], $0x40, s25, s21, $0xb8;
	[tilespmem:$0x1BCC0] =	vst v63  }
0xbd: {  	_ =	swait.ge [sflag:s30], $0x1900  }
0xbe: {  	[sflag:s30] =	ssyncset.done $0x0  }
0xbf: {  	s25 =	simm.s32 $0x5140;
	[sflag:s30] =	ssyncadd.s32 $0xFFFFE700  }
0xc0: {  	[spmem:s2] =	stream.indirect.scatter.add.f32 [tilespmem:s22], [sflag:$0x5], $0x40, s25, s21, $0xb8;
	[tilespmem:$0x1BCC0] =	vst v63  }
0xc1: {  	_ =	swait.ge [sflag:s18], $0x1900  }
0xc2: {  	[sflag:s18] =	ssyncset.done $0x0  }
0xc3: {  	s25 =	simm.s32 $0x1A0;
	[sflag:s18] =	ssyncadd.s32 $0xFFFFE700  }
0xc4: {  	[tilespmem:s22], [sflag:$0x1] =	stream.indirect.gather [hbm4b:s1+s21], $0x40, s25, s21, $0xb8;
	[tilespmem:$0x1BCC0] =	vst v63  }
0xc5: {  	_ =	swait.ge [sflag:s31], $0x1900  }
0xc6: {  	[sflag:s31] =	ssyncset.done $0x0  }
0xc7: {  	s25 =	simm.s32 $0x51A8;
	[sflag:s31] =	ssyncadd.s32 $0xFFFFE700  }
0xc8: {  	[spmem:s2] =	stream.indirect.scatter.add.f32 [tilespmem:s24], [sflag:$0x5], $0x40, s25, s21, $0xb8;
	[tilespmem:$0x1BCC0] =	vst v63  }
0xc9: {  	_ =	swait.ge [sflag:s18], $0x1900  }
0xca: {  	[sflag:s18] =	ssyncset.done $0x0  }
0xcb: {  	s25 =	simm.s32 $0x208;
	[sflag:s18] =	ssyncadd.s32 $0xFFFFE700  }
0xcc: {  	[tilespmem:s24], [sflag:$0x2] =	stream.indirect.gather [hbm4b:s1+s21], $0x40, s25, s21, $0xb8;
	[tilespmem:$0x1BCC0] =	vst v63  }
0xcd: {  	_ =	swait.ge [sflag:s0], $0x1900  }
0xce: {  	[sflag:s0] =	ssyncset.done $0x0  }
0xcf: {  	s25 =	simm.s32 $0x5210;
	[sflag:s0] =	ssyncadd.s32 $0xFFFFE700  }
0xd0: {  	[spmem:s2] =	stream.indirect.scatter.add.f32 [tilespmem:s26], [sflag:$0x5], $0x40, s25, s21, $0xb8;
	[tilespmem:$0x1BCC0] =	vst v63  }
0xd1: {  	_ =	swait.ge [sflag:s18], $0x1900  }
0xd2: {  	[sflag:s18] =	ssyncset.done $0x0  }
0xd3: {  	s25 =	simm.s32 $0x270;
	[sflag:s18] =	ssyncadd.s32 $0xFFFFE700  }
0xd4: {  	[tilespmem:s26], [sflag:$0x3] =	stream.indirect.gather [hbm4b:s1+s21], $0x40, s25, s21, $0xb8;
	[tilespmem:$0x1BCC0] =	vst v63  }
0xd5: {  	_ =	swait.ge [sflag:s19], $0x1900  }
0xd6: {  	[sflag:s19] =	ssyncset.done $0x0  }
0xd7: {  	s25 =	simm.s32 $0x5278;
	[sflag:s19] =	ssyncadd.s32 $0xFFFFE700  }
0xd8: {  	[spmem:s2] =	stream.indirect.scatter.add.f32 [tilespmem:s29], [sflag:$0x5], $0x40, s25, s21, $0xb8;
	[tilespmem:$0x1BCC0] =	vst v63  }
0xd9: {  	_ =	swait.ge [sflag:s18], $0x1900  }
0xda: {  	[sflag:s18] =	ssyncset.done $0x0  }
0xdb: {  	s28 =	simm.s32 $0x2D8;
	s25 =	simm.s32 $0x680;
	[sflag:s18] =	ssyncadd.s32 $0xFFFFE700  }
.LBB2_5:
0xdc: {  	[tilespmem:s29], [sflag:$0x4] =	stream.indirect.gather [hbm4b:s1+s21], $0x40, s28, s21, $0xb8;
	[tilespmem:$0x1BCC0] =	vst v63  }
0xdd: {  	s4 =	smov.u32 s25  }
0xde: {  	p2 =	seq.s32 s25, $0x13800;
	s25 =	sadd.s32 $0x680, s25;
	_ =	swait.ge [sflag:s30], $0x1900  }
0xdf: {  	s28 =	sshra.s32 s4, $0x2;
	[sflag:s30] =	ssyncset.done $0x0  }
0xe0: {  	s4 =	sadd.s32 $0x5140, s28;
	[sflag:s30] =	ssyncadd.s32 $0xFFFFE700  }
0xe1: {  	[spmem:s2] =	stream.indirect.scatter.add.f32 [tilespmem:s22], [sflag:$0x5], $0x40, s4, s21, $0xb8;
	[tilespmem:$0x1BCC0] =	vst v63  }
0xe2: {  	_ =	swait.ge [sflag:s18], $0x1900  }
0xe3: {  	[sflag:s18] =	ssyncset.done $0x0  }
0xe4: {  	s4 =	sadd.s32 $0x1A0, s28;
	[sflag:s18] =	ssyncadd.s32 $0xFFFFE700  }
0xe5: {  	[tilespmem:s22], [sflag:$0x1] =	stream.indirect.gather [hbm4b:s1+s21], $0x40, s4, s21, $0xb8;
	[tilespmem:$0x1BCC0] =	vst v63  }
0xe6: {  	_ =	swait.ge [sflag:s31], $0x1900  }
0xe7: {  	[sflag:s31] =	ssyncset.done $0x0  }
0xe8: {  	s4 =	sadd.s32 $0x51A8, s28;
	[sflag:s31] =	ssyncadd.s32 $0xFFFFE700  }
0xe9: {  	[spmem:s2] =	stream.indirect.scatter.add.f32 [tilespmem:s24], [sflag:$0x5], $0x40, s4, s21, $0xb8;
	[tilespmem:$0x1BCC0] =	vst v63  }
0xea: {  	_ =	swait.ge [sflag:s18], $0x1900  }
0xeb: {  	[sflag:s18] =	ssyncset.done $0x0  }
0xec: {  	s4 =	sadd.s32 $0x208, s28;
	[sflag:s18] =	ssyncadd.s32 $0xFFFFE700  }
0xed: {  	[tilespmem:s24], [sflag:$0x2] =	stream.indirect.gather [hbm4b:s1+s21], $0x40, s4, s21, $0xb8;
	[tilespmem:$0x1BCC0] =	vst v63  }
0xee: {  	_ =	swait.ge [sflag:s0], $0x1900  }
0xef: {  	[sflag:s0] =	ssyncset.done $0x0  }
0xf0: {  	s4 =	sadd.s32 $0x5210, s28;
	[sflag:s0] =	ssyncadd.s32 $0xFFFFE700  }
0xf1: {  	[spmem:s2] =	stream.indirect.scatter.add.f32 [tilespmem:s26], [sflag:$0x5], $0x40, s4, s21, $0xb8;
	[tilespmem:$0x1BCC0] =	vst v63  }
0xf2: {  	_ =	swait.ge [sflag:s18], $0x1900  }
0xf3: {  	[sflag:s18] =	ssyncset.done $0x0  }
0xf4: {  	s4 =	sadd.s32 $0x270, s28;
	[sflag:s18] =	ssyncadd.s32 $0xFFFFE700  }
0xf5: {  	[tilespmem:s26], [sflag:$0x3] =	stream.indirect.gather [hbm4b:s1+s21], $0x40, s4, s21, $0xb8;
	[tilespmem:$0x1BCC0] =	vst v63  }
0xf6: {  	_ =	swait.ge [sflag:s19], $0x1900  }
0xf7: {  	[sflag:s19] =	ssyncset.done $0x0  }
.Ltmp6:
0xf8: {  	s4 =	sadd.s32 $0x5278, s28;
	[sflag:s19] =	ssyncadd.s32 $0xFFFFE700;
	(pc) =	sbr.rel @!p2 .LBB2_5-.Ltmp6, $4  }
0xf9: {  	[spmem:s2] =	stream.indirect.scatter.add.f32 [tilespmem:s29], [sflag:$0x5], $0x40, s4, s21, $0xb8;
	[tilespmem:$0x1BCC0] =	vst v63  }
0xfa: {  	_ =	swait.ge [sflag:s18], $0x1900  }
0xfb: {  	[sflag:s18] =	ssyncset.done $0x0  }
0xfc: {  	s28 =	sadd.s32 $0x2D8, s28;
	[sflag:s18] =	ssyncadd.s32 $0xFFFFE700  }
.Ltmp7:
0xfd: {  	_ = 	snop;
	(pc) =	sbr.rel .LBB2_6-.Ltmp7, $1  }
0xfe: {  	_ =	sdelay $0x3  }
.LBB2_11:
0xff: {  	_ =	sfence.sel $0x180000  }
0x100: {  	[bflag:$0x0] =	sbarrier.arrive $0xFFFF  }
0x101: {  	_ =	strace $0x9000004A  }
0x102: {  	[bflag:$0x2] =	sbarrier.arrive $0xFFFF  }
0x103: {  	s0 =	rddreg [dreg:$0x3]  }
0x104: {  	s0 =	sadd.s32 @!p1 $0x100000, s0  }
0x105: {  	[sflag:s0] =	ssyncadd.tile.s32 @!p1 $0x1;
	_ =	shalt  }
.Lfunc_end2:
_tile_overlayer_lowered:
.L_overlay_start_2:
0x106: {  	(tag) =	ssettag $0x2  }
0x107: {  	s0 =	rddreg [dreg:$0x0];
	s2 =	stileid.u32  }
0x108: {  	s1 =	rddreg [dreg:$0x1];
	p0 =	sne.s32 s2, $0x0  }
0x109: {  	s3 =	rddreg [dreg:$0x2];
	[bflag:$0x3] =	sbarrier.arrive $0xFFFF;
	s2 =	simm.s32 @!p0 $0x1C05  }
0x10a: {  	[timem:s3], [sflag:s2] =	dma.local @!p0 [hbm:s0], s1  }
0x10b: {  	s0 =	simm.s32 @!p0 $0x5  }
0x10c: {  	_ =	swait.ge @!p0 [sflag:s0], s1  }
0x10d: {  	s1 =	ssub.s32 @!p0 $0x0, s1;
	[sflag:s0] =	ssyncset.done @!p0 $0x0  }
0x10e: {  	[sflag:s0] =	ssyncadd.s32 @!p0 s1  }
0x10f: {  	[bflag:$0x3] =	sbarrier.arrive $0xFFFF  }
0x110: {  	_ =	shalt  }

// kernel: kernel.7.cloned.1.call-start
scs
__scs_entry_jumppad:
0x0: {  	(pc) =	sbr.rel $0x88, $3  }
0x1: {  	(tag) =	ssettag $0x0;
	lr =	simm.s32 $0x1  }
0x2: {  	[smem:$0x3F97] =	sst lr;
	_ =	strace $0xD0000000  }
0x3: {  	_ = 	snop  }
0x4: {  	_ = 	snop  }
0x5: {  	_ = 	snop  }
0x6: {  	_ = 	snop  }
0x7: {  	_ = 	snop  }
__scs_overlays_trampoline_lowered:
0x8: {  	[smem:$0x3FA6] =	sst s0  }
0x9: {  	[smem:$0x3FA7] =	sst s1  }
0xa: {  	[smem:$0x3FA8] =	sst s2  }
0xb: {  	[smem:$0x3FA9] =	sst s3  }
0xc: {  	[smem:$0x3FAA] =	sst s4  }
0xd: {  	[smem:$0x3FAB] =	sst s5  }
0xe: {  	[smem:$0x3FAC] =	sst s6  }
0xf: {  	[smem:$0x3FAD] =	sst s7  }
0x10: {  	[smem:$0x3FAE] =	sst s8  }
0x11: {  	[smem:$0x3FAF] =	sst s9;
	s0 =	simm.s32 @!p0 $0x0  }
0x12: {  	s1 =	sld [smem:$0x3F95];
	s0 =	simm.s32 @p0 $0x1  }
0x13: {  	[smem:$0x3FB0] =	sst s0;
	s0 =	simm.s32 @!p1 $0x0  }
0x14: {  	s2 =	sld [smem:$0x3F94];
	s0 =	simm.s32 @p1 $0x1  }
0x15: {  	[smem:$0x3FB1] =	sst s0;
	s0 =	simm.s32 @!p2 $0x0  }
0x16: {  	s3 =	sld [smem:$0x3FDB];
	s0 =	simm.s32 @p2 $0x1  }
0x17: {  	s4 =	simm.s32 $0x1BF5;
	[smem:$0x3FB3] =	sst s0  }
0x18: {  	s0 =	sld [smem:$0x3F96];
	_ =	swait.ge [sflag:s4], $0x0  }
0x19: {  	s7 =	sld [smem:$0x3F97]  }
0x1a: {  	s8 =	sadd.s32 $0xFFFFE003, lr  }
0x1b: {  	s9 =	sadd.s32 $0xFFFFFEF7, lr;
	s5 =	simm.s32 $0xFFFFFFFF;
	p2 =	slt.u32 s8, $0xFFFFF086  }
0x1c: {  	p1 =	slt.u32 s9, $0xF7A;
	s5 =	simm.s32 @!p2 $0x0  }
0x1d: {  	s5 =	simm.s32 @p1 $0x1;
	p0 =	seq.s32 s7, s2  }
0x1e: {  	s7 =	smul.u32 @!p0 $0xF7A, s2;
	p2 =	seq.s32 @!p0 s5, $0x0  }
0x1f: {  	s9 =	smul.u32 $0xF7A, s1;
	s8 =	simm.s32 @!p0 $0x1BF5;
	p2 =	por !p2, p0  }
0x20: {  	[sflag:s8] =	ssyncset.s32 @!p0 $0xFFFFF086;
	s6 =	sadd.s32 @!p0 s3, s7;
	s7 =	simm.s32 @!p0 $0x108  }
0x21: {  	s3 =	sadd.s32 s3, s9;
	s6 =	sadd.s32 @!p0 $0x88, s6;
	s7 =	simm.s32 @p2 $0x1082  }
0x22: {  	[simem:s7], [sflag:s8] =	dma.local @!p0 [hbm:s6], $0xF7A  }
0x23: {  	s9 =	sor.u32 $0xD0000000, s2;
	s6 =	simm.s32 $0x108;
	_ =	swait.ge @!p0 [sflag:s8], $0x0  }
0x24: {  	s3 =	sadd.s32 $0x88, s3;
	s6 =	simm.s32 @!p1 $0x1082;
	[sflag:s4] =	ssyncset.s32 $0xFFFFF086  }
0x25: {  	[simem:s6], [sflag:s4] =	dma.local [hbm:s3], $0xF7A  }
0x26: {  	[smem:$0x3F97] =	sst s1;
	(tag) =	ssettag s2;
	_ =	strace s9  }
0x27: {  	s1 =	sld [smem:$0x3FA7]  }
0x28: {  	s2 =	sld [smem:$0x3FA8]  }
0x29: {  	s4 =	sld [smem:$0x3FAA]  }
0x2a: {  	p0 =	seq.s32 s5, $0x0;
	s5 =	sld [smem:$0x3FAB]  }
0x2b: {  	s6 =	sld [smem:$0x3FAC]  }
0x2c: {  	s7 =	sld [smem:$0x3FAD]  }
0x2d: {  	s3 =	simm.s32 $0x108;
	s8 =	sld [smem:$0x3FAE]  }
0x2e: {  	s3 =	simm.s32 @!p0 $0x1082;
	s9 =	sld [smem:$0x3FAF]  }
0x2f: {  	lr =	sadd.s32 s0, s3;
	s0 =	sld [smem:$0x3FA6]  }
0x30: {  	s3 =	sld [smem:$0x3FA9]  }
0x31: {  	[smem:$0x3FB2] =	sst s10  }
0x32: {  	s10 =	sld [smem:$0x3FB0];
	_ =	sdelay $0x3  }
0x33: {  	p0 =	seq.s32 s10, $0x1;
	s10 =	sld [smem:$0x3FB2];
	_ =	sdelay $0x3  }
0x34: {  	[smem:$0x3FB2] =	sst s10  }
0x35: {  	s10 =	sld [smem:$0x3FB1];
	_ =	sdelay $0x3  }
0x36: {  	p1 =	seq.s32 s10, $0x1;
	s10 =	sld [smem:$0x3FB2];
	_ =	sdelay $0x3  }
0x37: {  	[smem:$0x3FB2] =	sst s10  }
0x38: {  	s10 =	sld [smem:$0x3FB3]  }
0x39: {  	_ = 	snop;
	(pc) =	sbr.ind lr, $3  }
0x3a: {  	_ = 	snop  }
0x3b: {  	_ = 	snop  }
0x3c: {  	p2 =	seq.s32 s10, $0x1;
	s10 =	sld [smem:$0x3FB2]  }
0x3d: {  	_ =	shalt  }
0x3e: {  	_ =	shalt  }
0x3f: {  	_ =	shalt  }
0x40: {  	_ =	shalt  }
0x41: {  	_ =	shalt  }
0x42: {  	_ =	shalt  }
0x43: {  	_ =	shalt  }
0x44: {  	_ =	shalt  }
0x45: {  	_ =	shalt  }
0x46: {  	_ =	shalt  }
0x47: {  	_ =	shalt  }
0x48: {  	_ =	shalt  }
0x49: {  	_ =	shalt  }
0x4a: {  	_ =	shalt  }
0x4b: {  	_ =	shalt  }
0x4c: {  	_ =	shalt  }
0x4d: {  	_ =	shalt  }
0x4e: {  	_ =	shalt  }
0x4f: {  	_ =	shalt  }
0x50: {  	_ =	shalt  }
0x51: {  	_ =	shalt  }
0x52: {  	_ =	shalt  }
0x53: {  	_ =	shalt  }
0x54: {  	_ =	shalt  }
0x55: {  	_ =	shalt  }
0x56: {  	_ =	shalt  }
0x57: {  	_ =	shalt  }
0x58: {  	_ =	shalt  }
0x59: {  	_ =	shalt  }
0x5a: {  	_ =	shalt  }
0x5b: {  	_ =	shalt  }
0x5c: {  	_ =	shalt  }
0x5d: {  	_ =	shalt  }
0x5e: {  	_ =	shalt  }
0x5f: {  	_ =	shalt  }
0x60: {  	_ =	shalt  }
0x61: {  	_ =	shalt  }
0x62: {  	_ =	shalt  }
0x63: {  	_ =	shalt  }
0x64: {  	_ =	shalt  }
0x65: {  	_ =	shalt  }
0x66: {  	_ =	shalt  }
0x67: {  	_ =	shalt  }
0x68: {  	_ =	shalt  }
0x69: {  	_ =	shalt  }
0x6a: {  	_ =	shalt  }
0x6b: {  	_ =	shalt  }
0x6c: {  	_ =	shalt  }
0x6d: {  	_ =	shalt  }
0x6e: {  	_ =	shalt  }
0x6f: {  	_ =	shalt  }
0x70: {  	_ =	shalt  }
0x71: {  	_ =	shalt  }
0x72: {  	_ =	shalt  }
0x73: {  	_ =	shalt  }
0x74: {  	_ =	shalt  }
0x75: {  	_ =	shalt  }
0x76: {  	_ =	shalt  }
0x77: {  	_ =	shalt  }
0x78: {  	_ =	shalt  }
0x79: {  	_ =	shalt  }
0x7a: {  	_ =	shalt  }
0x7b: {  	_ =	shalt  }
0x7c: {  	_ =	shalt  }
0x7d: {  	_ =	shalt  }
0x7e: {  	_ =	shalt  }
0x7f: {  	_ =	shalt  }
0x80: {  	_ =	shalt  }
0x81: {  	_ =	shalt  }
0x82: {  	_ =	shalt  }
0x83: {  	_ =	shalt  }
0x84: {  	_ =	shalt  }
0x85: {  	_ =	shalt  }
0x86: {  	_ =	shalt  }
0x87: {  	_ =	shalt  }
.Lfunc_end0:
.L_simem_size_0:
called_computation_lowered:
.L_overlay_start_0:
0x88: {  	s2 =	sld [smem:$0x3FD9]  }
0x89: {  	s3 =	sld [smem:$0x3FFE];
	_ =	sdelay $0x1  }
0x8a: {  	s1 =	srdreg.scid  }
0x8b: {  	s0 =	sand.u32 $0x1, s1  }
0x8c: {  	s17 =	sshll.u32 s0, $0xA;
	s2 =	sadd.s32 s3, s2  }
0x8d: {  	s2 =	sadd.s32 s2, s17  }
0x8e: {  	[smem:$0x3FBE] =	sst s2  }
0x8f: {  	_ = 	snop  }
0x90: {  	s2 =	sld [smem:$0x3FD0];
	(tm) =	ssettm $0x1  }
0x91: {  	s18 =	sld [smem:$0x3FFB];
	_ =	sdelay $0x3  }
0x92: {  	_ =	strace s18  }
0x93: {  	s3 =	sld [smem:$0x3FFC];
	_ =	sdelay $0x3  }
0x94: {  	_ =	strace s3  }
0x95: {  	s3 =	sld [smem:$0x3FFD];
	_ =	sdelay $0x3  }
0x96: {  	_ =	strace s3  }
0x97: {  	_ =	strace $0x8FFFFFFF  }
0x98: {  	s19 =	sld [smem:$0x3FDB];
	_ =	sdelay $0x1  }
0x99: {  	s4 =	simm.s32 $_scs_section_size  }
0x9a: {  	s5 =	simm.s32 $_size__tile_overlayer_lowered;
	s6 =	simm.s32 $_tile_overlayer_lowered  }
0x9b: {  	s22 =	simm.s32 $0x1BFF;
	s21 =	sshll.u32 s6, $0x1;
	s3 =	sadd.s32 s4, s19  }
0x9c: {  	s7 =	simm.s32 $0x0;
	s20 =	sshll.u32 s5, $0x1;
	s5 =	sadd.s32 s21, s3  }
0x9d: {  	[timem:s7], [sflag:s22] =	dma.local [hbm:s5], s20  }
0x9e: {  	_ =	swait.ge [sflag:s22], s20  }
0x9f: {  	s4 =	ssub.s32 $0x0, s20;
	[sflag:s22] =	ssyncset.done $0x0  }
0xa0: {  	[sflag:s22] =	ssyncadd.s32 s4;
	_ =	sdelay $0x1  }
0xa1: {  	s23 =	simm.s32 $0x1B8B  }
0xa2: {  	_ =	swait.ge [sflag:s23], $0x1  }
0xa3: {  	[sflag:s23] =	ssyncset.done $0x0  }
0xa4: {  	s25 =	simm.s32 $0x1B8E;
	s24 =	sld [smem:$0x3FFE];
	[sflag:s23] =	ssyncadd.s32 $0xFFFFFFFF  }
0xa5: {  	s26 =	simm.s32 $execute0_lowered;
	[smem:$0x3FD2] =	sst s25  }
0xa6: {  	s5 =	sshll.u32 s26, $0x1;
	_ =	strace $0x80000046;
	[dreg:$0x1] =	wrdreg $0xFFFFFFFF  }
0xa7: {  	s28 =	simm.s32 $_size_execute0_lowered;
	s3 =	sadd.s32 s3, s5;
	[dreg:$0x0] =	wrdreg $0x0  }
0xa8: {  	s5 =	sshll.u32 s28, $0x1;
	[dreg:$0x2] =	wrdreg s3  }
0xa9: {  	[dreg:$0x3] =	wrdreg s5  }
0xaa: {  	[dreg:$0x4] =	wrdreg $0xC0  }
0xab: {  	_ =	task [dreg:s7], $0x5FFFF  }
0xac: {  	[dreg:$0x1] =	wrdreg $0xFFFFFFFF  }
0xad: {  	[dreg:$0x0] =	wrdreg $0x60  }
0xae: {  	[dreg:$0x2] =	wrdreg s2  }
0xaf: {  	[dreg:$0x3] =	wrdreg s24  }
0xb0: {  	[dreg:$0x4] =	wrdreg $0xBC800  }
0xb1: {  	[dreg:$0x5] =	wrdreg $0x1C9800  }
0xb2: {  	[dreg:$0x6] =	wrdreg $0x9  }
0xb3: {  	_ =	task.clear_ibuf [dreg:s7], $0x7FFFF;
	_ =	strace $0x90000046  }
0xb4: {  	s29 =	simm.s32 $0x9;
	_ =	strace $0x80000048  }
0xb5: {  	_ =	swait.ge [sflag:s29], $0x1  }
0xb6: {  	[sflag:s29] =	ssyncadd.s32 $0xFFFFFFFF  }
0xb7: {  	_ =	strace $0x90000048  }
0xb8: {  	_ =	sfence  }
0xb9: {  	s30 =	sld [smem:$0x0];
	_ =	sdelay $0x2  }
0xba: {  	s31 =	sshll.u32 s1, $0xD;
	s1 =	sshrl.u32 s1, $0x2  }
0xbb: {  	s3 =	sand.u32 $0x4000, s31;
	s1 =	sadd.s32 s1, s30  }
0xbc: {  	s0 =	sor.u32 s3, s0;
	s1 =	sshll.u32 s1, $0x11  }
0xbd: {  	s0 =	sor.u32 s1, s0  }
0xbe: {  	s0 =	sadd.s32 $0x8F2B, s0  }
0xbf: {  	[sflag:s0] =	ssyncadd.remote.s32 $0x1  }
0xc0: {  	_ =	sfence.sel $0xFFFF  }
0xc1: {  	[dreg:$0x0] =	wrdreg $0xFFFFFFFF;
	(pc) =	sbr.abs _section_cstart, $3  }
0xc2: {  	[dreg:$0x1] =	wrdreg $0xFFFFFFFF  }
0xc3: {  	_ =	task.clear_ibuf [dreg:s7], $0x2FFFF;
	_ =	strace $0x9FFFFFFF  }
0xc4: {  	(tm) =	ssettm $0x7FFFFFFF  }
0xc5: {  	_ =	shalt  }
tec
execute0_lowered:
.L_overlay_start_1:
0x0: {  	(tag) =	ssettag $0x1  }
0x1: {  	s1 =	rddreg [dreg:$0x0]  }
0x2: {  	s0 =	rddreg [dreg:$0x1]  }
0x3: {  	s2 =	rddreg [dreg:$0x2]  }
0x4: {  	s3 =	rddreg [dreg:$0x3];
	s29 =	simm.s32 $0x0;
	s9 =	stileid.u32  }
0x5: {  	s4 =	srdreg.scid;
	s30 =	simm.s32 $0x5;
	s31 =	simm.s32 $0x1C300  }
0x6: {  	[smem:$0x7FF] =	sst s29;
	s5 =	smul.u32 $0xA28, s9;
	s4 =	sand.u32 $0x1, s4  }
0x7: {  	s6 =	sadd.s32 $0x16A00, s0;
	s10 =	smul.u32 $0x270, s9;
	s11 =	sadd.s32 $0x34200, s0  }
0x8: {  	s18 =	smul.u32 $0x9C00, s9;
	p1 =	sne.s32 s9, $0x0;
	s28 =	sadd.s32 $0x9C000, s2  }
0x9: {  	_ =	strace $0x80000047;
	s7 =	ssub.s32 $0x2, s4;
	s14 =	smul.u32 $0x9C400, s4  }
0xa: {  	p0 =	seq.s32 s4, $0x1;
	s4 =	smul.u32 $0x27100, s4;
	s5 =	sadd.s32 s5, s0  }
0xb: {  	s8 =	sshrl.u32 s7, $0x1;
	s0 =	sadd.s32 $0x2A400, s0;
	s12 =	sadd.s32 $0x68, s10  }
0xc: {  	s13 =	sadd.s32 $0xD0, s10;
	s26 =	sadd.s32 s18, s2;
	s21 =	sadd.s32 $0x138, s10  }
0xd: {  	s16 =	sadd.s32 $0x1A0, s10;
	s10 =	sadd.s32 $0x208, s10;
	s7 =	ssub.s32 s7, s8  }
0xe: {  	s17 =	sadd.s32 $0xC600, s5;
	s5 =	sadd.s32 $0x2200, s5;
	s19 =	sshll.u32 s12, $0x6  }
0xf: {  	s20 =	sshll.u32 s13, $0x6;
	s15 =	sshll.u32 s21, $0x6;
	s8 =	sadd.s32 s18, s14  }
0x10: {  	s18 =	sshll.u32 s16, $0x6;
	s14 =	sshrl.u32 s14, $0x3;
	[dreg:$0x5] =	wrdreg s17  }
0x11: {  	s23 =	sshll.u32 s10, $0x6;
	[dreg:$0x6] =	wrdreg s5;
	s5 =	sadd.s32 s19, s2  }
0x12: {  	s17 =	smul.u32 $0x2700, s9;
	s8 =	sshrl.u32 s8, $0x3;
	s24 =	sadd.s32 s15, s2  }
0x13: {  	s25 =	sadd.s32 s18, s2;
	s15 =	sshll.u32 s13, $0x4;
	s19 =	sshll.u32 s21, $0x4  }
0x14: {  	s21 =	sshll.u32 s10, $0x4;
	s10 =	simm.s32 $0x1A3C0;
	[dreg:$0x7] =	wrdreg s5  }
0x15: {  	s13 =	simm.s32 $0x3;
	s5 =	sadd.s32 s20, s2;
	[dreg:$0xc] =	wrdreg s24  }
0x16: {  	s8 =	sadd.s32 s11, s8;
	[dreg:$0xd] =	wrdreg s25;
	s20 =	sshll.u32 s16, $0x4  }
0x17: {  	s24 =	smax.u32 s7, $0x1;
	s7 =	simm.s32 $0x171C0;
	[dreg:$0x8] =	wrdreg s5  }
0x18: {  	[dreg:$0x9] =	wrdreg s8;
	s8 =	sadd.s32 s11, s14;
	s22 =	sadd.s32 s17, s4  }
0x19: {  	s18 =	sadd.s32 s17, s3;
	s17 =	sadd.s32 s15, s3;
	[dreg:$0x15] =	wrdreg s24  }
0x1a: {  	s11 =	sshrl.u32 s22, $0x3;
	[dreg:$0x10] =	wrdreg s17;
	s22 =	sadd.s32 s21, s3  }
0x1b: {  	s4 =	sshrl.u32 s4, $0x3;
	s11 =	sadd.s32 s0, s11;
	[dreg:$0x13] =	wrdreg s22  }
0x1c: {  	s14 =	sshll.u32 s12, $0x4;
	s22 =	sadd.s32 $0x27000, s3;
	[dreg:$0xa] =	wrdreg s11  }
0x1d: {  	s11 =	sadd.s32 s0, s4;
	s0 =	sadd.s32 s23, s2;
	[dreg:$0x16] =	wrdreg s22  }
0x1e: {  	s5 =	simm.s32 $0x64;
	s23 =	sadd.s32 $0x13800, s8;
	[dreg:$0xe] =	wrdreg s0  }
0x1f: {  	s12 =	simm.s32 $0x2;
	s15 =	simm.s32 $0x4;
	[dreg:$0x14] =	wrdreg s23  }
.Ltmp0:
0x20: {  	s0 =	sadd.s32 s14, s3;
	[dreg:$0xb] =	wrdreg s11;
	(pc) =	sbr.rel .LBB2_1-.Ltmp0, $4  }
0x21: {  	s17 =	simm.s32 $0x0;
	s25 =	sadd.s32 $0x4E00, s11;
	[dreg:$0xf] =	wrdreg s0  }
0x22: {  	s4 =	simm.s32 $0x158C0;
	s0 =	sadd.s32 s19, s3;
	[dreg:$0x17] =	wrdreg s25  }
0x23: {  	s8 =	simm.s32 $0x18AC0;
	[dreg:$0x11] =	wrdreg s0;
	s0 =	sadd.s32 s20, s3  }
0x24: {  	v0 =	vimm.f32 $0.0e+00;
	v1 =	vimm.f32 $1.000000000e+00;
	s11 =	simm.s32 $0x1;
	[dreg:$0x12] =	wrdreg s0;
	s0 =	simm.s32 $0xA280  }
.LBB2_10:
0x25: {  	[sflag:s20] =	ssyncadd.s32 @!p2 $0xFFFFF9C0  }
0x26: {  	[tilespmem:s10], [sflag:$0x4] =	stream.indirect.gather [hbm4b:s1+s5], $0x40, s22, s5, $0xb8;
	[tilespmem:$0x1F090] =	vst v63  }
0x27: {  	_ =	swait.ge [sflag:s11], $0x1900  }
0x28: {  	[sflag:s11] =	ssyncset.done $0x0  }
0x29: {  	s9 =	simm.s32 $0xA0E0;
	[sflag:s11] =	ssyncadd.s32 $0xFFFFE700  }
0x2a: {  	[spmem:s2] =	stream.indirect.scatter.add.f32 [tilespmem:s4], [sflag:$0x5], $0x40, s9, s5, $0xb8;
	[tilespmem:$0x1F090] =	vst v63  }
0x2b: {  	_ =	swait.ge [sflag:s30], $0x1900  }
0x2c: {  	[sflag:s30] =	ssyncset.done $0x0  }
0x2d: {  	[sflag:s30] =	ssyncadd.s32 $0xFFFFE700  }
0x2e: {  	_ =	swait.ge [sflag:s12], $0x1900  }
0x2f: {  	[sflag:s12] =	ssyncset.done $0x0  }
0x30: {  	s23 =	simm.s32 $0xA148;
	[sflag:s12] =	ssyncadd.s32 $0xFFFFE700  }
0x31: {  	[spmem:s2] =	stream.indirect.scatter.add.f32 [tilespmem:s7], [sflag:$0x5], $0x40, s23, s5, $0xb8;
	[tilespmem:$0x1F090] =	vst v63  }
0x32: {  	_ =	swait.ge [sflag:s30], $0x1900  }
0x33: {  	[sflag:s30] =	ssyncset.done $0x0  }
0x34: {  	[sflag:s30] =	ssyncadd.s32 $0xFFFFE700  }
0x35: {  	_ =	swait.ge [sflag:s13], $0x1900  }
0x36: {  	[sflag:s13] =	ssyncset.done $0x0  }
0x37: {  	s24 =	simm.s32 $0xA1B0;
	[sflag:s13] =	ssyncadd.s32 $0xFFFFE700  }
0x38: {  	[spmem:s2] =	stream.indirect.scatter.add.f32 [tilespmem:s8], [sflag:$0x5], $0x40, s24, s5, $0xb8;
	[tilespmem:$0x1F090] =	vst v63  }
0x39: {  	_ =	swait.ge [sflag:s30], $0x1900  }
0x3a: {  	[sflag:s30] =	ssyncset.done $0x0  }
0x3b: {  	[sflag:s30] =	ssyncadd.s32 $0xFFFFE700  }
0x3c: {  	_ =	swait.ge [sflag:s15], $0x1900  }
0x3d: {  	[sflag:s15] =	ssyncset.done $0x0  }
0x3e: {  	s25 =	simm.s32 $0xA218;
	[sflag:s15] =	ssyncadd.s32 $0xFFFFE700  }
0x3f: {  	[spmem:s2] =	stream.indirect.scatter.add.f32 [tilespmem:s10], [sflag:$0x5], $0x40, s25, s5, $0xb8;
	[tilespmem:$0x1F090] =	vst v63  }
0x40: {  	_ =	swait.ge [sflag:s30], $0x1900  }
0x41: {  	[sflag:s30] =	ssyncset.done $0x0  }
0x42: {  	s22 =	rddreg [dreg:$0x16];
	[sflag:s30] =	ssyncadd.s32 $0xFFFFE700  }
.LBB2_14:
0x43: {  	s9 =	stileid.u32  }
0x44: {  	[bflag:$0x0] =	sbarrier.arrive $0xFFFF;
	s9 =	sshll.u32 s9, $0x6  }
0x45: {  	s14 =	sshrl.u32 s26, $0x3;
	s16 =	rddreg [dreg:$0x9];
	s9 =	sor.u32 $0x1C05, s9  }
0x46: {  	[hbm:s16], [sflag:s9] =	dma.local [spmem:s14], $0x1380  }
0x47: {  	_ =	swait.ge [sflag:s30], $0x1380  }
0x48: {  	[sflag:s30] =	ssyncset.done $0x0  }
0x49: {  	s14 =	sshrl.u32 @p1 s18, $0x3;
	s16 =	rddreg [dreg:$0xa];
	[sflag:s30] =	ssyncadd.s32 $0xFFFFEC80  }
0x4a: {  	[hbm:s16], [sflag:s9] =	dma.local @p1 [spmem:s14], $0x4E0  }
0x4b: {  	s14 =	simm.s32 @p1 $0x5  }
0x4c: {  	_ =	swait.ge @p1 [sflag:s14], $0x4E0  }
0x4d: {  	[sflag:s14] =	ssyncset.done @p1 $0x0  }
0x4e: {  	s16 =	rddreg [dreg:$0x14];
	[sflag:s14] =	ssyncadd.s32 @p1 $0xFFFFFB20;
	s14 =	sshrl.u32 @!p1 s28, $0x3  }
0x4f: {  	[hbm:s16], [sflag:s9] =	dma.local @!p1 [spmem:s14], $0x80  }
0x50: {  	s14 =	simm.s32 @!p1 $0x5  }
0x51: {  	_ =	swait.ge @!p1 [sflag:s14], $0x80  }
0x52: {  	[sflag:s14] =	ssyncset.done @!p1 $0x0  }
0x53: {  	s16 =	sshrl.u32 @!p1 s18, $0x3;
	s19 =	rddreg [dreg:$0xb];
	[sflag:s14] =	ssyncadd.s32 @!p1 $0xFFFFFF80  }
0x54: {  	[hbm:s19], [sflag:s9] =	dma.local @!p1 [spmem:s16], $0x4E0  }
0x55: {  	_ =	swait.ge @!p1 [sflag:s14], $0x4E0  }
0x56: {  	[sflag:s14] =	ssyncset.done @!p1 $0x0  }
0x57: {  	s16 =	sshrl.u32 @!p1 s22, $0x3;
	s19 =	rddreg [dreg:$0x17];
	[sflag:s14] =	ssyncadd.s32 @!p1 $0xFFFFFB20  }
0x58: {  	[hbm:s19], [sflag:s9] =	dma.local @!p1 [spmem:s16], $0x20  }
0x59: {  	_ =	swait.ge @!p1 [sflag:s14], $0x20  }
0x5a: {  	s17 =	sadd.s32 $0x1, s17;
	s25 =	rddreg [dreg:$0x15]  }
0x5b: {  	p2 =	sne.s32 s17, s25  }
.Ltmp1:
0x5c: {  	_ = 	snop;
	(pc) =	sbr.rel @!p2 .LBB2_15-.Ltmp1, $3  }
0x5d: {  	_ =	sdelay $0x1  }
0x5e: {  	[sflag:s14] =	ssyncset.done @!p1 $0x0  }
0x5f: {  	[sflag:s14] =	ssyncadd.s32 @!p1 $0xFFFFFFE0  }
.LBB2_1:
0x60: {  	s9 =	rddreg [dreg:$0x5]  }
0x61: {  	[tilespmem:s29], [sflag:$0x5] =	stream.linear.gather [hbm4b:s9+s29], $0x5140, $0x38;
	[tilespmem:$0x1F090] =	vst v63  }
0x62: {  	_ =	swait.ge [sflag:s30], $0x5140  }
0x63: {  	[sflag:s30] =	ssyncset.done $0x0  }
0x64: {  	s14 =	simm.s32 $0x5140;
	s25 =	rddreg [dreg:$0x6];
	[sflag:s30] =	ssyncadd.s32 $0xFFFFAEC0  }
0x65: {  	[tilespmem:s14], [sflag:$0x5] =	stream.linear.gather [hbm4b:s25+s29], $0x5140, $0x38;
	[tilespmem:$0x1F090] =	vst v63  }
0x66: {  	_ =	swait.ge [sflag:s30], $0x5140  }
0x67: {  	[sflag:s30] =	ssyncset.done $0x0  }
0x68: {  	s20 =	simm.s32 $0x100;
	s19 =	simm.s32 $0x0;
	[sflag:s30] =	ssyncadd.s32 $0xFFFFAEC0  }
.LBB2_2:
0x69: {  	p2 =	sne.s32 s20, $0x6700;
	[tilespmem:s19+$0xA2B0] =	vst v0;
	s21 =	smov.u32 s20;
	s20 =	sadd.s32 $0x100, s20  }
.Ltmp2:
0x6a: {  	[tilespmem:s19+$0xA2A0] =	vst v0;
	(pc) =	sbr.rel @p2 .LBB2_2-.Ltmp2, $3  }
0x6b: {  	[tilespmem:s19+$0xA280] =	vst v0  }
0x6c: {  	[tilespmem:s19+$0xA290] =	vst v0;
	_ =	sdelay $0x1  }
0x6d: {  	s19 =	sshra.s32 s21, $0x2  }
0x6e: {  	[tilespmem:s19+$0xA2B0] =	vst v0  }
0x6f: {  	[tilespmem:s19+$0xA2A0] =	vst v0  }
0x70: {  	[tilespmem:s19+$0xA280] =	vst v0  }
0x71: {  	[tilespmem:s19+$0xA290] =	vst v0  }
0x72: {  	[spmem:s26] =	stream.linear.scatter [tilespmem:s0], [sflag:$0x5], $0x1A00, $0x38;
	[tilespmem:$0x1F090] =	vst v63  }
0x73: {  	_ =	swait.ge [sflag:s30], $0x1A00  }
0x74: {  	[sflag:s30] =	ssyncset.done $0x0  }
0x75: {  	s9 =	rddreg [dreg:$0x7];
	[sflag:s30] =	ssyncadd.s32 $0xFFFFE600  }
0x76: {  	[spmem:s9] =	stream.linear.scatter [tilespmem:s0], [sflag:$0x5], $0x1A00, $0x38;
	[tilespmem:$0x1F090] =	vst v63  }
0x77: {  	_ =	swait.ge [sflag:s30], $0x1A00  }
0x78: {  	[sflag:s30] =	ssyncset.done $0x0  }
0x79: {  	s21 =	rddreg [dreg:$0x8];
	[sflag:s30] =	ssyncadd.s32 $0xFFFFE600  }
0x7a: {  	[spmem:s21] =	stream.linear.scatter [tilespmem:s0], [sflag:$0x5], $0x1A00, $0x38;
	[tilespmem:$0x1F090] =	vst v63  }
0x7b: {  	_ =	swait.ge [sflag:s30], $0x1A00  }
0x7c: {  	[sflag:s30] =	ssyncset.done $0x0  }
0x7d: {  	s23 =	rddreg [dreg:$0xc];
	[sflag:s30] =	ssyncadd.s32 $0xFFFFE600  }
0x7e: {  	[spmem:s23] =	stream.linear.scatter [tilespmem:s0], [sflag:$0x5], $0x1A00, $0x38;
	[tilespmem:$0x1F090] =	vst v63  }
0x7f: {  	_ =	swait.ge [sflag:s30], $0x1A00  }
0x80: {  	[sflag:s30] =	ssyncset.done $0x0  }
0x81: {  	s24 =	rddreg [dreg:$0xd];
	[sflag:s30] =	ssyncadd.s32 $0xFFFFE600  }
0x82: {  	[spmem:s24] =	stream.linear.scatter [tilespmem:s0], [sflag:$0x5], $0x1A00, $0x38;
	[tilespmem:$0x1F090] =	vst v63  }
0x83: {  	_ =	swait.ge [sflag:s30], $0x1A00  }
0x84: {  	[sflag:s30] =	ssyncset.done $0x0  }
0x85: {  	s25 =	rddreg [dreg:$0xe];
	[sflag:s30] =	ssyncadd.s32 $0xFFFFE600  }
0x86: {  	[spmem:s25] =	stream.linear.scatter [tilespmem:s0], [sflag:$0x5], $0x1A00, $0x38;
	[tilespmem:$0x1F090] =	vst v63  }
0x87: {  	_ =	swait.ge [sflag:s30], $0x1A00  }
0x88: {  	[sflag:s30] =	ssyncset.done $0x0  }
0x89: {  	s19 =	simm.s32 @!p1 $0xA280;
	[sflag:s30] =	ssyncadd.s32 $0xFFFFE600  }
0x8a: {  	[spmem:s28] =	stream.linear.scatter @!p1 [tilespmem:s19], [sflag:$0x5], $0x400, $0x38;
	[tilespmem:$0x1F090] =	vst v63  }
0x8b: {  	s19 =	simm.s32 @!p1 $0x5  }
0x8c: {  	_ =	swait.ge @!p1 [sflag:s19], $0x400  }
0x8d: {  	[sflag:s19] =	ssyncset.done @!p1 $0x0  }
0x8e: {  	s20 =	simm.s32 $0x0;
	[sflag:s19] =	ssyncadd.s32 @!p1 $0xFFFFFC00;
	s19 =	simm.s32 $0x40  }
.LBB2_4:
0x8f: {  	p2 =	sne.s32 s19, $0x19C0;
	[tilespmem:s20+$0x1C300] =	vst v0;
	s20 =	smov.u32 s19;
	s19 =	sadd.s32 $0x40, s19  }
.Ltmp3:
0x90: {  	(pc) =	sbr.rel @p2 .LBB2_4-.Ltmp3, $2  }
0x91: {  	_ =	sdelay $0x2  }
0x92: {  	s20 =	sshra.s32 s20, $0x2  }
0x93: {  	[tilespmem:s20+$0x1C300] =	vst v0  }
0x94: {  	[spmem:s18] =	stream.linear.scatter [tilespmem:s31], [sflag:$0x5], $0x680, $0x38;
	[tilespmem:$0x1F090] =	vst v63  }
0x95: {  	_ =	swait.ge [sflag:s30], $0x680  }
0x96: {  	[sflag:s30] =	ssyncset.done $0x0  }
0x97: {  	s9 =	rddreg [dreg:$0xf];
	[sflag:s30] =	ssyncadd.s32 $0xFFFFF980  }
0x98: {  	[spmem:s9] =	stream.linear.scatter [tilespmem:s31], [sflag:$0x5], $0x680, $0x38;
	[tilespmem:$0x1F090] =	vst v63  }
0x99: {  	_ =	swait.ge [sflag:s30], $0x680  }
0x9a: {  	[sflag:s30] =	ssyncset.done $0x0  }
0x9b: {  	s21 =	rddreg [dreg:$0x10];
	[sflag:s30] =	ssyncadd.s32 $0xFFFFF980  }
0x9c: {  	[spmem:s21] =	stream.linear.scatter [tilespmem:s31], [sflag:$0x5], $0x680, $0x38;
	[tilespmem:$0x1F090] =	vst v63  }
0x9d: {  	_ =	swait.ge [sflag:s30], $0x680  }
0x9e: {  	[sflag:s30] =	ssyncset.done $0x0  }
0x9f: {  	s23 =	rddreg [dreg:$0x11];
	[sflag:s30] =	ssyncadd.s32 $0xFFFFF980  }
0xa0: {  	[spmem:s23] =	stream.linear.scatter [tilespmem:s31], [sflag:$0x5], $0x680, $0x38;
	[tilespmem:$0x1F090] =	vst v63  }
0xa1: {  	_ =	swait.ge [sflag:s30], $0x680  }
0xa2: {  	[sflag:s30] =	ssyncset.done $0x0  }
0xa3: {  	s24 =	rddreg [dreg:$0x12];
	[sflag:s30] =	ssyncadd.s32 $0xFFFFF980  }
0xa4: {  	[spmem:s24] =	stream.linear.scatter [tilespmem:s31], [sflag:$0x5], $0x680, $0x38;
	[tilespmem:$0x1F090] =	vst v63  }
0xa5: {  	_ =	swait.ge [sflag:s30], $0x680  }
0xa6: {  	[sflag:s30] =	ssyncset.done $0x0  }
0xa7: {  	s25 =	rddreg [dreg:$0x13];
	[sflag:s30] =	ssyncadd.s32 $0xFFFFF980  }
0xa8: {  	[spmem:s25] =	stream.linear.scatter [tilespmem:s31], [sflag:$0x5], $0x680, $0x38;
	[tilespmem:$0x1F090] =	vst v63  }
0xa9: {  	_ =	swait.ge [sflag:s30], $0x680  }
0xaa: {  	[sflag:s30] =	ssyncset.done $0x0  }
0xab: {  	s19 =	simm.s32 @!p1 $0x1C300;
	[sflag:s30] =	ssyncadd.s32 $0xFFFFF980  }
0xac: {  	[spmem:s22] =	stream.linear.scatter @!p1 [tilespmem:s19], [sflag:$0x5], $0x100, $0x38;
	[tilespmem:$0x1F090] =	vst v63  }
0xad: {  	s19 =	simm.s32 @!p1 $0x5  }
0xae: {  	_ =	swait.ge @!p1 [sflag:s19], $0x100  }
0xaf: {  	[sflag:s19] =	ssyncset.done @!p1 $0x0  }
0xb0: {  	s20 =	simm.s32 $0x0;
	[sflag:s19] =	ssyncadd.s32 @!p1 $0xFFFFFF00;
	s19 =	simm.s32 $0x40  }
.LBB2_6:
0xb1: {  	p2 =	sne.s32 s19, $0x18C0;
	[tilespmem:s20+$0x1BCC0] =	vst v1;
	s20 =	smov.u32 s19;
	s19 =	sadd.s32 $0x40, s19  }
.Ltmp4:
0xb2: {  	(pc) =	sbr.rel @p2 .LBB2_6-.Ltmp4, $2  }
0xb3: {  	_ =	sdelay $0x2  }
0xb4: {  	s20 =	sshra.s32 s20, $0x2  }
.Ltmp5:
0xb5: {  	(pc) =	sbr.rel @!p0 .LBB2_8-.Ltmp5, $4  }
0xb6: {  	_ = 	snop  }
0xb7: {  	[tilespmem:s20+$0x1BCC0] =	vst v1  }
0xb8: {  	[bflag:$0x0] =	sbarrier.arrive $0xFFFF  }
0xb9: {  	s19 =	simm.s32 $0x0  }
0xba: {  	[tilespmem:s4], [sflag:$0x1] =	stream.indirect.gather [hbm4b:s6+s5], $0x40, s19, s5, $0xb8;
	[tilespmem:$0x1F090] =	vst v63  }
0xbb: {  	s9 =	simm.s32 $0x68  }
0xbc: {  	[tilespmem:s7], [sflag:$0x2] =	stream.indirect.gather [hbm4b:s6+s5], $0x40, s9, s5, $0xb8;
	[tilespmem:$0x1F090] =	vst v63  }
0xbd: {  	s22 =	simm.s32 $0xD0  }
0xbe: {  	[tilespmem:s8], [sflag:$0x3] =	stream.indirect.gather [hbm4b:s6+s5], $0x40, s22, s5, $0xb8;
	[tilespmem:$0x1F090] =	vst v63  }
0xbf: {  	s23 =	simm.s32 $0x138  }
0xc0: {  	[tilespmem:s10], [sflag:$0x4] =	stream.indirect.gather [hbm4b:s6+s5], $0x40, s23, s5, $0xb8;
	[tilespmem:$0x1F090] =	vst v63  }
0xc1: {  	_ =	swait.ge [sflag:s11], $0x1900  }
0xc2: {  	[sflag:s11] =	ssyncset.done $0x0  }
0xc3: {  	s21 =	simm.s32 $0x5140;
	[sflag:s11] =	ssyncadd.s32 $0xFFFFE700  }
0xc4: {  	[spmem:s2] =	stream.indirect.scatter.add.f32 [tilespmem:s4], [sflag:$0x5], $0x40, s21, s5, $0xb8;
	[tilespmem:$0x1F090] =	vst v63  }
0xc5: {  	p2 =	por $0x1, $0x1;
	_ =	swait.ge [sflag:s30], $0x1900  }
0xc6: {  	s20 =	simm.s32 @!p2 $0x5;
	[sflag:s30] =	ssyncset.done $0x0  }
0xc7: {  	s22 =	simm.s32 @!p2 $0x64;
	s23 =	simm.s32 @!p2 $0x1BCC0;
	[sflag:s30] =	ssyncadd.s32 $0xFFFFE700  }
0xc8: {  	[spmem:s3] =	stream.indirect.scatter.add.f32 @!p2 [tilespmem:s23], [sflag:$0x5], $0x10, s21, s22, $0xb8;
	[tilespmem:$0x1F090] =	vst v63  }
0xc9: {  	_ =	swait.ge @!p2 [sflag:s20], $0x640  }
0xca: {  	[sflag:s20] =	ssyncset.done @!p2 $0x0  }
0xcb: {  	s24 =	simm.s32 $0x1A0;
	[sflag:s20] =	ssyncadd.s32 @!p2 $0xFFFFF9C0  }
0xcc: {  	[tilespmem:s4], [sflag:$0x1] =	stream.indirect.gather [hbm4b:s6+s5], $0x40, s24, s5, $0xb8;
	[tilespmem:$0x1F090] =	vst v63  }
0xcd: {  	_ =	swait.ge [sflag:s12], $0x1900  }
0xce: {  	[sflag:s12] =	ssyncset.done $0x0  }
0xcf: {  	s21 =	simm.s32 $0x51A8;
	[sflag:s12] =	ssyncadd.s32 $0xFFFFE700  }
0xd0: {  	[spmem:s2] =	stream.indirect.scatter.add.f32 [tilespmem:s7], [sflag:$0x5], $0x40, s21, s5, $0xb8;
	[tilespmem:$0x1F090] =	vst v63  }
0xd1: {  	p3 =	por $0x1, $0x1;
	_ =	swait.ge [sflag:s30], $0x1900  }
0xd2: {  	s25 =	simm.s32 @!p3 $0x1BCC0;
	[sflag:s30] =	ssyncset.done $0x0  }
0xd3: {  	s14 =	simm.s32 @!p3 $0x5;
	s24 =	simm.s32 @!p3 $0x64;
	[sflag:s30] =	ssyncadd.s32 $0xFFFFE700  }
0xd4: {  	[spmem:s3] =	stream.indirect.scatter.add.f32 @!p3 [tilespmem:s25], [sflag:$0x5], $0x10, s21, s24, $0xb8;
	[tilespmem:$0x1F090] =	vst v63  }
0xd5: {  	_ =	swait.ge @!p3 [sflag:s14], $0x640  }
0xd6: {  	[sflag:s14] =	ssyncset.done @!p3 $0x0  }
0xd7: {  	s25 =	simm.s32 $0x208;
	[sflag:s14] =	ssyncadd.s32 @!p3 $0xFFFFF9C0  }
0xd8: {  	[tilespmem:s7], [sflag:$0x2] =	stream.indirect.gather [hbm4b:s6+s5], $0x40, s25, s5, $0xb8;
	[tilespmem:$0x1F090] =	vst v63  }
0xd9: {  	_ =	swait.ge [sflag:s13], $0x1900  }
0xda: {  	[sflag:s13] =	ssyncset.done $0x0  }
0xdb: {  	s14 =	simm.s32 $0x5210;
	[sflag:s13] =	ssyncadd.s32 $0xFFFFE700  }
0xdc: {  	[spmem:s2] =	stream.indirect.scatter.add.f32 [tilespmem:s8], [sflag:$0x5], $0x40, s14, s5, $0xb8;
	[tilespmem:$0x1F090] =	vst v63  }
0xdd: {  	_ =	swait.ge [sflag:s30], $0x1900  }
0xde: {  	[sflag:s30] =	ssyncset.done $0x0  }
0xdf: {  	[sflag:s30] =	ssyncadd.s32 $0xFFFFE700  }
0xe0: {  	[spmem:s3] =	stream.indirect.scatter.add.f32 @!p2 [tilespmem:s23], [sflag:$0x5], $0x10, s14, s22, $0xb8;
	[tilespmem:$0x1F090] =	vst v63  }
0xe1: {  	_ =	swait.ge @!p2 [sflag:s20], $0x640  }
0xe2: {  	[sflag:s20] =	ssyncset.done @!p2 $0x0  }
0xe3: {  	s29 =	simm.s32 $0x270;
	[sflag:s20] =	ssyncadd.s32 @!p2 $0xFFFFF9C0  }
0xe4: {  	[tilespmem:s8], [sflag:$0x3] =	stream.indirect.gather [hbm4b:s6+s5], $0x40, s29, s5, $0xb8;
	[tilespmem:$0x1F090] =	vst v63  }
0xe5: {  	_ =	swait.ge [sflag:s15], $0x1900  }
0xe6: {  	[sflag:s15] =	ssyncset.done $0x0  }
0xe7: {  	s14 =	simm.s32 $0x5278;
	[sflag:s15] =	ssyncadd.s32 $0xFFFFE700  }
0xe8: {  	[spmem:s2] =	stream.indirect.scatter.add.f32 [tilespmem:s10], [sflag:$0x5], $0x40, s14, s5, $0xb8;
	[tilespmem:$0x1F090] =	vst v63  }
0xe9: {  	_ =	swait.ge [sflag:s30], $0x1900  }
0xea: {  	[sflag:s30] =	ssyncset.done $0x0  }
0xeb: {  	[sflag:s30] =	ssyncadd.s32 $0xFFFFE700  }
0xec: {  	[spmem:s3] =	stream.indirect.scatter.add.f32 @!p2 [tilespmem:s23], [sflag:$0x5], $0x10, s14, s22, $0xb8;
	[tilespmem:$0x1F090] =	vst v63  }
0xed: {  	s21 =	simm.s32 $0x680;
	_ =	swait.ge @!p2 [sflag:s20], $0x640  }
0xee: {  	s23 =	simm.s32 $0x2D8;
	s22 =	simm.s32 $0xFFFFFFA0;
	[sflag:s20] =	ssyncset.done @!p2 $0x0  }
.LBB2_12:
0xef: {  	[sflag:s20] =	ssyncadd.s32 @!p2 $0xFFFFF9C0  }
0xf0: {  	s19 =	sadd.s32 $0x1, s19;
	s14 =	smov.u32 s21;
	s21 =	sadd.s32 $0x680, s21  }
0xf1: {  	[tilespmem:s10], [sflag:$0x4] =	stream.indirect.gather [hbm4b:s6+s5], $0x40, s23, s5, $0xb8;
	[tilespmem:$0x1F090] =	vst v63  }
0xf2: {  	s23 =	sshra.s32 s14, $0x2;
	p3 =	sne.s32 s21, $0x13E80;
	_ =	swait.ge [sflag:s11], $0x1900  }
0xf3: {  	s14 =	sadd.s32 $0x5140, s23;
	[sflag:s11] =	ssyncset.done $0x0  }
0xf4: {  	[sflag:s11] =	ssyncadd.s32 $0xFFFFE700  }
0xf5: {  	[spmem:s2] =	stream.indirect.scatter.add.f32 [tilespmem:s4], [sflag:$0x5], $0x40, s14, s5, $0xb8;
	[tilespmem:$0x1F090] =	vst v63  }
0xf6: {  	p2 =	sgt.u32 s22, $0x63;
	_ =	swait.ge [sflag:s30], $0x1900  }
0xf7: {  	s24 =	simm.s32 @!p2 $0x64;
	s25 =	simm.s32 @!p2 $0x1BCC0;
	[sflag:s30] =	ssyncset.done $0x0  }
0xf8: {  	s20 =	simm.s32 @!p2 $0x5;
	[sflag:s30] =	ssyncadd.s32 $0xFFFFE700  }
0xf9: {  	[spmem:s3] =	stream.indirect.scatter.add.f32 @!p2 [tilespmem:s25], [sflag:$0x5], $0x10, s14, s24, $0xb8;
	[tilespmem:$0x1F090] =	vst v63  }
0xfa: {  	_ =	swait.ge @!p2 [sflag:s20], $0x640  }
0xfb: {  	s14 =	sadd.s32 $0x1A0, s23;
	[sflag:s20] =	ssyncset.done @!p2 $0x0  }
0xfc: {  	[sflag:s20] =	ssyncadd.s32 @!p2 $0xFFFFF9C0  }
0xfd: {  	[tilespmem:s4], [sflag:$0x1] =	stream.indirect.gather [hbm4b:s6+s5], $0x40, s14, s5, $0xb8;
	[tilespmem:$0x1F090] =	vst v63  }
0xfe: {  	_ =	swait.ge [sflag:s12], $0x1900  }
0xff: {  	s14 =	sadd.s32 $0x51A8, s23;
	[sflag:s12] =	ssyncset.done $0x0  }
0x100: {  	[sflag:s12] =	ssyncadd.s32 $0xFFFFE700  }
0x101: {  	[spmem:s2] =	stream.indirect.scatter.add.f32 [tilespmem:s7], [sflag:$0x5], $0x40, s14, s5, $0xb8;
	[tilespmem:$0x1F090] =	vst v63  }
0x102: {  	p4 =	slt.u32 s19, $0x19;
	_ =	swait.ge [sflag:s30], $0x1900  }
0x103: {  	s29 =	simm.s32 @!p4 $0x64;
	s16 =	simm.s32 @!p4 $0x1BCC0;
	[sflag:s30] =	ssyncset.done $0x0  }
0x104: {  	s9 =	simm.s32 @!p4 $0x5;
	[sflag:s30] =	ssyncadd.s32 $0xFFFFE700  }
0x105: {  	[spmem:s3] =	stream.indirect.scatter.add.f32 @!p4 [tilespmem:s16], [sflag:$0x5], $0x10, s14, s29, $0xb8;
	[tilespmem:$0x1F090] =	vst v63  }
0x106: {  	_ =	swait.ge @!p4 [sflag:s9], $0x640  }
0x107: {  	s14 =	sadd.s32 $0x208, s23;
	[sflag:s9] =	ssyncset.done @!p4 $0x0  }
0x108: {  	[sflag:s9] =	ssyncadd.s32 @!p4 $0xFFFFF9C0  }
0x109: {  	[tilespmem:s7], [sflag:$0x2] =	stream.indirect.gather [hbm4b:s6+s5], $0x40, s14, s5, $0xb8;
	[tilespmem:$0x1F090] =	vst v63  }
0x10a: {  	_ =	swait.ge [sflag:s13], $0x1900  }
0x10b: {  	s9 =	sadd.s32 $0x5210, s23;
	[sflag:s13] =	ssyncset.done $0x0  }
0x10c: {  	[sflag:s13] =	ssyncadd.s32 $0xFFFFE700  }
0x10d: {  	[spmem:s2] =	stream.indirect.scatter.add.f32 [tilespmem:s8], [sflag:$0x5], $0x40, s9, s5, $0xb8;
	[tilespmem:$0x1F090] =	vst v63  }
0x10e: {  	_ =	swait.ge [sflag:s30], $0x1900  }
0x10f: {  	[sflag:s30] =	ssyncset.done $0x0  }
0x110: {  	[sflag:s30] =	ssyncadd.s32 $0xFFFFE700  }
0x111: {  	[spmem:s3] =	stream.indirect.scatter.add.f32 @!p2 [tilespmem:s25], [sflag:$0x5], $0x10, s9, s24, $0xb8;
	[tilespmem:$0x1F090] =	vst v63  }
0x112: {  	_ =	swait.ge @!p2 [sflag:s20], $0x640  }
0x113: {  	s9 =	sadd.s32 $0x270, s23;
	[sflag:s20] =	ssyncset.done @!p2 $0x0  }
0x114: {  	[sflag:s20] =	ssyncadd.s32 @!p2 $0xFFFFF9C0  }
0x115: {  	[tilespmem:s8], [sflag:$0x3] =	stream.indirect.gather [hbm4b:s6+s5], $0x40, s9, s5, $0xb8;
	[tilespmem:$0x1F090] =	vst v63  }
0x116: {  	_ =	swait.ge [sflag:s15], $0x1900  }
0x117: {  	s9 =	sadd.s32 $0x5278, s23;
	[sflag:s15] =	ssyncset.done $0x0  }
0x118: {  	[sflag:s15] =	ssyncadd.s32 $0xFFFFE700  }
0x119: {  	[spmem:s2] =	stream.indirect.scatter.add.f32 [tilespmem:s10], [sflag:$0x5], $0x40, s9, s5, $0xb8;
	[tilespmem:$0x1F090] =	vst v63  }
0x11a: {  	_ =	swait.ge [sflag:s30], $0x1900  }
.Ltmp6:
0x11b: {  	[sflag:s30] =	ssyncset.done $0x0;
	(pc) =	sbr.rel @p3 .LBB2_12-.Ltmp6, $4  }
0x11c: {  	[sflag:s30] =	ssyncadd.s32 $0xFFFFE700  }
0x11d: {  	[spmem:s3] =	stream.indirect.scatter.add.f32 @!p2 [tilespmem:s25], [sflag:$0x5], $0x10, s9, s24, $0xb8;
	[tilespmem:$0x1F090] =	vst v63  }
0x11e: {  	_ =	swait.ge @!p2 [sflag:s20], $0x640  }
0x11f: {  	s22 =	sadd.s32 $0x4, s22;
	s23 =	sadd.s32 $0x2D8, s23;
	[sflag:s20] =	ssyncset.done @!p2 $0x0  }
0x120: {  	[sflag:s20] =	ssyncadd.s32 @!p2 $0xFFFFF9C0  }
0x121: {  	[tilespmem:s10], [sflag:$0x4] =	stream.indirect.gather [hbm4b:s6+s5], $0x40, s23, s5, $0xb8;
	[tilespmem:$0x1F090] =	vst v63  }
0x122: {  	_ =	swait.ge [sflag:s11], $0x1900  }
0x123: {  	[sflag:s11] =	ssyncset.done $0x0  }
0x124: {  	s9 =	simm.s32 $0xA0E0;
	[sflag:s11] =	ssyncadd.s32 $0xFFFFE700  }
0x125: {  	[spmem:s2] =	stream.indirect.scatter.add.f32 [tilespmem:s4], [sflag:$0x5], $0x40, s9, s5, $0xb8;
	[tilespmem:$0x1F090] =	vst v63  }
0x126: {  	_ =	swait.ge [sflag:s30], $0x1900  }
0x127: {  	[sflag:s30] =	ssyncset.done $0x0  }
0x128: {  	s14 =	simm.s32 $0x1BCC0;
	[sflag:s30] =	ssyncadd.s32 $0xFFFFE700  }
0x129: {  	[spmem:s3] =	stream.indirect.scatter.add.f32 [tilespmem:s14], [sflag:$0x5], $0x10, s9, s5, $0xb8;
	[tilespmem:$0x1F090] =	vst v63  }
0x12a: {  	_ =	swait.ge [sflag:s30], $0x640  }
0x12b: {  	[sflag:s30] =	ssyncset.done $0x0  }
0x12c: {  	[sflag:s30] =	ssyncadd.s32 $0xFFFFF9C0  }
0x12d: {  	_ =	swait.ge [sflag:s12], $0x1900  }
0x12e: {  	[sflag:s12] =	ssyncset.done $0x0  }
0x12f: {  	s23 =	simm.s32 $0xA148;
	[sflag:s12] =	ssyncadd.s32 $0xFFFFE700  }
0x130: {  	[spmem:s2] =	stream.indirect.scatter.add.f32 [tilespmem:s7], [sflag:$0x5], $0x40, s23, s5, $0xb8;
	[tilespmem:$0x1F090] =	vst v63  }
0x131: {  	_ =	swait.ge [sflag:s30], $0x1900  }
0x132: {  	[sflag:s30] =	ssyncset.done $0x0  }
0x133: {  	[sflag:s30] =	ssyncadd.s32 $0xFFFFE700  }
0x134: {  	[spmem:s3] =	stream.indirect.scatter.add.f32 [tilespmem:s14], [sflag:$0x5], $0x10, s23, s5, $0xb8;
	[tilespmem:$0x1F090] =	vst v63  }
0x135: {  	_ =	swait.ge [sflag:s30], $0x640  }
0x136: {  	[sflag:s30] =	ssyncset.done $0x0  }
0x137: {  	[sflag:s30] =	ssyncadd.s32 $0xFFFFF9C0  }
0x138: {  	_ =	swait.ge [sflag:s13], $0x1900  }
0x139: {  	[sflag:s13] =	ssyncset.done $0x0  }
0x13a: {  	s24 =	simm.s32 $0xA1B0;
	[sflag:s13] =	ssyncadd.s32 $0xFFFFE700  }
0x13b: {  	[spmem:s2] =	stream.indirect.scatter.add.f32 [tilespmem:s8], [sflag:$0x5], $0x40, s24, s5, $0xb8;
	[tilespmem:$0x1F090] =	vst v63  }
0x13c: {  	_ =	swait.ge [sflag:s30], $0x1900  }
0x13d: {  	[sflag:s30] =	ssyncset.done $0x0  }
0x13e: {  	[sflag:s30] =	ssyncadd.s32 $0xFFFFE700  }
0x13f: {  	[spmem:s3] =	stream.indirect.scatter.add.f32 [tilespmem:s14], [sflag:$0x5], $0x10, s24, s5, $0xb8;
	[tilespmem:$0x1F090] =	vst v63  }
0x140: {  	_ =	swait.ge [sflag:s30], $0x640  }
0x141: {  	[sflag:s30] =	ssyncset.done $0x0  }
0x142: {  	[sflag:s30] =	ssyncadd.s32 $0xFFFFF9C0  }
0x143: {  	_ =	swait.ge [sflag:s15], $0x1900  }
0x144: {  	[sflag:s15] =	ssyncset.done $0x0  }
0x145: {  	s25 =	simm.s32 $0xA218;
	[sflag:s15] =	ssyncadd.s32 $0xFFFFE700  }
0x146: {  	[spmem:s2] =	stream.indirect.scatter.add.f32 [tilespmem:s10], [sflag:$0x5], $0x40, s25, s5, $0xb8;
	[tilespmem:$0x1F090] =	vst v63  }
0x147: {  	_ =	swait.ge [sflag:s30], $0x1900  }
0x148: {  	[sflag:s30] =	ssyncset.done $0x0  }
.Ltmp7:
0x149: {  	[sflag:s30] =	ssyncadd.s32 $0xFFFFE700;
	(pc) =	sbr.rel .LBB2_14-.Ltmp7, $4  }
0x14a: {  	[spmem:s3] =	stream.indirect.scatter.add.f32 [tilespmem:s14], [sflag:$0x5], $0x10, s25, s5, $0xb8;
	[tilespmem:$0x1F090] =	vst v63  }
0x14b: {  	_ =	swait.ge [sflag:s30], $0x640  }
0x14c: {  	[sflag:s30] =	ssyncset.done $0x0  }
0x14d: {  	s29 =	simm.s32 $0x0;
	s22 =	rddreg [dreg:$0x16];
	[sflag:s30] =	ssyncadd.s32 $0xFFFFF9C0  }
.LBB2_8:
0x14e: {  	[tilespmem:s4], [sflag:$0x1] =	stream.indirect.gather [hbm4b:s1+s5], $0x40, s19, s5, $0xb8;
	[tilespmem:$0x1F090] =	vst v63  }
0x14f: {  	s9 =	simm.s32 $0x68  }
0x150: {  	[tilespmem:s7], [sflag:$0x2] =	stream.indirect.gather [hbm4b:s1+s5], $0x40, s9, s5, $0xb8;
	[tilespmem:$0x1F090] =	vst v63  }
0x151: {  	s25 =	simm.s32 $0xD0  }
0x152: {  	[tilespmem:s8], [sflag:$0x3] =	stream.indirect.gather [hbm4b:s1+s5], $0x40, s25, s5, $0xb8;
	[tilespmem:$0x1F090] =	vst v63  }
0x153: {  	s14 =	simm.s32 $0x138  }
0x154: {  	[tilespmem:s10], [sflag:$0x4] =	stream.indirect.gather [hbm4b:s1+s5], $0x40, s14, s5, $0xb8;
	[tilespmem:$0x1F090] =	vst v63  }
0x155: {  	_ =	swait.ge [sflag:s11], $0x1900  }
0x156: {  	[sflag:s11] =	ssyncset.done $0x0  }
0x157: {  	s21 =	simm.s32 $0x5140;
	[sflag:s11] =	ssyncadd.s32 $0xFFFFE700  }
0x158: {  	[spmem:s2] =	stream.indirect.scatter.add.f32 [tilespmem:s4], [sflag:$0x5], $0x40, s21, s5, $0xb8;
	[tilespmem:$0x1F090] =	vst v63  }
0x159: {  	p2 =	por $0x0, $0x0;
	_ =	swait.ge [sflag:s30], $0x1900  }
0x15a: {  	s22 =	simm.s32 @!p2 $0x64;
	[sflag:s30] =	ssyncset.done $0x0  }
0x15b: {  	s23 =	simm.s32 @!p2 $0x1BCC0;
	s20 =	simm.s32 @!p2 $0x5;
	[sflag:s30] =	ssyncadd.s32 $0xFFFFE700  }
0x15c: {  	[spmem:s3] =	stream.indirect.scatter.add.f32 @!p2 [tilespmem:s23], [sflag:$0x5], $0x10, s21, s22, $0xb8;
	[tilespmem:$0x1F090] =	vst v63  }
0x15d: {  	_ =	swait.ge @!p2 [sflag:s20], $0x640  }
0x15e: {  	[sflag:s20] =	ssyncset.done @!p2 $0x0  }
0x15f: {  	s16 =	simm.s32 $0x1A0;
	[sflag:s20] =	ssyncadd.s32 @!p2 $0xFFFFF9C0  }
0x160: {  	[tilespmem:s4], [sflag:$0x1] =	stream.indirect.gather [hbm4b:s1+s5], $0x40, s16, s5, $0xb8;
	[tilespmem:$0x1F090] =	vst v63  }
0x161: {  	_ =	swait.ge [sflag:s12], $0x1900  }
0x162: {  	[sflag:s12] =	ssyncset.done $0x0  }
0x163: {  	s21 =	simm.s32 $0x51A8;
	[sflag:s12] =	ssyncadd.s32 $0xFFFFE700  }
0x164: {  	[spmem:s2] =	stream.indirect.scatter.add.f32 [tilespmem:s7], [sflag:$0x5], $0x40, s21, s5, $0xb8;
	[tilespmem:$0x1F090] =	vst v63  }
0x165: {  	_ =	swait.ge [sflag:s30], $0x1900  }
0x166: {  	[sflag:s30] =	ssyncset.done $0x0  }
0x167: {  	[sflag:s30] =	ssyncadd.s32 $0xFFFFE700  }
0x168: {  	[spmem:s3] =	stream.indirect.scatter.add.f32 @!p2 [tilespmem:s23], [sflag:$0x5], $0x10, s21, s22, $0xb8;
	[tilespmem:$0x1F090] =	vst v63  }
0x169: {  	_ =	swait.ge @!p2 [sflag:s20], $0x640  }
0x16a: {  	[sflag:s20] =	ssyncset.done @!p2 $0x0  }
0x16b: {  	s24 =	simm.s32 $0x208;
	[sflag:s20] =	ssyncadd.s32 @!p2 $0xFFFFF9C0  }
0x16c: {  	[tilespmem:s7], [sflag:$0x2] =	stream.indirect.gather [hbm4b:s1+s5], $0x40, s24, s5, $0xb8;
	[tilespmem:$0x1F090] =	vst v63  }
0x16d: {  	_ =	swait.ge [sflag:s13], $0x1900  }
0x16e: {  	[sflag:s13] =	ssyncset.done $0x0  }
0x16f: {  	s21 =	simm.s32 $0x5210;
	[sflag:s13] =	ssyncadd.s32 $0xFFFFE700  }
0x170: {  	[spmem:s2] =	stream.indirect.scatter.add.f32 [tilespmem:s8], [sflag:$0x5], $0x40, s21, s5, $0xb8;
	[tilespmem:$0x1F090] =	vst v63  }
0x171: {  	_ =	swait.ge [sflag:s30], $0x1900  }
0x172: {  	[sflag:s30] =	ssyncset.done $0x0  }
0x173: {  	[sflag:s30] =	ssyncadd.s32 $0xFFFFE700  }
0x174: {  	[spmem:s3] =	stream.indirect.scatter.add.f32 @!p2 [tilespmem:s23], [sflag:$0x5], $0x10, s21, s22, $0xb8;
	[tilespmem:$0x1F090] =	vst v63  }
0x175: {  	_ =	swait.ge @!p2 [sflag:s20], $0x640  }
0x176: {  	[sflag:s20] =	ssyncset.done @!p2 $0x0  }
0x177: {  	s25 =	simm.s32 $0x270;
	[sflag:s20] =	ssyncadd.s32 @!p2 $0xFFFFF9C0  }
0x178: {  	[tilespmem:s8], [sflag:$0x3] =	stream.indirect.gather [hbm4b:s1+s5], $0x40, s25, s5, $0xb8;
	[tilespmem:$0x1F090] =	vst v63  }
0x179: {  	_ =	swait.ge [sflag:s15], $0x1900  }
0x17a: {  	[sflag:s15] =	ssyncset.done $0x0  }
0x17b: {  	s21 =	simm.s32 $0x5278;
	[sflag:s15] =	ssyncadd.s32 $0xFFFFE700  }
0x17c: {  	[spmem:s2] =	stream.indirect.scatter.add.f32 [tilespmem:s10], [sflag:$0x5], $0x40, s21, s5, $0xb8;
	[tilespmem:$0x1F090] =	vst v63  }
0x17d: {  	_ =	swait.ge [sflag:s30], $0x1900  }
0x17e: {  	[sflag:s30] =	ssyncset.done $0x0  }
0x17f: {  	[sflag:s30] =	ssyncadd.s32 $0xFFFFE700  }
0x180: {  	[spmem:s3] =	stream.indirect.scatter.add.f32 @!p2 [tilespmem:s23], [sflag:$0x5], $0x10, s21, s22, $0xb8;
	[tilespmem:$0x1F090] =	vst v63  }
0x181: {  	_ =	swait.ge @!p2 [sflag:s20], $0x640  }
0x182: {  	s21 =	simm.s32 $0x680;
	s22 =	simm.s32 $0x2D8;
	[sflag:s20] =	ssyncset.done @!p2 $0x0  }
.LBB2_9:
0x183: {  	[sflag:s20] =	ssyncadd.s32 @!p2 $0xFFFFF9C0  }
0x184: {  	s19 =	sadd.s32 $0x1, s19;
	s20 =	smov.u32 s21;
	s21 =	sadd.s32 $0x680, s21  }
0x185: {  	[tilespmem:s10], [sflag:$0x4] =	stream.indirect.gather [hbm4b:s1+s5], $0x40, s22, s5, $0xb8;
	[tilespmem:$0x1F090] =	vst v63  }
0x186: {  	s22 =	sshra.s32 s20, $0x2;
	p3 =	seq.s32 s21, $0x13E80;
	_ =	swait.ge [sflag:s11], $0x1900  }
0x187: {  	s25 =	sadd.s32 $0x5140, s22;
	[sflag:s11] =	ssyncset.done $0x0  }
0x188: {  	[sflag:s11] =	ssyncadd.s32 $0xFFFFE700  }
0x189: {  	[spmem:s2] =	stream.indirect.scatter.add.f32 [tilespmem:s4], [sflag:$0x5], $0x40, s25, s5, $0xb8;
	[tilespmem:$0x1F090] =	vst v63  }
0x18a: {  	p2 =	sgt.u32 s19, $0x18;
	_ =	swait.ge [sflag:s30], $0x1900  }
0x18b: {  	s23 =	simm.s32 @!p2 $0x64;
	s24 =	simm.s32 @!p2 $0x1BCC0;
	[sflag:s30] =	ssyncset.done $0x0  }
0x18c: {  	s20 =	simm.s32 @!p2 $0x5;
	[sflag:s30] =	ssyncadd.s32 $0xFFFFE700  }
0x18d: {  	[spmem:s3] =	stream.indirect.scatter.add.f32 @!p2 [tilespmem:s24], [sflag:$0x5], $0x10, s25, s23, $0xb8;
	[tilespmem:$0x1F090] =	vst v63  }
0x18e: {  	_ =	swait.ge @!p2 [sflag:s20], $0x640  }
0x18f: {  	s25 =	sadd.s32 $0x1A0, s22;
	[sflag:s20] =	ssyncset.done @!p2 $0x0  }
0x190: {  	[sflag:s20] =	ssyncadd.s32 @!p2 $0xFFFFF9C0  }
0x191: {  	[tilespmem:s4], [sflag:$0x1] =	stream.indirect.gather [hbm4b:s1+s5], $0x40, s25, s5, $0xb8;
	[tilespmem:$0x1F090] =	vst v63  }
0x192: {  	_ =	swait.ge [sflag:s12], $0x1900  }
0x193: {  	s25 =	sadd.s32 $0x51A8, s22;
	[sflag:s12] =	ssyncset.done $0x0  }
0x194: {  	[sflag:s12] =	ssyncadd.s32 $0xFFFFE700  }
0x195: {  	[spmem:s2] =	stream.indirect.scatter.add.f32 [tilespmem:s7], [sflag:$0x5], $0x40, s25, s5, $0xb8;
	[tilespmem:$0x1F090] =	vst v63  }
0x196: {  	_ =	swait.ge [sflag:s30], $0x1900  }
0x197: {  	[sflag:s30] =	ssyncset.done $0x0  }
0x198: {  	[sflag:s30] =	ssyncadd.s32 $0xFFFFE700  }
0x199: {  	[spmem:s3] =	stream.indirect.scatter.add.f32 @!p2 [tilespmem:s24], [sflag:$0x5], $0x10, s25, s23, $0xb8;
	[tilespmem:$0x1F090] =	vst v63  }
0x19a: {  	_ =	swait.ge @!p2 [sflag:s20], $0x640  }
0x19b: {  	s25 =	sadd.s32 $0x208, s22;
	[sflag:s20] =	ssyncset.done @!p2 $0x0  }
0x19c: {  	[sflag:s20] =	ssyncadd.s32 @!p2 $0xFFFFF9C0  }
0x19d: {  	[tilespmem:s7], [sflag:$0x2] =	stream.indirect.gather [hbm4b:s1+s5], $0x40, s25, s5, $0xb8;
	[tilespmem:$0x1F090] =	vst v63  }
0x19e: {  	_ =	swait.ge [sflag:s13], $0x1900  }
0x19f: {  	s25 =	sadd.s32 $0x5210, s22;
	[sflag:s13] =	ssyncset.done $0x0  }
0x1a0: {  	[sflag:s13] =	ssyncadd.s32 $0xFFFFE700  }
0x1a1: {  	[spmem:s2] =	stream.indirect.scatter.add.f32 [tilespmem:s8], [sflag:$0x5], $0x40, s25, s5, $0xb8;
	[tilespmem:$0x1F090] =	vst v63  }
0x1a2: {  	_ =	swait.ge [sflag:s30], $0x1900  }
0x1a3: {  	[sflag:s30] =	ssyncset.done $0x0  }
0x1a4: {  	[sflag:s30] =	ssyncadd.s32 $0xFFFFE700  }
0x1a5: {  	[spmem:s3] =	stream.indirect.scatter.add.f32 @!p2 [tilespmem:s24], [sflag:$0x5], $0x10, s25, s23, $0xb8;
	[tilespmem:$0x1F090] =	vst v63  }
0x1a6: {  	_ =	swait.ge @!p2 [sflag:s20], $0x640  }
0x1a7: {  	s25 =	sadd.s32 $0x270, s22;
	[sflag:s20] =	ssyncset.done @!p2 $0x0  }
0x1a8: {  	[sflag:s20] =	ssyncadd.s32 @!p2 $0xFFFFF9C0  }
0x1a9: {  	[tilespmem:s8], [sflag:$0x3] =	stream.indirect.gather [hbm4b:s1+s5], $0x40, s25, s5, $0xb8;
	[tilespmem:$0x1F090] =	vst v63  }
0x1aa: {  	_ =	swait.ge [sflag:s15], $0x1900  }
0x1ab: {  	s25 =	sadd.s32 $0x5278, s22;
	[sflag:s15] =	ssyncset.done $0x0  }
0x1ac: {  	[sflag:s15] =	ssyncadd.s32 $0xFFFFE700  }
0x1ad: {  	[spmem:s2] =	stream.indirect.scatter.add.f32 [tilespmem:s10], [sflag:$0x5], $0x40, s25, s5, $0xb8;
	[tilespmem:$0x1F090] =	vst v63  }
0x1ae: {  	_ =	swait.ge [sflag:s30], $0x1900  }
.Ltmp8:
0x1af: {  	[sflag:s30] =	ssyncset.done $0x0;
	(pc) =	sbr.rel @!p3 .LBB2_9-.Ltmp8, $4  }
0x1b0: {  	[sflag:s30] =	ssyncadd.s32 $0xFFFFE700  }
0x1b1: {  	[spmem:s3] =	stream.indirect.scatter.add.f32 @!p2 [tilespmem:s24], [sflag:$0x5], $0x10, s25, s23, $0xb8;
	[tilespmem:$0x1F090] =	vst v63  }
0x1b2: {  	_ =	swait.ge @!p2 [sflag:s20], $0x640  }
0x1b3: {  	s22 =	sadd.s32 $0x2D8, s22;
	[sflag:s20] =	ssyncset.done @!p2 $0x0  }
.Ltmp9:
0x1b4: {  	_ = 	snop;
	(pc) =	sbr.rel .LBB2_10-.Ltmp9, $1  }
0x1b5: {  	_ =	sdelay $0x3  }
.LBB2_15:
0x1b6: {  	_ =	sfence.sel $0x180000  }
0x1b7: {  	[bflag:$0x0] =	sbarrier.arrive $0xFFFF  }
0x1b8: {  	_ =	strace $0x90000047  }
0x1b9: {  	[bflag:$0x2] =	sbarrier.arrive $0xFFFF  }
0x1ba: {  	s0 =	rddreg [dreg:$0x4]  }
0x1bb: {  	s0 =	sadd.s32 @!p1 $0x100000, s0  }
0x1bc: {  	[sflag:s0] =	ssyncadd.tile.s32 @!p1 $0x1;
	_ =	shalt  }
.Lfunc_end2:
_tile_overlayer_lowered:
.L_overlay_start_2:
0x1bd: {  	(tag) =	ssettag $0x2  }
0x1be: {  	s0 =	rddreg [dreg:$0x0];
	s2 =	stileid.u32  }
0x1bf: {  	s1 =	rddreg [dreg:$0x1];
	p0 =	sne.s32 s2, $0x0  }
0x1c0: {  	s3 =	rddreg [dreg:$0x2];
	[bflag:$0x3] =	sbarrier.arrive $0xFFFF;
	s2 =	simm.s32 @!p0 $0x1C05  }
0x1c1: {  	[timem:s3], [sflag:s2] =	dma.local @!p0 [hbm:s0], s1  }
0x1c2: {  	s0 =	simm.s32 @!p0 $0x5  }
0x1c3: {  	_ =	swait.ge @!p0 [sflag:s0], s1  }
0x1c4: {  	s1 =	ssub.s32 @!p0 $0x0, s1;
	[sflag:s0] =	ssyncset.done @!p0 $0x0  }
0x1c5: {  	[sflag:s0] =	ssyncadd.s32 @!p0 s1  }
0x1c6: {  	[bflag:$0x3] =	sbarrier.arrive $0xFFFF  }
0x1c7: {  	_ =	shalt  }

</sc_bundles>
